<compile_context>
chip_gen: v7x
topology: tpu7x:2x2x1
jax: 0.10.2.dev20260603
libtpu: 0.0.44.dev20260713+nightly
codegen_flags: <defaults>
</compile_context>

<pallas_src>
import functools

import jax
import jax.numpy as jnp
from jax import lax
from jax.experimental import pallas as pl
from jax.experimental.pallas import tpu as pltpu
from jax.experimental.pallas import tpu_sc as plsc

BATCH = 16384
DIM = 32
LANES = 16
NUM_WORKERS = 32
B_PER_W = BATCH // NUM_WORKERS
CHUNK = 256
N_CHUNKS = B_PER_W // CHUNK


def _dot_kernel(gidx_hbm, sidx_hbm, wg_hbm, ws_hbm, out_hbm,
                gidx_v, sidx_v, grows_v, srows_v, tbuf_v, out_v,
                sem_g, sem_s):
    wid = lax.axis_index("s") * 2 + lax.axis_index("c")
    base = wid * B_PER_W

    pltpu.sync_copy(gidx_hbm.at[pl.ds(base, B_PER_W)], gidx_v)
    pltpu.sync_copy(sidx_hbm.at[pl.ds(base, B_PER_W)], sidx_v)

    lane = lax.iota(jnp.int32, LANES)
    lo = pl.ds(0, LANES)
    hi = pl.ds(LANES, LANES)

    for c in range(N_CHUNKS):
        def issue(k, carry):
            giv = gidx_v[pl.ds(c * CHUNK + k * LANES, LANES)]
            siv = sidx_v[pl.ds(c * CHUNK + k * LANES, LANES)]
            for l in range(LANES):
                dst = pl.ds(k * LANES + l, 1)
                pltpu.async_copy(
                    wg_hbm.at[pl.ds(giv[l], 1), :], grows_v.at[dst, :], sem_g)
                pltpu.async_copy(
                    ws_hbm.at[pl.ds(siv[l], 1), :], srows_v.at[dst, :], sem_s)
            return carry

        lax.fori_loop(0, CHUNK // LANES, issue, 0)
        pltpu.make_async_copy(
            wg_hbm.at[pl.ds(0, CHUNK), :], grows_v, sem_g).wait()
        pltpu.make_async_copy(
            ws_hbm.at[pl.ds(0, CHUNK), :], srows_v, sem_s).wait()

        def group(k, carry):
            for j in range(LANES):
                r = k * LANES + j
                t = (grows_v[r, lo] * srows_v[r, lo]
                     + grows_v[r, hi] * srows_v[r, hi])
                plsc.store_scatter(tbuf_v, [lane * LANES + j], t)
            acc = tbuf_v[pl.ds(0, LANES)]
            for kk in range(1, LANES):
                acc = acc + tbuf_v[pl.ds(kk * LANES, LANES)]
            out_v[pl.ds(c * CHUNK + k * LANES, LANES)] = acc
            return carry

        lax.fori_loop(0, CHUNK // LANES, group, 0)

    pltpu.sync_copy(out_v, out_hbm.at[pl.ds(base, B_PER_W)])


@jax.jit
def _run(gene_indices, spot_indices, W_genes, W_spots):
    k = functools.partial(
        pl.kernel,
        mesh=plsc.VectorSubcoreMesh(core_axis_name="c", subcore_axis_name="s"),
        out_type=jax.ShapeDtypeStruct((BATCH,), jnp.float32),
        compiler_params=pltpu.CompilerParams(
            needs_layout_passes=False, use_tc_tiling_on_sc=True),
        scratch_types=[
            pltpu.VMEM((B_PER_W,), jnp.int32),
            pltpu.VMEM((B_PER_W,), jnp.int32),
            pltpu.VMEM((CHUNK, DIM), jnp.float32),
            pltpu.VMEM((CHUNK, DIM), jnp.float32),
            pltpu.VMEM((LANES * LANES,), jnp.float32),
            pltpu.VMEM((B_PER_W,), jnp.float32),
            pltpu.SemaphoreType.DMA,
            pltpu.SemaphoreType.DMA,
        ],
    )(_dot_kernel)
    return k(gene_indices, spot_indices, W_genes, W_spots)


def kernel(gene_indices, spot_indices, W_genes, W_spots):
    return _run(gene_indices.astype(jnp.int32),
                spot_indices.astype(jnp.int32),
                W_genes, W_spots)

# --- scband reference (transcript-rebuilt; emitter-appended) ---
"""Pipeline reference for scband-nmf-10625749090685 (READ-ONLY COPY).

The authoritative reference and input builder live on the scoring server;
editing this copy changes nothing except your own understanding.
"""

import jax, jax.numpy as jnp
import numpy as np

NUM_GENES = 1000000
NUM_SPOTS = 1000000
LATENT_DIM = 32
BATCH = 16384

def setup_inputs(seed: int = 0) -> dict:
    key = jax.random.key(seed)
    k1, k2, k3, k4 = jax.random.split(key, 4)
    gene_indices = jax.random.randint(k1, (BATCH,), 0, NUM_GENES)
    spot_indices = jax.random.randint(k2, (BATCH,), 0, NUM_SPOTS)
    W_genes = 0.1 * jax.random.normal(k3, (NUM_GENES + 1, LATENT_DIM), dtype=jnp.float32)
    W_spots = 0.1 * jax.random.normal(k4, (NUM_SPOTS + 1, LATENT_DIM), dtype=jnp.float32)
    return {"gene_indices": gene_indices, "spot_indices": spot_indices, "W_genes": W_genes, "W_spots": W_spots}

def reference(gene_indices, spot_indices, W_genes, W_spots):
    gene_embedding = jnp.take(W_genes, gene_indices, axis=0)
    spot_embedding = jnp.take(W_spots, spot_indices, axis=0)
    output = (gene_embedding * spot_embedding).sum(axis=1)
    return output

if __name__ == "__main__":
    import jax
    _d = setup_inputs()
    print(jax.jit(kernel)(*tuple(_d.values())))

</pallas_src>

<mosaic_0001>
#map = affine_map<(d0, d1) -> (0)>
#map1 = affine_map<(d0, d1) -> (0, 0)>
module attributes {stable_mosaic.version = 14 : i64} {
  func.func @_dot_kernel(%arg0: i32, %arg1: i32, %arg2: memref<16384xi32, #tpu.memory_space<hbm>>, %arg3: memref<16384xi32, #tpu.memory_space<hbm>>, %arg4: memref<1000001x32xf32, #tpu.memory_space<hbm>>, %arg5: memref<1000001x32xf32, #tpu.memory_space<hbm>>, %arg6: memref<16384xf32, #tpu.memory_space<hbm>>, %arg7: memref<512xi32, #tpu.memory_space<vmem>>, %arg8: memref<512xi32, #tpu.memory_space<vmem>>, %arg9: memref<256x32xf32, #tpu.memory_space<vmem>>, %arg10: memref<256x32xf32, #tpu.memory_space<vmem>>, %arg11: memref<256xf32, #tpu.memory_space<vmem>>, %arg12: memref<512xf32, #tpu.memory_space<vmem>>, %arg13: memref<!tpu.dma_semaphore, #tpu.memory_space<semaphore_mem>>, %arg14: memref<!tpu.dma_semaphore, #tpu.memory_space<semaphore_mem>>) attributes {dimension_semantics = [#tpu.dimension_semantics<core_parallel>, #tpu.dimension_semantics<subcore_parallel>], iteration_bounds = array<i64: 2, 16>, scalar_prefetch = 0 : i64, scratch_operands = 8 : i64, tpu.core_type = #tpu.core_type<sc_vector_subcore>, window_params = [{transform_indices = #map}, {transform_indices = #map}, {transform_indices = #map1}, {transform_indices = #map1}, {transform_indices = #map}]} {
    %mul3A = arith.constant 2 : i32
    %mul3A_0 = arith.muli %arg1, %mul3A : i32
    %add3A = arith.addi %mul3A_0, %arg0 : i32
    %mul3A_1 = arith.constant 512 : i32
    %mul3A_2 = arith.muli %add3A, %mul3A_1 : i32
    "tpu.region"() ({
      %run_scoped3A = tpu.sem_alloc : memref<!tpu.dma_semaphore, #tpu.memory_space<semaphore_mem>>
      %dma_start3A = tpu.memref_slice %arg2[%mul3A_2] : memref<16384xi32, #tpu.memory_space<hbm>> -> memref<512xi32, #tpu.memory_space<hbm>>
      %dma_start3A_49 = tpu.memref_slice %arg2[%mul3A_2] : memref<16384xi32, #tpu.memory_space<hbm>> -> memref<512xi32, #tpu.memory_space<hbm>>
      tpu.enqueue_dma source(%dma_start3A_49 : memref<512xi32, #tpu.memory_space<hbm>>) target(%arg7 : memref<512xi32, #tpu.memory_space<vmem>>) target_semaphore(%run_scoped3A : memref<!tpu.dma_semaphore, #tpu.memory_space<semaphore_mem>>)
      %dma_wait3A_50 = tpu.memref_slice %arg2[%mul3A_2] : memref<16384xi32, #tpu.memory_space<hbm>> -> memref<512xi32, #tpu.memory_space<hbm>>
      %dma_wait3A_51 = tpu.memref_slice %arg2[%mul3A_2] : memref<16384xi32, #tpu.memory_space<hbm>> -> memref<512xi32, #tpu.memory_space<hbm>>
      tpu.wait_dma2 semaphore(%run_scoped3A : memref<!tpu.dma_semaphore, #tpu.memory_space<semaphore_mem>>) src(%dma_wait3A_51 : memref<512xi32, #tpu.memory_space<hbm>>) dst(%arg7 : memref<512xi32, #tpu.memory_space<vmem>>)
      tpu.yield
    }) : () -> ()
    "tpu.region"() ({
      %run_scoped3A = tpu.sem_alloc : memref<!tpu.dma_semaphore, #tpu.memory_space<semaphore_mem>>
      %dma_start3A = tpu.memref_slice %arg3[%mul3A_2] : memref<16384xi32, #tpu.memory_space<hbm>> -> memref<512xi32, #tpu.memory_space<hbm>>
      %dma_start3A_49 = tpu.memref_slice %arg3[%mul3A_2] : memref<16384xi32, #tpu.memory_space<hbm>> -> memref<512xi32, #tpu.memory_space<hbm>>
      tpu.enqueue_dma source(%dma_start3A_49 : memref<512xi32, #tpu.memory_space<hbm>>) target(%arg8 : memref<512xi32, #tpu.memory_space<vmem>>) target_semaphore(%run_scoped3A : memref<!tpu.dma_semaphore, #tpu.memory_space<semaphore_mem>>)
      %dma_wait3A_50 = tpu.memref_slice %arg3[%mul3A_2] : memref<16384xi32, #tpu.memory_space<hbm>> -> memref<512xi32, #tpu.memory_space<hbm>>
      %dma_wait3A_51 = tpu.memref_slice %arg3[%mul3A_2] : memref<16384xi32, #tpu.memory_space<hbm>> -> memref<512xi32, #tpu.memory_space<hbm>>
      tpu.wait_dma2 semaphore(%run_scoped3A : memref<!tpu.dma_semaphore, #tpu.memory_space<semaphore_mem>>) src(%dma_wait3A_51 : memref<512xi32, #tpu.memory_space<hbm>>) dst(%arg8 : memref<512xi32, #tpu.memory_space<vmem>>)
      tpu.yield
    }) : () -> ()
    %iota3A = tpu.iota {dimensions = array<i32: 0>} : vector<16xi32>
    %scan3A = arith.constant 0 : i32
    %scan3A_3 = arith.constant 0 : i32
    %scan3A_4 = arith.constant 16 : i32
    %scan3A_5 = arith.addi %scan3A_3, %scan3A_4 : i32
    %scan3A_6 = arith.constant 1 : i32
    scf.for %scan3A_49 = %scan3A_3 to %scan3A_5 step %scan3A_6  : i32 {
      %mul3A_50 = arith.constant 16 : i32
      %mul3A_51 = arith.muli %scan3A_49, %mul3A_50 : i32
      %add3A_52 = arith.constant 0 : i32
      %add3A_53 = arith.addi %add3A_52, %mul3A_51 : i32
      %get3A = arith.index_cast %add3A_53 : i32 to index
      %get3A_54 = tpu.vector_load %arg7[%get3A] {strides = array<i32>} : memref<512xi32, #tpu.memory_space<vmem>>, vector<16xi32>,
      %mul3A_55 = arith.constant 16 : i32
      %mul3A_56 = arith.muli %scan3A_49, %mul3A_55 : i32
      %add3A_57 = arith.constant 0 : i32
      %add3A_58 = arith.addi %add3A_57, %mul3A_56 : i32
      %get3A_59 = arith.index_cast %add3A_58 : i32 to index
      %get3A_60 = tpu.vector_load %arg8[%get3A_59] {strides = array<i32>} : memref<512xi32, #tpu.memory_space<vmem>>, vector<16xi32>,
      %mul3A_61 = arith.constant 16 : i32
      %mul3A_62 = arith.muli %scan3A_49, %mul3A_61 : i32
      %add3A_63 = arith.constant 0 : i32
      %add3A_64 = arith.addi %mul3A_62, %add3A_63 : i32
      %slice3A = vector.extract_strided_slice %get3A_54 {offsets = [0], sizes = [1], strides = [1]} : vector<16xi32> to vector<1xi32>
      %squeeze3A = vector.extract %slice3A[0] : i32 from vector<1xi32>
      %dma_start3A = arith.constant 0 : i32
      %dma_start3A_65 = tpu.memref_slice %arg9[%add3A_64, %dma_start3A] : memref<256x32xf32, #tpu.memory_space<vmem>> -> memref<1x32xf32, #tpu.memory_space<vmem>>
      %dma_start3A_66 = arith.constant 0 : i32
      %dma_start3A_67 = tpu.memref_slice %arg4[%squeeze3A, %dma_start3A_66] : memref<1000001x32xf32, #tpu.memory_space<hbm>> -> memref<1x32xf32, #tpu.memory_space<hbm>>
      %dma_start3A_68 = arith.constant 0 : i32
      %dma_start3A_69 = tpu.memref_slice %arg9[%add3A_64, %dma_start3A_68] : memref<256x32xf32, #tpu.memory_space<vmem>> -> memref<1x32xf32, #tpu.memory_space<vmem>>
      %dma_start3A_70 = arith.constant 0 : i32
      %dma_start3A_71 = tpu.memref_slice %arg4[%squeeze3A, %dma_start3A_70] : memref<1000001x32xf32, #tpu.memory_space<hbm>> -> memref<1x32xf32, #tpu.memory_space<hbm>>
      tpu.enqueue_dma source(%dma_start3A_71 : memref<1x32xf32, #tpu.memory_space<hbm>>) target(%dma_start3A_69 : memref<1x32xf32, #tpu.memory_space<vmem>>) target_semaphore(%arg13 : memref<!tpu.dma_semaphore, #tpu.memory_space<semaphore_mem>>)
      %slice3A_72 = vector.extract_strided_slice %get3A_60 {offsets = [0], sizes = [1], strides = [1]} : vector<16xi32> to vector<1xi32>
      %squeeze3A_73 = vector.extract %slice3A_72[0] : i32 from vector<1xi32>
      %dma_start3A_74 = arith.constant 0 : i32
      %dma_start3A_75 = tpu.memref_slice %arg10[%add3A_64, %dma_start3A_74] : memref<256x32xf32, #tpu.memory_space<vmem>> -> memref<1x32xf32, #tpu.memory_space<vmem>>
      %dma_start3A_76 = arith.constant 0 : i32
      %dma_start3A_77 = tpu.memref_slice %arg5[%squeeze3A_73, %dma_start3A_76] : memref<1000001x32xf32, #tpu.memory_space<hbm>> -> memref<1x32xf32, #tpu.memory_space<hbm>>
      %dma_start3A_78 = arith.constant 0 : i32
      %dma_start3A_79 = tpu.memref_slice %arg10[%add3A_64, %dma_start3A_78] : memref<256x32xf32, #tpu.memory_space<vmem>> -> memref<1x32xf32, #tpu.memory_space<vmem>>
      %dma_start3A_80 = arith.constant 0 : i32
      %dma_start3A_81 = tpu.memref_slice %arg5[%squeeze3A_73, %dma_start3A_80] : memref<1000001x32xf32, #tpu.memory_space<hbm>> -> memref<1x32xf32, #tpu.memory_space<hbm>>
      tpu.enqueue_dma source(%dma_start3A_81 : memref<1x32xf32, #tpu.memory_space<hbm>>) target(%dma_start3A_79 : memref<1x32xf32, #tpu.memory_space<vmem>>) target_semaphore(%arg14 : memref<!tpu.dma_semaphore, #tpu.memory_space<semaphore_mem>>)
      %mul3A_82 = arith.constant 16 : i32
      %mul3A_83 = arith.muli %scan3A_49, %mul3A_82 : i32
      %add3A_84 = arith.constant 1 : i32
      %add3A_85 = arith.addi %mul3A_83, %add3A_84 : i32
      %slice3A_86 = vector.extract_strided_slice %get3A_54 {offsets = [1], sizes = [1], strides = [1]} : vector<16xi32> to vector<1xi32>
      %squeeze3A_87 = vector.extract %slice3A_86[0] : i32 from vector<1xi32>
      %dma_start3A_88 = arith.constant 0 : i32
      %dma_start3A_89 = tpu.memref_slice %arg9[%add3A_85, %dma_start3A_88] : memref<256x32xf32, #tpu.memory_space<vmem>> -> memref<1x32xf32, #tpu.memory_space<vmem>>
      %dma_start3A_90 = arith.constant 0 : i32
      %dma_start3A_91 = tpu.memref_slice %arg4[%squeeze3A_87, %dma_start3A_90] : memref<1000001x32xf32, #tpu.memory_space<hbm>> -> memref<1x32xf32, #tpu.memory_space<hbm>>
      %dma_start3A_92 = arith.constant 0 : i32
      %dma_start3A_93 = tpu.memref_slice %arg9[%add3A_85, %dma_start3A_92] : memref<256x32xf32, #tpu.memory_space<vmem>> -> memref<1x32xf32, #tpu.memory_space<vmem>>
      %dma_start3A_94 = arith.constant 0 : i32
      %dma_start3A_95 = tpu.memref_slice %arg4[%squeeze3A_87, %dma_start3A_94] : memref<1000001x32xf32, #tpu.memory_space<hbm>> -> memref<1x32xf32, #tpu.memory_space<hbm>>
      tpu.enqueue_dma source(%dma_start3A_95 : memref<1x32xf32, #tpu.memory_space<hbm>>) target(%dma_start3A_93 : memref<1x32xf32, #tpu.memory_space<vmem>>) target_semaphore(%arg13 : memref<!tpu.dma_semaphore, #tpu.memory_space<semaphore_mem>>)
      %slice3A_96 = vector.extract_strided_slice %get3A_60 {offsets = [1], sizes = [1], strides = [1]} : vector<16xi32> to vector<1xi32>
      %squeeze3A_97 = vector.extract %slice3A_96[0] : i32 from vector<1xi32>
      %dma_start3A_98 = arith.constant 0 : i32
      %dma_start3A_99 = tpu.memref_slice %arg10[%add3A_85, %dma_start3A_98] : memref<256x32xf32, #tpu.memory_space<vmem>> -> memref<1x32xf32, #tpu.memory_space<vmem>>
      %dma_start3A_100 = arith.constant 0 : i32
      %dma_start3A_101 = tpu.memref_slice %arg5[%squeeze3A_97, %dma_start3A_100] : memref<1000001x32xf32, #tpu.memory_space<hbm>> -> memref<1x32xf32, #tpu.memory_space<hbm>>
      %dma_start3A_102 = arith.constant 0 : i32
      %dma_start3A_103 = tpu.memref_slice %arg10[%add3A_85, %dma_start3A_102] : memref<256x32xf32, #tpu.memory_space<vmem>> -> memref<1x32xf32, #tpu.memory_space<vmem>>
      %dma_start3A_104 = arith.constant 0 : i32
      %dma_start3A_105 = tpu.memref_slice %arg5[%squeeze3A_97, %dma_start3A_104] : memref<1000001x32xf32, #tpu.memory_space<hbm>> -> memref<1x32xf32, #tpu.memory_space<hbm>>
      tpu.enqueue_dma source(%dma_start3A_105 : memref<1x32xf32, #tpu.memory_space<hbm>>) target(%dma_start3A_103 : memref<1x32xf32, #tpu.memory_space<vmem>>) target_semaphore(%arg14 : memref<!tpu.dma_semaphore, #tpu.memory_space<semaphore_mem>>)
      %mul3A_106 = arith.constant 16 : i32
      %mul3A_107 = arith.muli %scan3A_49, %mul3A_106 : i32
      %add3A_108 = arith.constant 2 : i32
      %add3A_109 = arith.addi %mul3A_107, %add3A_108 : i32
      %slice3A_110 = vector.extract_strided_slice %get3A_54 {offsets = [2], sizes = [1], strides = [1]} : vector<16xi32> to vector<1xi32>
      %squeeze3A_111 = vector.extract %slice3A_110[0] : i32 from vector<1xi32>
      %dma_start3A_112 = arith.constant 0 : i32
      %dma_start3A_113 = tpu.memref_slice %arg9[%add3A_109, %dma_start3A_112] : memref<256x32xf32, #tpu.memory_space<vmem>> -> memref<1x32xf32, #tpu.memory_space<vmem>>
      %dma_start3A_114 = arith.constant 0 : i32
      %dma_start3A_115 = tpu.memref_slice %arg4[%squeeze3A_111, %dma_start3A_114] : memref<1000001x32xf32, #tpu.memory_space<hbm>> -> memref<1x32xf32, #tpu.memory_space<hbm>>
      %dma_start3A_116 = arith.constant 0 : i32
      %dma_start3A_117 = tpu.memref_slice %arg9[%add3A_109, %dma_start3A_116] : memref<256x32xf32, #tpu.memory_space<vmem>> -> memref<1x32xf32, #tpu.memory_space<vmem>>
      %dma_start3A_118 = arith.constant 0 : i32
      %dma_start3A_119 = tpu.memref_slice %arg4[%squeeze3A_111, %dma_start3A_118] : memref<1000001x32xf32, #tpu.memory_space<hbm>> -> memref<1x32xf32, #tpu.memory_space<hbm>>
      tpu.enqueue_dma source(%dma_start3A_119 : memref<1x32xf32, #tpu.memory_space<hbm>>) target(%dma_start3A_117 : memref<1x32xf32, #tpu.memory_space<vmem>>) target_semaphore(%arg13 : memref<!tpu.dma_semaphore, #tpu.memory_space<semaphore_mem>>)
      %slice3A_120 = vector.extract_strided_slice %get3A_60 {offsets = [2], sizes = [1], strides = [1]} : vector<16xi32> to vector<1xi32>
      %squeeze3A_121 = vector.extract %slice3A_120[0] : i32 from vector<1xi32>
      %dma_start3A_122 = arith.constant 0 : i32
      %dma_start3A_123 = tpu.memref_slice %arg10[%add3A_109, %dma_start3A_122] : memref<256x32xf32, #tpu.memory_space<vmem>> -> memref<1x32xf32, #tpu.memory_space<vmem>>
      %dma_start3A_124 = arith.constant 0 : i32
      %dma_start3A_125 = tpu.memref_slice %arg5[%squeeze3A_121, %dma_start3A_124] : memref<1000001x32xf32, #tpu.memory_space<hbm>> -> memref<1x32xf32, #tpu.memory_space<hbm>>
      %dma_start3A_126 = arith.constant 0 : i32
      %dma_start3A_127 = tpu.memref_slice %arg10[%add3A_109, %dma_start3A_126] : memref<256x32xf32, #tpu.memory_space<vmem>> -> memref<1x32xf32, #tpu.memory_space<vmem>>
      %dma_start3A_128 = arith.constant 0 : i32
      %dma_start3A_129 = tpu.memref_slice %arg5[%squeeze3A_121, %dma_start3A_128] : memref<1000001x32xf32, #tpu.memory_space<hbm>> -> memref<1x32xf32, #tpu.memory_space<hbm>>
      tpu.enqueue_dma source(%dma_start3A_129 : memref<1x32xf32, #tpu.memory_space<hbm>>) target(%dma_start3A_127 : memref<1x32xf32, #tpu.memory_space<vmem>>) target_semaphore(%arg14 : memref<!tpu.dma_semaphore, #tpu.memory_space<semaphore_mem>>)
      %mul3A_130 = arith.constant 16 : i32
      %mul3A_131 = arith.muli %scan3A_49, %mul3A_130 : i32
      %add3A_132 = arith.constant 3 : i32
      %add3A_133 = arith.addi %mul3A_131, %add3A_132 : i32
      %slice3A_134 = vector.extract_strided_slice %get3A_54 {offsets = [3], sizes = [1], strides = [1]} : vector<16xi32> to vector<1xi32>
      %squeeze3A_135 = vector.extract %slice3A_134[0] : i32 from vector<1xi32>
      %dma_start3A_136 = arith.constant 0 : i32
      %dma_start3A_137 = tpu.memref_slice %arg9[%add3A_133, %dma_start3A_136] : memref<256x32xf32, #tpu.memory_space<vmem>> -> memref<1x32xf32, #tpu.memory_space<vmem>>
      %dma_start3A_138 = arith.constant 0 : i32
      %dma_start3A_139 = tpu.memref_slice %arg4[%squeeze3A_135, %dma_start3A_138] : memref<1000001x32xf32, #tpu.memory_space<hbm>> -> memref<1x32xf32, #tpu.memory_space<hbm>>
      %dma_start3A_140 = arith.constant 0 : i32
      %dma_start3A_141 = tpu.memref_slice %arg9[%add3A_133, %dma_start3A_140] : memref<256x32xf32, #tpu.memory_space<vmem>> -> memref<1x32xf32, #tpu.memory_space<vmem>>
      %dma_start3A_142 = arith.constant 0 : i32
      %dma_start3A_143 = tpu.memref_slice %arg4[%squeeze3A_135, %dma_start3A_142] : memref<1000001x32xf32, #tpu.memory_space<hbm>> -> memref<1x32xf32, #tpu.memory_space<hbm>>
      tpu.enqueue_dma source(%dma_start3A_143 : memref<1x32xf32, #tpu.memory_space<hbm>>) target(%dma_start3A_141 : memref<1x32xf32, #tpu.memory_space<vmem>>) target_semaphore(%arg13 : memref<!tpu.dma_semaphore, #tpu.memory_space<semaphore_mem>>)
      %slice3A_144 = vector.extract_strided_slice %get3A_60 {offsets = [3], sizes = [1], strides = [1]} : vector<16xi32> to vector<1xi32>
      %squeeze3A_145 = vector.extract %slice3A_144[0] : i32 from vector<1xi32>
      %dma_start3A_146 = arith.constant 0 : i32
      %dma_start3A_147 = tpu.memref_slice %arg10[%add3A_133, %dma_start3A_146] : memref<256x32xf32, #tpu.memory_space<vmem>> -> memref<1x32xf32, #tpu.memory_space<vmem>>
      %dma_start3A_148 = arith.constant 0 : i32
      %dma_start3A_149 = tpu.memref_slice %arg5[%squeeze3A_145, %dma_start3A_148] : memref<1000001x32xf32, #tpu.memory_space<hbm>> -> memref<1x32xf32, #tpu.memory_space<hbm>>
      %dma_start3A_150 = arith.constant 0 : i32
      %dma_start3A_151 = tpu.memref_slice %arg10[%add3A_133, %dma_start3A_150] : memref<256x32xf32, #tpu.memory_space<vmem>> -> memref<1x32xf32, #tpu.memory_space<vmem>>
      %dma_start3A_152 = arith.constant 0 : i32
      %dma_start3A_153 = tpu.memref_slice %arg5[%squeeze3A_145, %dma_start3A_152] : memref<1000001x32xf32, #tpu.memory_space<hbm>> -> memref<1x32xf32, #tpu.memory_space<hbm>>
      tpu.enqueue_dma source(%dma_start3A_153 : memref<1x32xf32, #tpu.memory_space<hbm>>) target(%dma_start3A_151 : memref<1x32xf32, #tpu.memory_space<vmem>>) target_semaphore(%arg14 : memref<!tpu.dma_semaphore, #tpu.memory_space<semaphore_mem>>)
      %mul3A_154 = arith.constant 16 : i32
      %mul3A_155 = arith.muli %scan3A_49, %mul3A_154 : i32
      %add3A_156 = arith.constant 4 : i32
      %add3A_157 = arith.addi %mul3A_155, %add3A_156 : i32
      %slice3A_158 = vector.extract_strided_slice %get3A_54 {offsets = [4], sizes = [1], strides = [1]} : vector<16xi32> to vector<1xi32>
      %squeeze3A_159 = vector.extract %slice3A_158[0] : i32 from vector<1xi32>
      %dma_start3A_160 = arith.constant 0 : i32
      %dma_start3A_161 = tpu.memref_slice %arg9[%add3A_157, %dma_start3A_160] : memref<256x32xf32, #tpu.memory_space<vmem>> -> memref<1x32xf32, #tpu.memory_space<vmem>>
      %dma_start3A_162 = arith.constant 0 : i32
      %dma_start3A_163 = tpu.memref_slice %arg4[%squeeze3A_159, %dma_start3A_162] : memref<1000001x32xf32, #tpu.memory_space<hbm>> -> memref<1x32xf32, #tpu.memory_space<hbm>>
      %dma_start3A_164 = arith.constant 0 : i32
      %dma_start3A_165 = tpu.memref_slice %arg9[%add3A_157, %dma_start3A_164] : memref<256x32xf32, #tpu.memory_space<vmem>> -> memref<1x32xf32, #tpu.memory_space<vmem>>
      %dma_start3A_166 = arith.constant 0 : i32
      %dma_start3A_167 = tpu.memref_slice %arg4[%squeeze3A_159, %dma_start3A_166] : memref<1000001x32xf32, #tpu.memory_space<hbm>> -> memref<1x32xf32, #tpu.memory_space<hbm>>
      tpu.enqueue_dma source(%dma_start3A_167 : memref<1x32xf32, #tpu.memory_space<hbm>>) target(%dma_start3A_165 : memref<1x32xf32, #tpu.memory_space<vmem>>) target_semaphore(%arg13 : memref<!tpu.dma_semaphore, #tpu.memory_space<semaphore_mem>>)
      %slice3A_168 = vector.extract_strided_slice %get3A_60 {offsets = [4], sizes = [1], strides = [1]} : vector<16xi32> to vector<1xi32>
      %squeeze3A_169 = vector.extract %slice3A_168[0] : i32 from vector<1xi32>
      %dma_start3A_170 = arith.constant 0 : i32
      %dma_start3A_171 = tpu.memref_slice %arg10[%add3A_157, %dma_start3A_170] : memref<256x32xf32, #tpu.memory_space<vmem>> -> memref<1x32xf32, #tpu.memory_space<vmem>>
      %dma_start3A_172 = arith.constant 0 : i32
      %dma_start3A_173 = tpu.memref_slice %arg5[%squeeze3A_169, %dma_start3A_172] : memref<1000001x32xf32, #tpu.memory_space<hbm>> -> memref<1x32xf32, #tpu.memory_space<hbm>>
      %dma_start3A_174 = arith.constant 0 : i32
      %dma_start3A_175 = tpu.memref_slice %arg10[%add3A_157, %dma_start3A_174] : memref<256x32xf32, #tpu.memory_space<vmem>> -> memref<1x32xf32, #tpu.memory_space<vmem>>
      %dma_start3A_176 = arith.constant 0 : i32
      %dma_start3A_177 = tpu.memref_slice %arg5[%squeeze3A_169, %dma_start3A_176] : memref<1000001x32xf32, #tpu.memory_space<hbm>> -> memref<1x32xf32, #tpu.memory_space<hbm>>
      tpu.enqueue_dma source(%dma_start3A_177 : memref<1x32xf32, #tpu.memory_space<hbm>>) target(%dma_start3A_175 : memref<1x32xf32, #tpu.memory_space<vmem>>) target_semaphore(%arg14 : memref<!tpu.dma_semaphore, #tpu.memory_space<semaphore_mem>>)
      %mul3A_178 = arith.constant 16 : i32
      %mul3A_179 = arith.muli %scan3A_49, %mul3A_178 : i32
      %add3A_180 = arith.constant 5 : i32
      %add3A_181 = arith.addi %mul3A_179, %add3A_180 : i32
      %slice3A_182 = vector.extract_strided_slice %get3A_54 {offsets = [5], sizes = [1], strides = [1]} : vector<16xi32> to vector<1xi32>
      %squeeze3A_183 = vector.extract %slice3A_182[0] : i32 from vector<1xi32>
      %dma_start3A_184 = arith.constant 0 : i32
      %dma_start3A_185 = tpu.memref_slice %arg9[%add3A_181, %dma_start3A_184] : memref<256x32xf32, #tpu.memory_space<vmem>> -> memref<1x32xf32, #tpu.memory_space<vmem>>
      %dma_start3A_186 = arith.constant 0 : i32
      %dma_start3A_187 = tpu.memref_slice %arg4[%squeeze3A_183, %dma_start3A_186] : memref<1000001x32xf32, #tpu.memory_space<hbm>> -> memref<1x32xf32, #tpu.memory_space<hbm>>
      %dma_start3A_188 = arith.constant 0 : i32
      %dma_start3A_189 = tpu.memref_slice %arg9[%add3A_181, %dma_start3A_188] : memref<256x32xf32, #tpu.memory_space<vmem>> -> memref<1x32xf32, #tpu.memory_space<vmem>>
      %dma_start3A_190 = arith.constant 0 : i32
      %dma_start3A_191 = tpu.memref_slice %arg4[%squeeze3A_183, %dma_start3A_190] : memref<1000001x32xf32, #tpu.memory_space<hbm>> -> memref<1x32xf32, #tpu.memory_space<hbm>>
      tpu.enqueue_dma source(%dma_start3A_191 : memref<1x32xf32, #tpu.memory_space<hbm>>) target(%dma_start3A_189 : memref<1x32xf32, #tpu.memory_space<vmem>>) target_semaphore(%arg13 : memref<!tpu.dma_semaphore, #tpu.memory_space<semaphore_mem>>)
      %slice3A_192 = vector.extract_strided_slice %get3A_60 {offsets = [5], sizes = [1], strides = [1]} : vector<16xi32> to vector<1xi32>
      %squeeze3A_193 = vector.extract %slice3A_192[0] : i32 from vector<1xi32>
      %dma_start3A_194 = arith.constant 0 : i32
      %dma_start3A_195 = tpu.memref_slice %arg10[%add3A_181, %dma_start3A_194] : memref<256x32xf32, #tpu.memory_space<vmem>> -> memref<1x32xf32, #tpu.memory_space<vmem>>
      %dma_start3A_196 = arith.constant 0 : i32
      %dma_start3A_197 = tpu.memref_slice %arg5[%squeeze3A_193, %dma_start3A_196] : memref<1000001x32xf32, #tpu.memory_space<hbm>> -> memref<1x32xf32, #tpu.memory_space<hbm>>
      %dma_start3A_198 = arith.constant 0 : i32
      %dma_start3A_199 = tpu.memref_slice %arg10[%add3A_181, %dma_start3A_198] : memref<256x32xf32, #tpu.memory_space<vmem>> -> memref<1x32xf32, #tpu.memory_space<vmem>>
      %dma_start3A_200 = arith.constant 0 : i32
      %dma_start3A_201 = tpu.memref_slice %arg5[%squeeze3A_193, %dma_start3A_200] : memref<1000001x32xf32, #tpu.memory_space<hbm>> -> memref<1x32xf32, #tpu.memory_space<hbm>>
      tpu.enqueue_dma source(%dma_start3A_201 : memref<1x32xf32, #tpu.memory_space<hbm>>) target(%dma_start3A_199 : memref<1x32xf32, #tpu.memory_space<vmem>>) target_semaphore(%arg14 : memref<!tpu.dma_semaphore, #tpu.memory_space<semaphore_mem>>)
      %mul3A_202 = arith.constant 16 : i32
      %mul3A_203 = arith.muli %scan3A_49, %mul3A_202 : i32
      %add3A_204 = arith.constant 6 : i32
      %add3A_205 = arith.addi %mul3A_203, %add3A_204 : i32
      %slice3A_206 = vector.extract_strided_slice %get3A_54 {offsets = [6], sizes = [1], strides = [1]} : vector<16xi32> to vector<1xi32>
      %squeeze3A_207 = vector.extract %slice3A_206[0] : i32 from vector<1xi32>
      %dma_start3A_208 = arith.constant 0 : i32
      %dma_start3A_209 = tpu.memref_slice %arg9[%add3A_205, %dma_start3A_208] : memref<256x32xf32, #tpu.memory_space<vmem>> -> memref<1x32xf32, #tpu.memory_space<vmem>>
      %dma_start3A_210 = arith.constant 0 : i32
      %dma_start3A_211 = tpu.memref_slice %arg4[%squeeze3A_207, %dma_start3A_210] : memref<1000001x32xf32, #tpu.memory_space<hbm>> -> memref<1x32xf32, #tpu.memory_space<hbm>>
      %dma_start3A_212 = arith.constant 0 : i32
      %dma_start3A_213 = tpu.memref_slice %arg9[%add3A_205, %dma_start3A_212] : memref<256x32xf32, #tpu.memory_space<vmem>> -> memref<1x32xf32, #tpu.memory_space<vmem>>
      %dma_start3A_214 = arith.constant 0 : i32
      %dma_start3A_215 = tpu.memref_slice %arg4[%squeeze3A_207, %dma_start3A_214] : memref<1000001x32xf32, #tpu.memory_space<hbm>> -> memref<1x32xf32, #tpu.memory_space<hbm>>
      tpu.enqueue_dma source(%dma_start3A_215 : memref<1x32xf32, #tpu.memory_space<hbm>>) target(%dma_start3A_213 : memref<1x32xf32, #tpu.memory_space<vmem>>) target_semaphore(%arg13 : memref<!tpu.dma_semaphore, #tpu.memory_space<semaphore_mem>>)
      %slice3A_216 = vector.extract_strided_slice %get3A_60 {offsets = [6], sizes = [1], strides = [1]} : vector<16xi32> to vector<1xi32>
      %squeeze3A_217 = vector.extract %slice3A_216[0] : i32 from vector<1xi32>
      %dma_start3A_218 = arith.constant 0 : i32
      %dma_start3A_219 = tpu.memref_slice %arg10[%add3A_205, %dma_start3A_218] : memref<256x32xf32, #tpu.memory_space<vmem>> -> memref<1x32xf32, #tpu.memory_space<vmem>>
      %dma_start3A_220 = arith.constant 0 : i32
      %dma_start3A_221 = tpu.memref_slice %arg5[%squeeze3A_217, %dma_start3A_220] : memref<1000001x32xf32, #tpu.memory_space<hbm>> -> memref<1x32xf32, #tpu.memory_space<hbm>>
      %dma_start3A_222 = arith.constant 0 : i32
      %dma_start3A_223 = tpu.memref_slice %arg10[%add3A_205, %dma_start3A_222] : memref<256x32xf32, #tpu.memory_space<vmem>> -> memref<1x32xf32, #tpu.memory_space<vmem>>
      %dma_start3A_224 = arith.constant 0 : i32
      %dma_start3A_225 = tpu.memref_slice %arg5[%squeeze3A_217, %dma_start3A_224] : memref<1000001x32xf32, #tpu.memory_space<hbm>> -> memref<1x32xf32, #tpu.memory_space<hbm>>
      tpu.enqueue_dma source(%dma_start3A_225 : memref<1x32xf32, #tpu.memory_space<hbm>>) target(%dma_start3A_223 : memref<1x32xf32, #tpu.memory_space<vmem>>) target_semaphore(%arg14 : memref<!tpu.dma_semaphore, #tpu.memory_space<semaphore_mem>>)
      %mul3A_226 = arith.constant 16 : i32
      %mul3A_227 = arith.muli %scan3A_49, %mul3A_226 : i32
      %add3A_228 = arith.constant 7 : i32
      %add3A_229 = arith.addi %mul3A_227, %add3A_228 : i32
      %slice3A_230 = vector.extract_strided_slice %get3A_54 {offsets = [7], sizes = [1], strides = [1]} : vector<16xi32> to vector<1xi32>
      %squeeze3A_231 = vector.extract %slice3A_230[0] : i32 from vector<1xi32>
      %dma_start3A_232 = arith.constant 0 : i32
      %dma_start3A_233 = tpu.memref_slice %arg9[%add3A_229, %dma_start3A_232] : memref<256x32xf32, #tpu.memory_space<vmem>> -> memref<1x32xf32, #tpu.memory_space<vmem>>
      %dma_start3A_234 = arith.constant 0 : i32
      %dma_start3A_235 = tpu.memref_slice %arg4[%squeeze3A_231, %dma_start3A_234] : memref<1000001x32xf32, #tpu.memory_space<hbm>> -> memref<1x32xf32, #tpu.memory_space<hbm>>
      %dma_start3A_236 = arith.constant 0 : i32
      %dma_start3A_237 = tpu.memref_slice %arg9[%add3A_229, %dma_start3A_236] : memref<256x32xf32, #tpu.memory_space<vmem>> -> memref<1x32xf32, #tpu.memory_space<vmem>>
      %dma_start3A_238 = arith.constant 0 : i32
      %dma_start3A_239 = tpu.memref_slice %arg4[%squeeze3A_231, %dma_start3A_238] : memref<1000001x32xf32, #tpu.memory_space<hbm>> -> memref<1x32xf32, #tpu.memory_space<hbm>>
      tpu.enqueue_dma source(%dma_start3A_239 : memref<1x32xf32, #tpu.memory_space<hbm>>) target(%dma_start3A_237 : memref<1x32xf32, #tpu.memory_space<vmem>>) target_semaphore(%arg13 : memref<!tpu.dma_semaphore, #tpu.memory_space<semaphore_mem>>)
      %slice3A_240 = vector.extract_strided_slice %get3A_60 {offsets = [7], sizes = [1], strides = [1]} : vector<16xi32> to vector<1xi32>
      %squeeze3A_241 = vector.extract %slice3A_240[0] : i32 from vector<1xi32>
      %dma_start3A_242 = arith.constant 0 : i32
      %dma_start3A_243 = tpu.memref_slice %arg10[%add3A_229, %dma_start3A_242] : memref<256x32xf32, #tpu.memory_space<vmem>> -> memref<1x32xf32, #tpu.memory_space<vmem>>
      %dma_start3A_244 = arith.constant 0 : i32
      %dma_start3A_245 = tpu.memref_slice %arg5[%squeeze3A_241, %dma_start3A_244] : memref<1000001x32xf32, #tpu.memory_space<hbm>> -> memref<1x32xf32, #tpu.memory_space<hbm>>
      %dma_start3A_246 = arith.constant 0 : i32
      %dma_start3A_247 = tpu.memref_slice %arg10[%add3A_229, %dma_start3A_246] : memref<256x32xf32, #tpu.memory_space<vmem>> -> memref<1x32xf32, #tpu.memory_space<vmem>>
      %dma_start3A_248 = arith.constant 0 : i32
      %dma_start3A_249 = tpu.memref_slice %arg5[%squeeze3A_241, %dma_start3A_248] : memref<1000001x32xf32, #tpu.memory_space<hbm>> -> memref<1x32xf32, #tpu.memory_space<hbm>>
      tpu.enqueue_dma source(%dma_start3A_249 : memref<1x32xf32, #tpu.memory_space<hbm>>) target(%dma_start3A_247 : memref<1x32xf32, #tpu.memory_space<vmem>>) target_semaphore(%arg14 : memref<!tpu.dma_semaphore, #tpu.memory_space<semaphore_mem>>)
      %mul3A_250 = arith.constant 16 : i32
      %mul3A_251 = arith.muli %scan3A_49, %mul3A_250 : i32
      %add3A_252 = arith.constant 8 : i32
      %add3A_253 = arith.addi %mul3A_251, %add3A_252 : i32
      %slice3A_254 = vector.extract_strided_slice %get3A_54 {offsets = [8], sizes = [1], strides = [1]} : vector<16xi32> to vector<1xi32>
      %squeeze3A_255 = vector.extract %slice3A_254[0] : i32 from vector<1xi32>
      %dma_start3A_256 = arith.constant 0 : i32
      %dma_start3A_257 = tpu.memref_slice %arg9[%add3A_253, %dma_start3A_256] : memref<256x32xf32, #tpu.memory_space<vmem>> -> memref<1x32xf32, #tpu.memory_space<vmem>>
      %dma_start3A_258 = arith.constant 0 : i32
      %dma_start3A_259 = tpu.memref_slice %arg4[%squeeze3A_255, %dma_start3A_258] : memref<1000001x32xf32, #tpu.memory_space<hbm>> -> memref<1x32xf32, #tpu.memory_space<hbm>>
      %dma_start3A_260 = arith.constant 0 : i32
      %dma_start3A_261 = tpu.memref_slice %arg9[%add3A_253, %dma_start3A_260] : memref<256x32xf32, #tpu.memory_space<vmem>> -> memref<1x32xf32, #tpu.memory_space<vmem>>
      %dma_start3A_262 = arith.constant 0 : i32
      %dma_start3A_263 = tpu.memref_slice %arg4[%squeeze3A_255, %dma_start3A_262] : memref<1000001x32xf32, #tpu.memory_space<hbm>> -> memref<1x32xf32, #tpu.memory_space<hbm>>
      tpu.enqueue_dma source(%dma_start3A_263 : memref<1x32xf32, #tpu.memory_space<hbm>>) target(%dma_start3A_261 : memref<1x32xf32, #tpu.memory_space<vmem>>) target_semaphore(%arg13 : memref<!tpu.dma_semaphore, #tpu.memory_space<semaphore_mem>>)
      %slice3A_264 = vector.extract_strided_slice %get3A_60 {offsets = [8], sizes = [1], strides = [1]} : vector<16xi32> to vector<1xi32>
      %squeeze3A_265 = vector.extract %slice3A_264[0] : i32 from vector<1xi32>
      %dma_start3A_266 = arith.constant 0 : i32
      %dma_start3A_267 = tpu.memref_slice %arg10[%add3A_253, %dma_start3A_266] : memref<256x32xf32, #tpu.memory_space<vmem>> -> memref<1x32xf32, #tpu.memory_space<vmem>>
      %dma_start3A_268 = arith.constant 0 : i32
      %dma_start3A_269 = tpu.memref_slice %arg5[%squeeze3A_265, %dma_start3A_268] : memref<1000001x32xf32, #tpu.memory_space<hbm>> -> memref<1x32xf32, #tpu.memory_space<hbm>>
      %dma_start3A_270 = arith.constant 0 : i32
      %dma_start3A_271 = tpu.memref_slice %arg10[%add3A_253, %dma_start3A_270] : memref<256x32xf32, #tpu.memory_space<vmem>> -> memref<1x32xf32, #tpu.memory_space<vmem>>
      %dma_start3A_272 = arith.constant 0 : i32
      %dma_start3A_273 = tpu.memref_slice %arg5[%squeeze3A_265, %dma_start3A_272] : memref<1000001x32xf32, #tpu.memory_space<hbm>> -> memref<1x32xf32, #tpu.memory_space<hbm>>
      tpu.enqueue_dma source(%dma_start3A_273 : memref<1x32xf32, #tpu.memory_space<hbm>>) target(%dma_start3A_271 : memref<1x32xf32, #tpu.memory_space<vmem>>) target_semaphore(%arg14 : memref<!tpu.dma_semaphore, #tpu.memory_space<semaphore_mem>>)
      %mul3A_274 = arith.constant 16 : i32
      %mul3A_275 = arith.muli %scan3A_49, %mul3A_274 : i32
      %add3A_276 = arith.constant 9 : i32
      %add3A_277 = arith.addi %mul3A_275, %add3A_276 : i32
      %slice3A_278 = vector.extract_strided_slice %get3A_54 {offsets = [9], sizes = [1], strides = [1]} : vector<16xi32> to vector<1xi32>
      %squeeze3A_279 = vector.extract %slice3A_278[0] : i32 from vector<1xi32>
      %dma_start3A_280 = arith.constant 0 : i32
      %dma_start3A_281 = tpu.memref_slice %arg9[%add3A_277, %dma_start3A_280] : memref<256x32xf32, #tpu.memory_space<vmem>> -> memref<1x32xf32, #tpu.memory_space<vmem>>
      %dma_start3A_282 = arith.constant 0 : i32
      %dma_start3A_283 = tpu.memref_slice %arg4[%squeeze3A_279, %dma_start3A_282] : memref<1000001x32xf32, #tpu.memory_space<hbm>> -> memref<1x32xf32, #tpu.memory_space<hbm>>
      %dma_start3A_284 = arith.constant 0 : i32
      %dma_start3A_285 = tpu.memref_slice %arg9[%add3A_277, %dma_start3A_284] : memref<256x32xf32, #tpu.memory_space<vmem>> -> memref<1x32xf32, #tpu.memory_space<vmem>>
      %dma_start3A_286 = arith.constant 0 : i32
      %dma_start3A_287 = tpu.memref_slice %arg4[%squeeze3A_279, %dma_start3A_286] : memref<1000001x32xf32, #tpu.memory_space<hbm>> -> memref<1x32xf32, #tpu.memory_space<hbm>>
      tpu.enqueue_dma source(%dma_start3A_287 : memref<1x32xf32, #tpu.memory_space<hbm>>) target(%dma_start3A_285 : memref<1x32xf32, #tpu.memory_space<vmem>>) target_semaphore(%arg13 : memref<!tpu.dma_semaphore, #tpu.memory_space<semaphore_mem>>)
      %slice3A_288 = vector.extract_strided_slice %get3A_60 {offsets = [9], sizes = [1], strides = [1]} : vector<16xi32> to vector<1xi32>
      %squeeze3A_289 = vector.extract %slice3A_288[0] : i32 from vector<1xi32>
      %dma_start3A_290 = arith.constant 0 : i32
      %dma_start3A_291 = tpu.memref_slice %arg10[%add3A_277, %dma_start3A_290] : memref<256x32xf32, #tpu.memory_space<vmem>> -> memref<1x32xf32, #tpu.memory_space<vmem>>
      %dma_start3A_292 = arith.constant 0 : i32
      %dma_start3A_293 = tpu.memref_slice %arg5[%squeeze3A_289, %dma_start3A_292] : memref<1000001x32xf32, #tpu.memory_space<hbm>> -> memref<1x32xf32, #tpu.memory_space<hbm>>
      %dma_start3A_294 = arith.constant 0 : i32
      %dma_start3A_295 = tpu.memref_slice %arg10[%add3A_277, %dma_start3A_294] : memref<256x32xf32, #tpu.memory_space<vmem>> -> memref<1x32xf32, #tpu.memory_space<vmem>>
      %dma_start3A_296 = arith.constant 0 : i32
      %dma_start3A_297 = tpu.memref_slice %arg5[%squeeze3A_289, %dma_start3A_296] : memref<1000001x32xf32, #tpu.memory_space<hbm>> -> memref<1x32xf32, #tpu.memory_space<hbm>>
      tpu.enqueue_dma source(%dma_start3A_297 : memref<1x32xf32, #tpu.memory_space<hbm>>) target(%dma_start3A_295 : memref<1x32xf32, #tpu.memory_space<vmem>>) target_semaphore(%arg14 : memref<!tpu.dma_semaphore, #tpu.memory_space<semaphore_mem>>)
      %mul3A_298 = arith.constant 16 : i32
      %mul3A_299 = arith.muli %scan3A_49, %mul3A_298 : i32
      %add3A_300 = arith.constant 10 : i32
      %add3A_301 = arith.addi %mul3A_299, %add3A_300 : i32
      %slice3A_302 = vector.extract_strided_slice %get3A_54 {offsets = [10], sizes = [1], strides = [1]} : vector<16xi32> to vector<1xi32>
      %squeeze3A_303 = vector.extract %slice3A_302[0] : i32 from vector<1xi32>
      %dma_start3A_304 = arith.constant 0 : i32
      %dma_start3A_305 = tpu.memref_slice %arg9[%add3A_301, %dma_start3A_304] : memref<256x32xf32, #tpu.memory_space<vmem>> -> memref<1x32xf32, #tpu.memory_space<vmem>>
      %dma_start3A_306 = arith.constant 0 : i32
      %dma_start3A_307 = tpu.memref_slice %arg4[%squeeze3A_303, %dma_start3A_306] : memref<1000001x32xf32, #tpu.memory_space<hbm>> -> memref<1x32xf32, #tpu.memory_space<hbm>>
      %dma_start3A_308 = arith.constant 0 : i32
      %dma_start3A_309 = tpu.memref_slice %arg9[%add3A_301, %dma_start3A_308] : memref<256x32xf32, #tpu.memory_space<vmem>> -> memref<1x32xf32, #tpu.memory_space<vmem>>
      %dma_start3A_310 = arith.constant 0 : i32
      %dma_start3A_311 = tpu.memref_slice %arg4[%squeeze3A_303, %dma_start3A_310] : memref<1000001x32xf32, #tpu.memory_space<hbm>> -> memref<1x32xf32, #tpu.memory_space<hbm>>
      tpu.enqueue_dma source(%dma_start3A_311 : memref<1x32xf32, #tpu.memory_space<hbm>>) target(%dma_start3A_309 : memref<1x32xf32, #tpu.memory_space<vmem>>) target_semaphore(%arg13 : memref<!tpu.dma_semaphore, #tpu.memory_space<semaphore_mem>>)
      %slice3A_312 = vector.extract_strided_slice %get3A_60 {offsets = [10], sizes = [1], strides = [1]} : vector<16xi32> to vector<1xi32>
      %squeeze3A_313 = vector.extract %slice3A_312[0] : i32 from vector<1xi32>
      %dma_start3A_314 = arith.constant 0 : i32
      %dma_start3A_315 = tpu.memref_slice %arg10[%add3A_301, %dma_start3A_314] : memref<256x32xf32, #tpu.memory_space<vmem>> -> memref<1x32xf32, #tpu.memory_space<vmem>>
      %dma_start3A_316 = arith.constant 0 : i32
      %dma_start3A_317 = tpu.memref_slice %arg5[%squeeze3A_313, %dma_start3A_316] : memref<1000001x32xf32, #tpu.memory_space<hbm>> -> memref<1x32xf32, #tpu.memory_space<hbm>>
      %dma_start3A_318 = arith.constant 0 : i32
      %dma_start3A_319 = tpu.memref_slice %arg10[%add3A_301, %dma_start3A_318] : memref<256x32xf32, #tpu.memory_space<vmem>> -> memref<1x32xf32, #tpu.memory_space<vmem>>
      %dma_start3A_320 = arith.constant 0 : i32
      %dma_start3A_321 = tpu.memref_slice %arg5[%squeeze3A_313, %dma_start3A_320] : memref<1000001x32xf32, #tpu.memory_space<hbm>> -> memref<1x32xf32, #tpu.memory_space<hbm>>
      tpu.enqueue_dma source(%dma_start3A_321 : memref<1x32xf32, #tpu.memory_space<hbm>>) target(%dma_start3A_319 : memref<1x32xf32, #tpu.memory_space<vmem>>) target_semaphore(%arg14 : memref<!tpu.dma_semaphore, #tpu.memory_space<semaphore_mem>>)
      %mul3A_322 = arith.constant 16 : i32
      %mul3A_323 = arith.muli %scan3A_49, %mul3A_322 : i32
      %add3A_324 = arith.constant 11 : i32
      %add3A_325 = arith.addi %mul3A_323, %add3A_324 : i32
      %slice3A_326 = vector.extract_strided_slice %get3A_54 {offsets = [11], sizes = [1], strides = [1]} : vector<16xi32> to vector<1xi32>
      %squeeze3A_327 = vector.extract %slice3A_326[0] : i32 from vector<1xi32>
      %dma_start3A_328 = arith.constant 0 : i32
      %dma_start3A_329 = tpu.memref_slice %arg9[%add3A_325, %dma_start3A_328] : memref<256x32xf32, #tpu.memory_space<vmem>> -> memref<1x32xf32, #tpu.memory_space<vmem>>
      %dma_start3A_330 = arith.constant 0 : i32
      %dma_start3A_331 = tpu.memref_slice %arg4[%squeeze3A_327, %dma_start3A_330] : memref<1000001x32xf32, #tpu.memory_space<hbm>> -> memref<1x32xf32, #tpu.memory_space<hbm>>
      %dma_start3A_332 = arith.constant 0 : i32
      %dma_start3A_333 = tpu.memref_slice %arg9[%add3A_325, %dma_start3A_332] : memref<256x32xf32, #tpu.memory_space<vmem>> -> memref<1x32xf32, #tpu.memory_space<vmem>>
      %dma_start3A_334 = arith.constant 0 : i32
      %dma_start3A_335 = tpu.memref_slice %arg4[%squeeze3A_327, %dma_start3A_334] : memref<1000001x32xf32, #tpu.memory_space<hbm>> -> memref<1x32xf32, #tpu.memory_space<hbm>>
      tpu.enqueue_dma source(%dma_start3A_335 : memref<1x32xf32, #tpu.memory_space<hbm>>) target(%dma_start3A_333 : memref<1x32xf32, #tpu.memory_space<vmem>>) target_semaphore(%arg13 : memref<!tpu.dma_semaphore, #tpu.memory_space<semaphore_mem>>)
      %slice3A_336 = vector.extract_strided_slice %get3A_60 {offsets = [11], sizes = [1], strides = [1]} : vector<16xi32> to vector<1xi32>
      %squeeze3A_337 = vector.extract %slice3A_336[0] : i32 from vector<1xi32>
      %dma_start3A_338 = arith.constant 0 : i32
      %dma_start3A_339 = tpu.memref_slice %arg10[%add3A_325, %dma_start3A_338] : memref<256x32xf32, #tpu.memory_space<vmem>> -> memref<1x32xf32, #tpu.memory_space<vmem>>
      %dma_start3A_340 = arith.constant 0 : i32
      %dma_start3A_341 = tpu.memref_slice %arg5[%squeeze3A_337, %dma_start3A_340] : memref<1000001x32xf32, #tpu.memory_space<hbm>> -> memref<1x32xf32, #tpu.memory_space<hbm>>
      %dma_start3A_342 = arith.constant 0 : i32
      %dma_start3A_343 = tpu.memref_slice %arg10[%add3A_325, %dma_start3A_342] : memref<256x32xf32, #tpu.memory_space<vmem>> -> memref<1x32xf32, #tpu.memory_space<vmem>>
      %dma_start3A_344 = arith.constant 0 : i32
      %dma_start3A_345 = tpu.memref_slice %arg5[%squeeze3A_337, %dma_start3A_344] : memref<1000001x32xf32, #tpu.memory_space<hbm>> -> memref<1x32xf32, #tpu.memory_space<hbm>>
      tpu.enqueue_dma source(%dma_start3A_345 : memref<1x32xf32, #tpu.memory_space<hbm>>) target(%dma_start3A_343 : memref<1x32xf32, #tpu.memory_space<vmem>>) target_semaphore(%arg14 : memref<!tpu.dma_semaphore, #tpu.memory_space<semaphore_mem>>)
      %mul3A_346 = arith.constant 16 : i32
      %mul3A_347 = arith.muli %scan3A_49, %mul3A_346 : i32
      %add3A_348 = arith.constant 12 : i32
      %add3A_349 = arith.addi %mul3A_347, %add3A_348 : i32
      %slice3A_350 = vector.extract_strided_slice %get3A_54 {offsets = [12], sizes = [1], strides = [1]} : vector<16xi32> to vector<1xi32>
      %squeeze3A_351 = vector.extract %slice3A_350[0] : i32 from vector<1xi32>
      %dma_start3A_352 = arith.constant 0 : i32
      %dma_start3A_353 = tpu.memref_slice %arg9[%add3A_349, %dma_start3A_352] : memref<256x32xf32, #tpu.memory_space<vmem>> -> memref<1x32xf32, #tpu.memory_space<vmem>>
      %dma_start3A_354 = arith.constant 0 : i32
      %dma_start3A_355 = tpu.memref_slice %arg4[%squeeze3A_351, %dma_start3A_354] : memref<1000001x32xf32, #tpu.memory_space<hbm>> -> memref<1x32xf32, #tpu.memory_space<hbm>>
      %dma_start3A_356 = arith.constant 0 : i32
      %dma_start3A_357 = tpu.memref_slice %arg9[%add3A_349, %dma_start3A_356] : memref<256x32xf32, #tpu.memory_space<vmem>> -> memref<1x32xf32, #tpu.memory_space<vmem>>
      %dma_start3A_358 = arith.constant 0 : i32
      %dma_start3A_359 = tpu.memref_slice %arg4[%squeeze3A_351, %dma_start3A_358] : memref<1000001x32xf32, #tpu.memory_space<hbm>> -> memref<1x32xf32, #tpu.memory_space<hbm>>
      tpu.enqueue_dma source(%dma_start3A_359 : memref<1x32xf32, #tpu.memory_space<hbm>>) target(%dma_start3A_357 : memref<1x32xf32, #tpu.memory_space<vmem>>) target_semaphore(%arg13 : memref<!tpu.dma_semaphore, #tpu.memory_space<semaphore_mem>>)
      %slice3A_360 = vector.extract_strided_slice %get3A_60 {offsets = [12], sizes = [1], strides = [1]} : vector<16xi32> to vector<1xi32>
      %squeeze3A_361 = vector.extract %slice3A_360[0] : i32 from vector<1xi32>
      %dma_start3A_362 = arith.constant 0 : i32
      %dma_start3A_363 = tpu.memref_slice %arg10[%add3A_349, %dma_start3A_362] : memref<256x32xf32, #tpu.memory_space<vmem>> -> memref<1x32xf32, #tpu.memory_space<vmem>>
      %dma_start3A_364 = arith.constant 0 : i32
      %dma_start3A_365 = tpu.memref_slice %arg5[%squeeze3A_361, %dma_start3A_364] : memref<1000001x32xf32, #tpu.memory_space<hbm>> -> memref<1x32xf32, #tpu.memory_space<hbm>>
      %dma_start3A_366 = arith.constant 0 : i32
      %dma_start3A_367 = tpu.memref_slice %arg10[%add3A_349, %dma_start3A_366] : memref<256x32xf32, #tpu.memory_space<vmem>> -> memref<1x32xf32, #tpu.memory_space<vmem>>
      %dma_start3A_368 = arith.constant 0 : i32
      %dma_start3A_369 = tpu.memref_slice %arg5[%squeeze3A_361, %dma_start3A_368] : memref<1000001x32xf32, #tpu.memory_space<hbm>> -> memref<1x32xf32, #tpu.memory_space<hbm>>
      tpu.enqueue_dma source(%dma_start3A_369 : memref<1x32xf32, #tpu.memory_space<hbm>>) target(%dma_start3A_367 : memref<1x32xf32, #tpu.memory_space<vmem>>) target_semaphore(%arg14 : memref<!tpu.dma_semaphore, #tpu.memory_space<semaphore_mem>>)
      %mul3A_370 = arith.constant 16 : i32
      %mul3A_371 = arith.muli %scan3A_49, %mul3A_370 : i32
      %add3A_372 = arith.constant 13 : i32
      %add3A_373 = arith.addi %mul3A_371, %add3A_372 : i32
      %slice3A_374 = vector.extract_strided_slice %get3A_54 {offsets = [13], sizes = [1], strides = [1]} : vector<16xi32> to vector<1xi32>
      %squeeze3A_375 = vector.extract %slice3A_374[0] : i32 from vector<1xi32>
      %dma_start3A_376 = arith.constant 0 : i32
      %dma_start3A_377 = tpu.memref_slice %arg9[%add3A_373, %dma_start3A_376] : memref<256x32xf32, #tpu.memory_space<vmem>> -> memref<1x32xf32, #tpu.memory_space<vmem>>
      %dma_start3A_378 = arith.constant 0 : i32
      %dma_start3A_379 = tpu.memref_slice %arg4[%squeeze3A_375, %dma_start3A_378] : memref<1000001x32xf32, #tpu.memory_space<hbm>> -> memref<1x32xf32, #tpu.memory_space<hbm>>
      %dma_start3A_380 = arith.constant 0 : i32
      %dma_start3A_381 = tpu.memref_slice %arg9[%add3A_373, %dma_start3A_380] : memref<256x32xf32, #tpu.memory_space<vmem>> -> memref<1x32xf32, #tpu.memory_space<vmem>>
      %dma_start3A_382 = arith.constant 0 : i32
      %dma_start3A_383 = tpu.memref_slice %arg4[%squeeze3A_375, %dma_start3A_382] : memref<1000001x32xf32, #tpu.memory_space<hbm>> -> memref<1x32xf32, #tpu.memory_space<hbm>>
      tpu.enqueue_dma source(%dma_start3A_383 : memref<1x32xf32, #tpu.memory_space<hbm>>) target(%dma_start3A_381 : memref<1x32xf32, #tpu.memory_space<vmem>>) target_semaphore(%arg13 : memref<!tpu.dma_semaphore, #tpu.memory_space<semaphore_mem>>)
      %slice3A_384 = vector.extract_strided_slice %get3A_60 {offsets = [13], sizes = [1], strides = [1]} : vector<16xi32> to vector<1xi32>
      %squeeze3A_385 = vector.extract %slice3A_384[0] : i32 from vector<1xi32>
      %dma_start3A_386 = arith.constant 0 : i32
      %dma_start3A_387 = tpu.memref_slice %arg10[%add3A_373, %dma_start3A_386] : memref<256x32xf32, #tpu.memory_space<vmem>> -> memref<1x32xf32, #tpu.memory_space<vmem>>
      %dma_start3A_388 = arith.constant 0 : i32
      %dma_start3A_389 = tpu.memref_slice %arg5[%squeeze3A_385, %dma_start3A_388] : memref<1000001x32xf32, #tpu.memory_space<hbm>> -> memref<1x32xf32, #tpu.memory_space<hbm>>
      %dma_start3A_390 = arith.constant 0 : i32
      %dma_start3A_391 = tpu.memref_slice %arg10[%add3A_373, %dma_start3A_390] : memref<256x32xf32, #tpu.memory_space<vmem>> -> memref<1x32xf32, #tpu.memory_space<vmem>>
      %dma_start3A_392 = arith.constant 0 : i32
      %dma_start3A_393 = tpu.memref_slice %arg5[%squeeze3A_385, %dma_start3A_392] : memref<1000001x32xf32, #tpu.memory_space<hbm>> -> memref<1x32xf32, #tpu.memory_space<hbm>>
      tpu.enqueue_dma source(%dma_start3A_393 : memref<1x32xf32, #tpu.memory_space<hbm>>) target(%dma_start3A_391 : memref<1x32xf32, #tpu.memory_space<vmem>>) target_semaphore(%arg14 : memref<!tpu.dma_semaphore, #tpu.memory_space<semaphore_mem>>)
      %mul3A_394 = arith.constant 16 : i32
      %mul3A_395 = arith.muli %scan3A_49, %mul3A_394 : i32
      %add3A_396 = arith.constant 14 : i32
      %add3A_397 = arith.addi %mul3A_395, %add3A_396 : i32
      %slice3A_398 = vector.extract_strided_slice %get3A_54 {offsets = [14], sizes = [1], strides = [1]} : vector<16xi32> to vector<1xi32>
      %squeeze3A_399 = vector.extract %slice3A_398[0] : i32 from vector<1xi32>
      %dma_start3A_400 = arith.constant 0 : i32
      %dma_start3A_401 = tpu.memref_slice %arg9[%add3A_397, %dma_start3A_400] : memref<256x32xf32, #tpu.memory_space<vmem>> -> memref<1x32xf32, #tpu.memory_space<vmem>>
      %dma_start3A_402 = arith.constant 0 : i32
      %dma_start3A_403 = tpu.memref_slice %arg4[%squeeze3A_399, %dma_start3A_402] : memref<1000001x32xf32, #tpu.memory_space<hbm>> -> memref<1x32xf32, #tpu.memory_space<hbm>>
      %dma_start3A_404 = arith.constant 0 : i32
      %dma_start3A_405 = tpu.memref_slice %arg9[%add3A_397, %dma_start3A_404] : memref<256x32xf32, #tpu.memory_space<vmem>> -> memref<1x32xf32, #tpu.memory_space<vmem>>
      %dma_start3A_406 = arith.constant 0 : i32
      %dma_start3A_407 = tpu.memref_slice %arg4[%squeeze3A_399, %dma_start3A_406] : memref<1000001x32xf32, #tpu.memory_space<hbm>> -> memref<1x32xf32, #tpu.memory_space<hbm>>
      tpu.enqueue_dma source(%dma_start3A_407 : memref<1x32xf32, #tpu.memory_space<hbm>>) target(%dma_start3A_405 : memref<1x32xf32, #tpu.memory_space<vmem>>) target_semaphore(%arg13 : memref<!tpu.dma_semaphore, #tpu.memory_space<semaphore_mem>>)
      %slice3A_408 = vector.extract_strided_slice %get3A_60 {offsets = [14], sizes = [1], strides = [1]} : vector<16xi32> to vector<1xi32>
      %squeeze3A_409 = vector.extract %slice3A_408[0] : i32 from vector<1xi32>
      %dma_start3A_410 = arith.constant 0 : i32
      %dma_start3A_411 = tpu.memref_slice %arg10[%add3A_397, %dma_start3A_410] : memref<256x32xf32, #tpu.memory_space<vmem>> -> memref<1x32xf32, #tpu.memory_space<vmem>>
      %dma_start3A_412 = arith.constant 0 : i32
      %dma_start3A_413 = tpu.memref_slice %arg5[%squeeze3A_409, %dma_start3A_412] : memref<1000001x32xf32, #tpu.memory_space<hbm>> -> memref<1x32xf32, #tpu.memory_space<hbm>>
      %dma_start3A_414 = arith.constant 0 : i32
      %dma_start3A_415 = tpu.memref_slice %arg10[%add3A_397, %dma_start3A_414] : memref<256x32xf32, #tpu.memory_space<vmem>> -> memref<1x32xf32, #tpu.memory_space<vmem>>
      %dma_start3A_416 = arith.constant 0 : i32
      %dma_start3A_417 = tpu.memref_slice %arg5[%squeeze3A_409, %dma_start3A_416] : memref<1000001x32xf32, #tpu.memory_space<hbm>> -> memref<1x32xf32, #tpu.memory_space<hbm>>
      tpu.enqueue_dma source(%dma_start3A_417 : memref<1x32xf32, #tpu.memory_space<hbm>>) target(%dma_start3A_415 : memref<1x32xf32, #tpu.memory_space<vmem>>) target_semaphore(%arg14 : memref<!tpu.dma_semaphore, #tpu.memory_space<semaphore_mem>>)
      %mul3A_418 = arith.constant 16 : i32
      %mul3A_419 = arith.muli %scan3A_49, %mul3A_418 : i32
      %add3A_420 = arith.constant 15 : i32
      %add3A_421 = arith.addi %mul3A_419, %add3A_420 : i32
      %slice3A_422 = vector.extract_strided_slice %get3A_54 {offsets = [15], sizes = [1], strides = [1]} : vector<16xi32> to vector<1xi32>
      %squeeze3A_423 = vector.extract %slice3A_422[0] : i32 from vector<1xi32>
      %dma_start3A_424 = arith.constant 0 : i32
      %dma_start3A_425 = tpu.memref_slice %arg9[%add3A_421, %dma_start3A_424] : memref<256x32xf32, #tpu.memory_space<vmem>> -> memref<1x32xf32, #tpu.memory_space<vmem>>
      %dma_start3A_426 = arith.constant 0 : i32
      %dma_start3A_427 = tpu.memref_slice %arg4[%squeeze3A_423, %dma_start3A_426] : memref<1000001x32xf32, #tpu.memory_space<hbm>> -> memref<1x32xf32, #tpu.memory_space<hbm>>
      %dma_start3A_428 = arith.constant 0 : i32
      %dma_start3A_429 = tpu.memref_slice %arg9[%add3A_421, %dma_start3A_428] : memref<256x32xf32, #tpu.memory_space<vmem>> -> memref<1x32xf32, #tpu.memory_space<vmem>>
      %dma_start3A_430 = arith.constant 0 : i32
      %dma_start3A_431 = tpu.memref_slice %arg4[%squeeze3A_423, %dma_start3A_430] : memref<1000001x32xf32, #tpu.memory_space<hbm>> -> memref<1x32xf32, #tpu.memory_space<hbm>>
      tpu.enqueue_dma source(%dma_start3A_431 : memref<1x32xf32, #tpu.memory_space<hbm>>) target(%dma_start3A_429 : memref<1x32xf32, #tpu.memory_space<vmem>>) target_semaphore(%arg13 : memref<!tpu.dma_semaphore, #tpu.memory_space<semaphore_mem>>)
      %slice3A_432 = vector.extract_strided_slice %get3A_60 {offsets = [15], sizes = [1], strides = [1]} : vector<16xi32> to vector<1xi32>
      %squeeze3A_433 = vector.extract %slice3A_432[0] : i32 from vector<1xi32>
      %dma_start3A_434 = arith.constant 0 : i32
      %dma_start3A_435 = tpu.memref_slice %arg10[%add3A_421, %dma_start3A_434] : memref<256x32xf32, #tpu.memory_space<vmem>> -> memref<1x32xf32, #tpu.memory_space<vmem>>
      %dma_start3A_436 = arith.constant 0 : i32
      %dma_start3A_437 = tpu.memref_slice %arg5[%squeeze3A_433, %dma_start3A_436] : memref<1000001x32xf32, #tpu.memory_space<hbm>> -> memref<1x32xf32, #tpu.memory_space<hbm>>
      %dma_start3A_438 = arith.constant 0 : i32
      %dma_start3A_439 = tpu.memref_slice %arg10[%add3A_421, %dma_start3A_438] : memref<256x32xf32, #tpu.memory_space<vmem>> -> memref<1x32xf32, #tpu.memory_space<vmem>>
      %dma_start3A_440 = arith.constant 0 : i32
      %dma_start3A_441 = tpu.memref_slice %arg5[%squeeze3A_433, %dma_start3A_440] : memref<1000001x32xf32, #tpu.memory_space<hbm>> -> memref<1x32xf32, #tpu.memory_space<hbm>>
      tpu.enqueue_dma source(%dma_start3A_441 : memref<1x32xf32, #tpu.memory_space<hbm>>) target(%dma_start3A_439 : memref<1x32xf32, #tpu.memory_space<vmem>>) target_semaphore(%arg14 : memref<!tpu.dma_semaphore, #tpu.memory_space<semaphore_mem>>)
    }
    %scan3A_7 = arith.constant 16 : i32
    %dma_wait3A = arith.constant 0 : i32
    %dma_wait3A_8 = arith.constant 0 : i32
    %dma_wait3A_9 = tpu.memref_slice %arg4[%dma_wait3A, %dma_wait3A_8] : memref<1000001x32xf32, #tpu.memory_space<hbm>> -> memref<256x32xf32, #tpu.memory_space<hbm>>
    %dma_wait3A_10 = arith.constant 0 : i32
    %dma_wait3A_11 = arith.constant 0 : i32
    %dma_wait3A_12 = tpu.memref_slice %arg4[%dma_wait3A_10, %dma_wait3A_11] : memref<1000001x32xf32, #tpu.memory_space<hbm>> -> memref<256x32xf32, #tpu.memory_space<hbm>>
    tpu.wait_dma2 semaphore(%arg13 : memref<!tpu.dma_semaphore, #tpu.memory_space<semaphore_mem>>) src(%dma_wait3A_12 : memref<256x32xf32, #tpu.memory_space<hbm>>) dst(%arg9 : memref<256x32xf32, #tpu.memory_space<vmem>>)
    %dma_wait3A_13 = arith.constant 0 : i32
    %dma_wait3A_14 = arith.constant 0 : i32
    %dma_wait3A_15 = tpu.memref_slice %arg5[%dma_wait3A_13, %dma_wait3A_14] : memref<1000001x32xf32, #tpu.memory_space<hbm>> -> memref<256x32xf32, #tpu.memory_space<hbm>>
    %dma_wait3A_16 = arith.constant 0 : i32
    %dma_wait3A_17 = arith.constant 0 : i32
    %dma_wait3A_18 = tpu.memref_slice %arg5[%dma_wait3A_16, %dma_wait3A_17] : memref<1000001x32xf32, #tpu.memory_space<hbm>> -> memref<256x32xf32, #tpu.memory_space<hbm>>
    tpu.wait_dma2 semaphore(%arg14 : memref<!tpu.dma_semaphore, #tpu.memory_space<semaphore_mem>>) src(%dma_wait3A_18 : memref<256x32xf32, #tpu.memory_space<hbm>>) dst(%arg10 : memref<256x32xf32, #tpu.memory_space<vmem>>)
    %scan3A_19 = arith.constant 0 : i32
    %scan3A_20 = arith.constant 0 : i32
    %scan3A_21 = arith.constant 16 : i32
    %scan3A_22 = arith.addi %scan3A_20, %scan3A_21 : i32
    %scan3A_23 = arith.constant 1 : i32
    scf.for %scan3A_49 = %scan3A_20 to %scan3A_22 step %scan3A_23  : i32 {
      %mul3A_50 = arith.constant 16 : i32
      %mul3A_51 = arith.muli %scan3A_49, %mul3A_50 : i32
      %add3A_52 = arith.constant 0 : i32
      %add3A_53 = arith.addi %mul3A_51, %add3A_52 : i32
      %get3A = arith.index_cast %add3A_53 : i32 to index
      %get3A_54 = arith.constant 0 : index
      %get3A_55 = tpu.vector_load %arg9[%get3A, %get3A_54] {strides = array<i32>} : memref<256x32xf32, #tpu.memory_space<vmem>>, vector<16xf32>,
      %get3A_56 = arith.index_cast %add3A_53 : i32 to index
      %get3A_57 = arith.constant 0 : index
      %get3A_58 = tpu.vector_load %arg10[%get3A_56, %get3A_57] {strides = array<i32>} : memref<256x32xf32, #tpu.memory_space<vmem>>, vector<16xf32>,
      %mul3A_59 = arith.mulf %get3A_55, %get3A_58 : vector<16xf32>
      %get3A_60 = arith.index_cast %add3A_53 : i32 to index
      %get3A_61 = arith.constant 16 : index
      %get3A_62 = tpu.vector_load %arg9[%get3A_60, %get3A_61] {strides = array<i32>} : memref<256x32xf32, #tpu.memory_space<vmem>>, vector<16xf32>,
      %get3A_63 = arith.index_cast %add3A_53 : i32 to index
      %get3A_64 = arith.constant 16 : index
      %get3A_65 = tpu.vector_load %arg10[%get3A_63, %get3A_64] {strides = array<i32>} : memref<256x32xf32, #tpu.memory_space<vmem>>, vector<16xf32>,
      %mul3A_66 = arith.mulf %get3A_62, %get3A_65 : vector<16xf32>
      %add3A_67 = arith.addf %mul3A_59, %mul3A_66 : vector<16xf32>
      %mul3A_68 = arith.constant 16 : i32
      %mul3A_69 = vector.broadcast %mul3A_68 : i32 to vector<16xi32>
      %mul3A_70 = arith.muli %iota3A, %mul3A_69 : vector<16xi32>
      %add3A_71 = arith.constant 0 : i32
      %add3A_72 = vector.broadcast %add3A_71 : i32 to vector<16xi32>
      %add3A_73 = arith.addi %mul3A_70, %add3A_72 : vector<16xi32>
      tpu.vector_store_idx %arg11[%add3A_73], %add3A_67 : memref<256xf32, #tpu.memory_space<vmem>>[vector<16xi32>], vector<16xf32>,
      %mul3A_74 = arith.constant 16 : i32
      %mul3A_75 = arith.muli %scan3A_49, %mul3A_74 : i32
      %add3A_76 = arith.constant 1 : i32
      %add3A_77 = arith.addi %mul3A_75, %add3A_76 : i32
      %get3A_78 = arith.index_cast %add3A_77 : i32 to index
      %get3A_79 = arith.constant 0 : index
      %get3A_80 = tpu.vector_load %arg9[%get3A_78, %get3A_79] {strides = array<i32>} : memref<256x32xf32, #tpu.memory_space<vmem>>, vector<16xf32>,
      %get3A_81 = arith.index_cast %add3A_77 : i32 to index
      %get3A_82 = arith.constant 0 : index
      %get3A_83 = tpu.vector_load %arg10[%get3A_81, %get3A_82] {strides = array<i32>} : memref<256x32xf32, #tpu.memory_space<vmem>>, vector<16xf32>,
      %mul3A_84 = arith.mulf %get3A_80, %get3A_83 : vector<16xf32>
      %get3A_85 = arith.index_cast %add3A_77 : i32 to index
      %get3A_86 = arith.constant 16 : index
      %get3A_87 = tpu.vector_load %arg9[%get3A_85, %get3A_86] {strides = array<i32>} : memref<256x32xf32, #tpu.memory_space<vmem>>, vector<16xf32>,
      %get3A_88 = arith.index_cast %add3A_77 : i32 to index
      %get3A_89 = arith.constant 16 : index
      %get3A_90 = tpu.vector_load %arg10[%get3A_88, %get3A_89] {strides = array<i32>} : memref<256x32xf32, #tpu.memory_space<vmem>>, vector<16xf32>,
      %mul3A_91 = arith.mulf %get3A_87, %get3A_90 : vector<16xf32>
      %add3A_92 = arith.addf %mul3A_84, %mul3A_91 : vector<16xf32>
      %mul3A_93 = arith.constant 16 : i32
      %mul3A_94 = vector.broadcast %mul3A_93 : i32 to vector<16xi32>
      %mul3A_95 = arith.muli %iota3A, %mul3A_94 : vector<16xi32>
      %add3A_96 = arith.constant 1 : i32
      %add3A_97 = vector.broadcast %add3A_96 : i32 to vector<16xi32>
      %add3A_98 = arith.addi %mul3A_95, %add3A_97 : vector<16xi32>
      tpu.vector_store_idx %arg11[%add3A_98], %add3A_92 : memref<256xf32, #tpu.memory_space<vmem>>[vector<16xi32>], vector<16xf32>,
      %mul3A_99 = arith.constant 16 : i32
      %mul3A_100 = arith.muli %scan3A_49, %mul3A_99 : i32
      %add3A_101 = arith.constant 2 : i32
      %add3A_102 = arith.addi %mul3A_100, %add3A_101 : i32
      %get3A_103 = arith.index_cast %add3A_102 : i32 to index
      %get3A_104 = arith.constant 0 : index
      %get3A_105 = tpu.vector_load %arg9[%get3A_103, %get3A_104] {strides = array<i32>} : memref<256x32xf32, #tpu.memory_space<vmem>>, vector<16xf32>,
      %get3A_106 = arith.index_cast %add3A_102 : i32 to index
      %get3A_107 = arith.constant 0 : index
      %get3A_108 = tpu.vector_load %arg10[%get3A_106, %get3A_107] {strides = array<i32>} : memref<256x32xf32, #tpu.memory_space<vmem>>, vector<16xf32>,
      %mul3A_109 = arith.mulf %get3A_105, %get3A_108 : vector<16xf32>
      %get3A_110 = arith.index_cast %add3A_102 : i32 to index
      %get3A_111 = arith.constant 16 : index
      %get3A_112 = tpu.vector_load %arg9[%get3A_110, %get3A_111] {strides = array<i32>} : memref<256x32xf32, #tpu.memory_space<vmem>>, vector<16xf32>,
      %get3A_113 = arith.index_cast %add3A_102 : i32 to index
      %get3A_114 = arith.constant 16 : index
      %get3A_115 = tpu.vector_load %arg10[%get3A_113, %get3A_114] {strides = array<i32>} : memref<256x32xf32, #tpu.memory_space<vmem>>, vector<16xf32>,
      %mul3A_116 = arith.mulf %get3A_112, %get3A_115 : vector<16xf32>
      %add3A_117 = arith.addf %mul3A_109, %mul3A_116 : vector<16xf32>
      %mul3A_118 = arith.constant 16 : i32
      %mul3A_119 = vector.broadcast %mul3A_118 : i32 to vector<16xi32>
      %mul3A_120 = arith.muli %iota3A, %mul3A_119 : vector<16xi32>
      %add3A_121 = arith.constant 2 : i32
      %add3A_122 = vector.broadcast %add3A_121 : i32 to vector<16xi32>
      %add3A_123 = arith.addi %mul3A_120, %add3A_122 : vector<16xi32>
      tpu.vector_store_idx %arg11[%add3A_123], %add3A_117 : memref<256xf32, #tpu.memory_space<vmem>>[vector<16xi32>], vector<16xf32>,
      %mul3A_124 = arith.constant 16 : i32
      %mul3A_125 = arith.muli %scan3A_49, %mul3A_124 : i32
      %add3A_126 = arith.constant 3 : i32
      %add3A_127 = arith.addi %mul3A_125, %add3A_126 : i32
      %get3A_128 = arith.index_cast %add3A_127 : i32 to index
      %get3A_129 = arith.constant 0 : index
      %get3A_130 = tpu.vector_load %arg9[%get3A_128, %get3A_129] {strides = array<i32>} : memref<256x32xf32, #tpu.memory_space<vmem>>, vector<16xf32>,
      %get3A_131 = arith.index_cast %add3A_127 : i32 to index
      %get3A_132 = arith.constant 0 : index
      %get3A_133 = tpu.vector_load %arg10[%get3A_131, %get3A_132] {strides = array<i32>} : memref<256x32xf32, #tpu.memory_space<vmem>>, vector<16xf32>,
      %mul3A_134 = arith.mulf %get3A_130, %get3A_133 : vector<16xf32>
      %get3A_135 = arith.index_cast %add3A_127 : i32 to index
      %get3A_136 = arith.constant 16 : index
      %get3A_137 = tpu.vector_load %arg9[%get3A_135, %get3A_136] {strides = array<i32>} : memref<256x32xf32, #tpu.memory_space<vmem>>, vector<16xf32>,
      %get3A_138 = arith.index_cast %add3A_127 : i32 to index
      %get3A_139 = arith.constant 16 : index
      %get3A_140 = tpu.vector_load %arg10[%get3A_138, %get3A_139] {strides = array<i32>} : memref<256x32xf32, #tpu.memory_space<vmem>>, vector<16xf32>,
      %mul3A_141 = arith.mulf %get3A_137, %get3A_140 : vector<16xf32>
      %add3A_142 = arith.addf %mul3A_134, %mul3A_141 : vector<16xf32>
      %mul3A_143 = arith.constant 16 : i32
      %mul3A_144 = vector.broadcast %mul3A_143 : i32 to vector<16xi32>
      %mul3A_145 = arith.muli %iota3A, %mul3A_144 : vector<16xi32>
      %add3A_146 = arith.constant 3 : i32
      %add3A_147 = vector.broadcast %add3A_146 : i32 to vector<16xi32>
      %add3A_148 = arith.addi %mul3A_145, %add3A_147 : vector<16xi32>
      tpu.vector_store_idx %arg11[%add3A_148], %add3A_142 : memref<256xf32, #tpu.memory_space<vmem>>[vector<16xi32>], vector<16xf32>,
      %mul3A_149 = arith.constant 16 : i32
      %mul3A_150 = arith.muli %scan3A_49, %mul3A_149 : i32
      %add3A_151 = arith.constant 4 : i32
      %add3A_152 = arith.addi %mul3A_150, %add3A_151 : i32
      %get3A_153 = arith.index_cast %add3A_152 : i32 to index
      %get3A_154 = arith.constant 0 : index
      %get3A_155 = tpu.vector_load %arg9[%get3A_153, %get3A_154] {strides = array<i32>} : memref<256x32xf32, #tpu.memory_space<vmem>>, vector<16xf32>,
      %get3A_156 = arith.index_cast %add3A_152 : i32 to index
      %get3A_157 = arith.constant 0 : index
      %get3A_158 = tpu.vector_load %arg10[%get3A_156, %get3A_157] {strides = array<i32>} : memref<256x32xf32, #tpu.memory_space<vmem>>, vector<16xf32>,
      %mul3A_159 = arith.mulf %get3A_155, %get3A_158 : vector<16xf32>
      %get3A_160 = arith.index_cast %add3A_152 : i32 to index
      %get3A_161 = arith.constant 16 : index
      %get3A_162 = tpu.vector_load %arg9[%get3A_160, %get3A_161] {strides = array<i32>} : memref<256x32xf32, #tpu.memory_space<vmem>>, vector<16xf32>,
      %get3A_163 = arith.index_cast %add3A_152 : i32 to index
      %get3A_164 = arith.constant 16 : index
      %get3A_165 = tpu.vector_load %arg10[%get3A_163, %get3A_164] {strides = array<i32>} : memref<256x32xf32, #tpu.memory_space<vmem>>, vector<16xf32>,
      %mul3A_166 = arith.mulf %get3A_162, %get3A_165 : vector<16xf32>
      %add3A_167 = arith.addf %mul3A_159, %mul3A_166 : vector<16xf32>
      %mul3A_168 = arith.constant 16 : i32
      %mul3A_169 = vector.broadcast %mul3A_168 : i32 to vector<16xi32>
      %mul3A_170 = arith.muli %iota3A, %mul3A_169 : vector<16xi32>
      %add3A_171 = arith.constant 4 : i32
      %add3A_172 = vector.broadcast %add3A_171 : i32 to vector<16xi32>
      %add3A_173 = arith.addi %mul3A_170, %add3A_172 : vector<16xi32>
      tpu.vector_store_idx %arg11[%add3A_173], %add3A_167 : memref<256xf32, #tpu.memory_space<vmem>>[vector<16xi32>], vector<16xf32>,
      %mul3A_174 = arith.constant 16 : i32
      %mul3A_175 = arith.muli %scan3A_49, %mul3A_174 : i32
      %add3A_176 = arith.constant 5 : i32
      %add3A_177 = arith.addi %mul3A_175, %add3A_176 : i32
      %get3A_178 = arith.index_cast %add3A_177 : i32 to index
      %get3A_179 = arith.constant 0 : index
      %get3A_180 = tpu.vector_load %arg9[%get3A_178, %get3A_179] {strides = array<i32>} : memref<256x32xf32, #tpu.memory_space<vmem>>, vector<16xf32>,
      %get3A_181 = arith.index_cast %add3A_177 : i32 to index
      %get3A_182 = arith.constant 0 : index
      %get3A_183 = tpu.vector_load %arg10[%get3A_181, %get3A_182] {strides = array<i32>} : memref<256x32xf32, #tpu.memory_space<vmem>>, vector<16xf32>,
      %mul3A_184 = arith.mulf %get3A_180, %get3A_183 : vector<16xf32>
      %get3A_185 = arith.index_cast %add3A_177 : i32 to index
      %get3A_186 = arith.constant 16 : index
      %get3A_187 = tpu.vector_load %arg9[%get3A_185, %get3A_186] {strides = array<i32>} : memref<256x32xf32, #tpu.memory_space<vmem>>, vector<16xf32>,
      %get3A_188 = arith.index_cast %add3A_177 : i32 to index
      %get3A_189 = arith.constant 16 : index
      %get3A_190 = tpu.vector_load %arg10[%get3A_188, %get3A_189] {strides = array<i32>} : memref<256x32xf32, #tpu.memory_space<vmem>>, vector<16xf32>,
      %mul3A_191 = arith.mulf %get3A_187, %get3A_190 : vector<16xf32>
      %add3A_192 = arith.addf %mul3A_184, %mul3A_191 : vector<16xf32>
      %mul3A_193 = arith.constant 16 : i32
      %mul3A_194 = vector.broadcast %mul3A_193 : i32 to vector<16xi32>
      %mul3A_195 = arith.muli %iota3A, %mul3A_194 : vector<16xi32>
      %add3A_196 = arith.constant 5 : i32
      %add3A_197 = vector.broadcast %add3A_196 : i32 to vector<16xi32>
      %add3A_198 = arith.addi %mul3A_195, %add3A_197 : vector<16xi32>
      tpu.vector_store_idx %arg11[%add3A_198], %add3A_192 : memref<256xf32, #tpu.memory_space<vmem>>[vector<16xi32>], vector<16xf32>,
      %mul3A_199 = arith.constant 16 : i32
      %mul3A_200 = arith.muli %scan3A_49, %mul3A_199 : i32
      %add3A_201 = arith.constant 6 : i32
      %add3A_202 = arith.addi %mul3A_200, %add3A_201 : i32
      %get3A_203 = arith.index_cast %add3A_202 : i32 to index
      %get3A_204 = arith.constant 0 : index
      %get3A_205 = tpu.vector_load %arg9[%get3A_203, %get3A_204] {strides = array<i32>} : memref<256x32xf32, #tpu.memory_space<vmem>>, vector<16xf32>,
      %get3A_206 = arith.index_cast %add3A_202 : i32 to index
      %get3A_207 = arith.constant 0 : index
      %get3A_208 = tpu.vector_load %arg10[%get3A_206, %get3A_207] {strides = array<i32>} : memref<256x32xf32, #tpu.memory_space<vmem>>, vector<16xf32>,
      %mul3A_209 = arith.mulf %get3A_205, %get3A_208 : vector<16xf32>
      %get3A_210 = arith.index_cast %add3A_202 : i32 to index
      %get3A_211 = arith.constant 16 : index
      %get3A_212 = tpu.vector_load %arg9[%get3A_210, %get3A_211] {strides = array<i32>} : memref<256x32xf32, #tpu.memory_space<vmem>>, vector<16xf32>,
      %get3A_213 = arith.index_cast %add3A_202 : i32 to index
      %get3A_214 = arith.constant 16 : index
      %get3A_215 = tpu.vector_load %arg10[%get3A_213, %get3A_214] {strides = array<i32>} : memref<256x32xf32, #tpu.memory_space<vmem>>, vector<16xf32>,
      %mul3A_216 = arith.mulf %get3A_212, %get3A_215 : vector<16xf32>
      %add3A_217 = arith.addf %mul3A_209, %mul3A_216 : vector<16xf32>
      %mul3A_218 = arith.constant 16 : i32
      %mul3A_219 = vector.broadcast %mul3A_218 : i32 to vector<16xi32>
      %mul3A_220 = arith.muli %iota3A, %mul3A_219 : vector<16xi32>
      %add3A_221 = arith.constant 6 : i32
      %add3A_222 = vector.broadcast %add3A_221 : i32 to vector<16xi32>
      %add3A_223 = arith.addi %mul3A_220, %add3A_222 : vector<16xi32>
      tpu.vector_store_idx %arg11[%add3A_223], %add3A_217 : memref<256xf32, #tpu.memory_space<vmem>>[vector<16xi32>], vector<16xf32>,
      %mul3A_224 = arith.constant 16 : i32
      %mul3A_225 = arith.muli %scan3A_49, %mul3A_224 : i32
      %add3A_226 = arith.constant 7 : i32
      %add3A_227 = arith.addi %mul3A_225, %add3A_226 : i32
      %get3A_228 = arith.index_cast %add3A_227 : i32 to index
      %get3A_229 = arith.constant 0 : index
      %get3A_230 = tpu.vector_load %arg9[%get3A_228, %get3A_229] {strides = array<i32>} : memref<256x32xf32, #tpu.memory_space<vmem>>, vector<16xf32>,
      %get3A_231 = arith.index_cast %add3A_227 : i32 to index
      %get3A_232 = arith.constant 0 : index
      %get3A_233 = tpu.vector_load %arg10[%get3A_231, %get3A_232] {strides = array<i32>} : memref<256x32xf32, #tpu.memory_space<vmem>>, vector<16xf32>,
      %mul3A_234 = arith.mulf %get3A_230, %get3A_233 : vector<16xf32>
      %get3A_235 = arith.index_cast %add3A_227 : i32 to index
      %get3A_236 = arith.constant 16 : index
      %get3A_237 = tpu.vector_load %arg9[%get3A_235, %get3A_236] {strides = array<i32>} : memref<256x32xf32, #tpu.memory_space<vmem>>, vector<16xf32>,
      %get3A_238 = arith.index_cast %add3A_227 : i32 to index
      %get3A_239 = arith.constant 16 : index
      %get3A_240 = tpu.vector_load %arg10[%get3A_238, %get3A_239] {strides = array<i32>} : memref<256x32xf32, #tpu.memory_space<vmem>>, vector<16xf32>,
      %mul3A_241 = arith.mulf %get3A_237, %get3A_240 : vector<16xf32>
      %add3A_242 = arith.addf %mul3A_234, %mul3A_241 : vector<16xf32>
      %mul3A_243 = arith.constant 16 : i32
      %mul3A_244 = vector.broadcast %mul3A_243 : i32 to vector<16xi32>
      %mul3A_245 = arith.muli %iota3A, %mul3A_244 : vector<16xi32>
      %add3A_246 = arith.constant 7 : i32
      %add3A_247 = vector.broadcast %add3A_246 : i32 to vector<16xi32>
      %add3A_248 = arith.addi %mul3A_245, %add3A_247 : vector<16xi32>
      tpu.vector_store_idx %arg11[%add3A_248], %add3A_242 : memref<256xf32, #tpu.memory_space<vmem>>[vector<16xi32>], vector<16xf32>,
      %mul3A_249 = arith.constant 16 : i32
      %mul3A_250 = arith.muli %scan3A_49, %mul3A_249 : i32
      %add3A_251 = arith.constant 8 : i32
      %add3A_252 = arith.addi %mul3A_250, %add3A_251 : i32
      %get3A_253 = arith.index_cast %add3A_252 : i32 to index
      %get3A_254 = arith.constant 0 : index
      %get3A_255 = tpu.vector_load %arg9[%get3A_253, %get3A_254] {strides = array<i32>} : memref<256x32xf32, #tpu.memory_space<vmem>>, vector<16xf32>,
      %get3A_256 = arith.index_cast %add3A_252 : i32 to index
      %get3A_257 = arith.constant 0 : index
      %get3A_258 = tpu.vector_load %arg10[%get3A_256, %get3A_257] {strides = array<i32>} : memref<256x32xf32, #tpu.memory_space<vmem>>, vector<16xf32>,
      %mul3A_259 = arith.mulf %get3A_255, %get3A_258 : vector<16xf32>
      %get3A_260 = arith.index_cast %add3A_252 : i32 to index
      %get3A_261 = arith.constant 16 : index
      %get3A_262 = tpu.vector_load %arg9[%get3A_260, %get3A_261] {strides = array<i32>} : memref<256x32xf32, #tpu.memory_space<vmem>>, vector<16xf32>,
      %get3A_263 = arith.index_cast %add3A_252 : i32 to index
      %get3A_264 = arith.constant 16 : index
      %get3A_265 = tpu.vector_load %arg10[%get3A_263, %get3A_264] {strides = array<i32>} : memref<256x32xf32, #tpu.memory_space<vmem>>, vector<16xf32>,
      %mul3A_266 = arith.mulf %get3A_262, %get3A_265 : vector<16xf32>
      %add3A_267 = arith.addf %mul3A_259, %mul3A_266 : vector<16xf32>
      %mul3A_268 = arith.constant 16 : i32
      %mul3A_269 = vector.broadcast %mul3A_268 : i32 to vector<16xi32>
      %mul3A_270 = arith.muli %iota3A, %mul3A_269 : vector<16xi32>
      %add3A_271 = arith.constant 8 : i32
      %add3A_272 = vector.broadcast %add3A_271 : i32 to vector<16xi32>
      %add3A_273 = arith.addi %mul3A_270, %add3A_272 : vector<16xi32>
      tpu.vector_store_idx %arg11[%add3A_273], %add3A_267 : memref<256xf32, #tpu.memory_space<vmem>>[vector<16xi32>], vector<16xf32>,
      %mul3A_274 = arith.constant 16 : i32
      %mul3A_275 = arith.muli %scan3A_49, %mul3A_274 : i32
      %add3A_276 = arith.constant 9 : i32
      %add3A_277 = arith.addi %mul3A_275, %add3A_276 : i32
      %get3A_278 = arith.index_cast %add3A_277 : i32 to index
      %get3A_279 = arith.constant 0 : index
      %get3A_280 = tpu.vector_load %arg9[%get3A_278, %get3A_279] {strides = array<i32>} : memref<256x32xf32, #tpu.memory_space<vmem>>, vector<16xf32>,
      %get3A_281 = arith.index_cast %add3A_277 : i32 to index
      %get3A_282 = arith.constant 0 : index
      %get3A_283 = tpu.vector_load %arg10[%get3A_281, %get3A_282] {strides = array<i32>} : memref<256x32xf32, #tpu.memory_space<vmem>>, vector<16xf32>,
      %mul3A_284 = arith.mulf %get3A_280, %get3A_283 : vector<16xf32>
      %get3A_285 = arith.index_cast %add3A_277 : i32 to index
      %get3A_286 = arith.constant 16 : index
      %get3A_287 = tpu.vector_load %arg9[%get3A_285, %get3A_286] {strides = array<i32>} : memref<256x32xf32, #tpu.memory_space<vmem>>, vector<16xf32>,
      %get3A_288 = arith.index_cast %add3A_277 : i32 to index
      %get3A_289 = arith.constant 16 : index
      %get3A_290 = tpu.vector_load %arg10[%get3A_288, %get3A_289] {strides = array<i32>} : memref<256x32xf32, #tpu.memory_space<vmem>>, vector<16xf32>,
      %mul3A_291 = arith.mulf %get3A_287, %get3A_290 : vector<16xf32>
      %add3A_292 = arith.addf %mul3A_284, %mul3A_291 : vector<16xf32>
      %mul3A_293 = arith.constant 16 : i32
      %mul3A_294 = vector.broadcast %mul3A_293 : i32 to vector<16xi32>
      %mul3A_295 = arith.muli %iota3A, %mul3A_294 : vector<16xi32>
      %add3A_296 = arith.constant 9 : i32
      %add3A_297 = vector.broadcast %add3A_296 : i32 to vector<16xi32>
      %add3A_298 = arith.addi %mul3A_295, %add3A_297 : vector<16xi32>
      tpu.vector_store_idx %arg11[%add3A_298], %add3A_292 : memref<256xf32, #tpu.memory_space<vmem>>[vector<16xi32>], vector<16xf32>,
      %mul3A_299 = arith.constant 16 : i32
      %mul3A_300 = arith.muli %scan3A_49, %mul3A_299 : i32
      %add3A_301 = arith.constant 10 : i32
      %add3A_302 = arith.addi %mul3A_300, %add3A_301 : i32
      %get3A_303 = arith.index_cast %add3A_302 : i32 to index
      %get3A_304 = arith.constant 0 : index
      %get3A_305 = tpu.vector_load %arg9[%get3A_303, %get3A_304] {strides = array<i32>} : memref<256x32xf32, #tpu.memory_space<vmem>>, vector<16xf32>,
      %get3A_306 = arith.index_cast %add3A_302 : i32 to index
      %get3A_307 = arith.constant 0 : index
      %get3A_308 = tpu.vector_load %arg10[%get3A_306, %get3A_307] {strides = array<i32>} : memref<256x32xf32, #tpu.memory_space<vmem>>, vector<16xf32>,
      %mul3A_309 = arith.mulf %get3A_305, %get3A_308 : vector<16xf32>
      %get3A_310 = arith.index_cast %add3A_302 : i32 to index
      %get3A_311 = arith.constant 16 : index
      %get3A_312 = tpu.vector_load %arg9[%get3A_310, %get3A_311] {strides = array<i32>} : memref<256x32xf32, #tpu.memory_space<vmem>>, vector<16xf32>,
      %get3A_313 = arith.index_cast %add3A_302 : i32 to index
      %get3A_314 = arith.constant 16 : index
      %get3A_315 = tpu.vector_load %arg10[%get3A_313, %get3A_314] {strides = array<i32>} : memref<256x32xf32, #tpu.memory_space<vmem>>, vector<16xf32>,
      %mul3A_316 = arith.mulf %get3A_312, %get3A_315 : vector<16xf32>
      %add3A_317 = arith.addf %mul3A_309, %mul3A_316 : vector<16xf32>
      %mul3A_318 = arith.constant 16 : i32
      %mul3A_319 = vector.broadcast %mul3A_318 : i32 to vector<16xi32>
      %mul3A_320 = arith.muli %iota3A, %mul3A_319 : vector<16xi32>
      %add3A_321 = arith.constant 10 : i32
      %add3A_322 = vector.broadcast %add3A_321 : i32 to vector<16xi32>
      %add3A_323 = arith.addi %mul3A_320, %add3A_322 : vector<16xi32>
      tpu.vector_store_idx %arg11[%add3A_323], %add3A_317 : memref<256xf32, #tpu.memory_space<vmem>>[vector<16xi32>], vector<16xf32>,
      %mul3A_324 = arith.constant 16 : i32
      %mul3A_325 = arith.muli %scan3A_49, %mul3A_324 : i32
      %add3A_326 = arith.constant 11 : i32
      %add3A_327 = arith.addi %mul3A_325, %add3A_326 : i32
      %get3A_328 = arith.index_cast %add3A_327 : i32 to index
      %get3A_329 = arith.constant 0 : index
      %get3A_330 = tpu.vector_load %arg9[%get3A_328, %get3A_329] {strides = array<i32>} : memref<256x32xf32, #tpu.memory_space<vmem>>, vector<16xf32>,
      %get3A_331 = arith.index_cast %add3A_327 : i32 to index
      %get3A_332 = arith.constant 0 : index
      %get3A_333 = tpu.vector_load %arg10[%get3A_331, %get3A_332] {strides = array<i32>} : memref<256x32xf32, #tpu.memory_space<vmem>>, vector<16xf32>,
      %mul3A_334 = arith.mulf %get3A_330, %get3A_333 : vector<16xf32>
      %get3A_335 = arith.index_cast %add3A_327 : i32 to index
      %get3A_336 = arith.constant 16 : index
      %get3A_337 = tpu.vector_load %arg9[%get3A_335, %get3A_336] {strides = array<i32>} : memref<256x32xf32, #tpu.memory_space<vmem>>, vector<16xf32>,
      %get3A_338 = arith.index_cast %add3A_327 : i32 to index
      %get3A_339 = arith.constant 16 : index
      %get3A_340 = tpu.vector_load %arg10[%get3A_338, %get3A_339] {strides = array<i32>} : memref<256x32xf32, #tpu.memory_space<vmem>>, vector<16xf32>,
      %mul3A_341 = arith.mulf %get3A_337, %get3A_340 : vector<16xf32>
      %add3A_342 = arith.addf %mul3A_334, %mul3A_341 : vector<16xf32>
      %mul3A_343 = arith.constant 16 : i32
      %mul3A_344 = vector.broadcast %mul3A_343 : i32 to vector<16xi32>
      %mul3A_345 = arith.muli %iota3A, %mul3A_344 : vector<16xi32>
      %add3A_346 = arith.constant 11 : i32
      %add3A_347 = vector.broadcast %add3A_346 : i32 to vector<16xi32>
      %add3A_348 = arith.addi %mul3A_345, %add3A_347 : vector<16xi32>
      tpu.vector_store_idx %arg11[%add3A_348], %add3A_342 : memref<256xf32, #tpu.memory_space<vmem>>[vector<16xi32>], vector<16xf32>,
      %mul3A_349 = arith.constant 16 : i32
      %mul3A_350 = arith.muli %scan3A_49, %mul3A_349 : i32
      %add3A_351 = arith.constant 12 : i32
      %add3A_352 = arith.addi %mul3A_350, %add3A_351 : i32
      %get3A_353 = arith.index_cast %add3A_352 : i32 to index
      %get3A_354 = arith.constant 0 : index
      %get3A_355 = tpu.vector_load %arg9[%get3A_353, %get3A_354] {strides = array<i32>} : memref<256x32xf32, #tpu.memory_space<vmem>>, vector<16xf32>,
      %get3A_356 = arith.index_cast %add3A_352 : i32 to index
      %get3A_357 = arith.constant 0 : index
      %get3A_358 = tpu.vector_load %arg10[%get3A_356, %get3A_357] {strides = array<i32>} : memref<256x32xf32, #tpu.memory_space<vmem>>, vector<16xf32>,
      %mul3A_359 = arith.mulf %get3A_355, %get3A_358 : vector<16xf32>
      %get3A_360 = arith.index_cast %add3A_352 : i32 to index
      %get3A_361 = arith.constant 16 : index
      %get3A_362 = tpu.vector_load %arg9[%get3A_360, %get3A_361] {strides = array<i32>} : memref<256x32xf32, #tpu.memory_space<vmem>>, vector<16xf32>,
      %get3A_363 = arith.index_cast %add3A_352 : i32 to index
      %get3A_364 = arith.constant 16 : index
      %get3A_365 = tpu.vector_load %arg10[%get3A_363, %get3A_364] {strides = array<i32>} : memref<256x32xf32, #tpu.memory_space<vmem>>, vector<16xf32>,
      %mul3A_366 = arith.mulf %get3A_362, %get3A_365 : vector<16xf32>
      %add3A_367 = arith.addf %mul3A_359, %mul3A_366 : vector<16xf32>
      %mul3A_368 = arith.constant 16 : i32
      %mul3A_369 = vector.broadcast %mul3A_368 : i32 to vector<16xi32>
      %mul3A_370 = arith.muli %iota3A, %mul3A_369 : vector<16xi32>
      %add3A_371 = arith.constant 12 : i32
      %add3A_372 = vector.broadcast %add3A_371 : i32 to vector<16xi32>
      %add3A_373 = arith.addi %mul3A_370, %add3A_372 : vector<16xi32>
      tpu.vector_store_idx %arg11[%add3A_373], %add3A_367 : memref<256xf32, #tpu.memory_space<vmem>>[vector<16xi32>], vector<16xf32>,
      %mul3A_374 = arith.constant 16 : i32
      %mul3A_375 = arith.muli %scan3A_49, %mul3A_374 : i32
      %add3A_376 = arith.constant 13 : i32
      %add3A_377 = arith.addi %mul3A_375, %add3A_376 : i32
      %get3A_378 = arith.index_cast %add3A_377 : i32 to index
      %get3A_379 = arith.constant 0 : index
      %get3A_380 = tpu.vector_load %arg9[%get3A_378, %get3A_379] {strides = array<i32>} : memref<256x32xf32, #tpu.memory_space<vmem>>, vector<16xf32>,
      %get3A_381 = arith.index_cast %add3A_377 : i32 to index
      %get3A_382 = arith.constant 0 : index
      %get3A_383 = tpu.vector_load %arg10[%get3A_381, %get3A_382] {strides = array<i32>} : memref<256x32xf32, #tpu.memory_space<vmem>>, vector<16xf32>,
      %mul3A_384 = arith.mulf %get3A_380, %get3A_383 : vector<16xf32>
      %get3A_385 = arith.index_cast %add3A_377 : i32 to index
      %get3A_386 = arith.constant 16 : index
      %get3A_387 = tpu.vector_load %arg9[%get3A_385, %get3A_386] {strides = array<i32>} : memref<256x32xf32, #tpu.memory_space<vmem>>, vector<16xf32>,
      %get3A_388 = arith.index_cast %add3A_377 : i32 to index
      %get3A_389 = arith.constant 16 : index
      %get3A_390 = tpu.vector_load %arg10[%get3A_388, %get3A_389] {strides = array<i32>} : memref<256x32xf32, #tpu.memory_space<vmem>>, vector<16xf32>,
      %mul3A_391 = arith.mulf %get3A_387, %get3A_390 : vector<16xf32>
      %add3A_392 = arith.addf %mul3A_384, %mul3A_391 : vector<16xf32>
      %mul3A_393 = arith.constant 16 : i32
      %mul3A_394 = vector.broadcast %mul3A_393 : i32 to vector<16xi32>
      %mul3A_395 = arith.muli %iota3A, %mul3A_394 : vector<16xi32>
      %add3A_396 = arith.constant 13 : i32
      %add3A_397 = vector.broadcast %add3A_396 : i32 to vector<16xi32>
      %add3A_398 = arith.addi %mul3A_395, %add3A_397 : vector<16xi32>
      tpu.vector_store_idx %arg11[%add3A_398], %add3A_392 : memref<256xf32, #tpu.memory_space<vmem>>[vector<16xi32>], vector<16xf32>,
      %mul3A_399 = arith.constant 16 : i32
      %mul3A_400 = arith.muli %scan3A_49, %mul3A_399 : i32
      %add3A_401 = arith.constant 14 : i32
      %add3A_402 = arith.addi %mul3A_400, %add3A_401 : i32
      %get3A_403 = arith.index_cast %add3A_402 : i32 to index
      %get3A_404 = arith.constant 0 : index
      %get3A_405 = tpu.vector_load %arg9[%get3A_403, %get3A_404] {strides = array<i32>} : memref<256x32xf32, #tpu.memory_space<vmem>>, vector<16xf32>,
      %get3A_406 = arith.index_cast %add3A_402 : i32 to index
      %get3A_407 = arith.constant 0 : index
      %get3A_408 = tpu.vector_load %arg10[%get3A_406, %get3A_407] {strides = array<i32>} : memref<256x32xf32, #tpu.memory_space<vmem>>, vector<16xf32>,
      %mul3A_409 = arith.mulf %get3A_405, %get3A_408 : vector<16xf32>
      %get3A_410 = arith.index_cast %add3A_402 : i32 to index
      %get3A_411 = arith.constant 16 : index
      %get3A_412 = tpu.vector_load %arg9[%get3A_410, %get3A_411] {strides = array<i32>} : memref<256x32xf32, #tpu.memory_space<vmem>>, vector<16xf32>,
      %get3A_413 = arith.index_cast %add3A_402 : i32 to index
      %get3A_414 = arith.constant 16 : index
      %get3A_415 = tpu.vector_load %arg10[%get3A_413, %get3A_414] {strides = array<i32>} : memref<256x32xf32, #tpu.memory_space<vmem>>, vector<16xf32>,
      %mul3A_416 = arith.mulf %get3A_412, %get3A_415 : vector<16xf32>
      %add3A_417 = arith.addf %mul3A_409, %mul3A_416 : vector<16xf32>
      %mul3A_418 = arith.constant 16 : i32
      %mul3A_419 = vector.broadcast %mul3A_418 : i32 to vector<16xi32>
      %mul3A_420 = arith.muli %iota3A, %mul3A_419 : vector<16xi32>
      %add3A_421 = arith.constant 14 : i32
      %add3A_422 = vector.broadcast %add3A_421 : i32 to vector<16xi32>
      %add3A_423 = arith.addi %mul3A_420, %add3A_422 : vector<16xi32>
      tpu.vector_store_idx %arg11[%add3A_423], %add3A_417 : memref<256xf32, #tpu.memory_space<vmem>>[vector<16xi32>], vector<16xf32>,
      %mul3A_424 = arith.constant 16 : i32
      %mul3A_425 = arith.muli %scan3A_49, %mul3A_424 : i32
      %add3A_426 = arith.constant 15 : i32
      %add3A_427 = arith.addi %mul3A_425, %add3A_426 : i32
      %get3A_428 = arith.index_cast %add3A_427 : i32 to index
      %get3A_429 = arith.constant 0 : index
      %get3A_430 = tpu.vector_load %arg9[%get3A_428, %get3A_429] {strides = array<i32>} : memref<256x32xf32, #tpu.memory_space<vmem>>, vector<16xf32>,
      %get3A_431 = arith.index_cast %add3A_427 : i32 to index
      %get3A_432 = arith.constant 0 : index
      %get3A_433 = tpu.vector_load %arg10[%get3A_431, %get3A_432] {strides = array<i32>} : memref<256x32xf32, #tpu.memory_space<vmem>>, vector<16xf32>,
      %mul3A_434 = arith.mulf %get3A_430, %get3A_433 : vector<16xf32>
      %get3A_435 = arith.index_cast %add3A_427 : i32 to index
      %get3A_436 = arith.constant 16 : index
      %get3A_437 = tpu.vector_load %arg9[%get3A_435, %get3A_436] {strides = array<i32>} : memref<256x32xf32, #tpu.memory_space<vmem>>, vector<16xf32>,
      %get3A_438 = arith.index_cast %add3A_427 : i32 to index
      %get3A_439 = arith.constant 16 : index
      %get3A_440 = tpu.vector_load %arg10[%get3A_438, %get3A_439] {strides = array<i32>} : memref<256x32xf32, #tpu.memory_space<vmem>>, vector<16xf32>,
      %mul3A_441 = arith.mulf %get3A_437, %get3A_440 : vector<16xf32>
      %add3A_442 = arith.addf %mul3A_434, %mul3A_441 : vector<16xf32>
      %mul3A_443 = arith.constant 16 : i32
      %mul3A_444 = vector.broadcast %mul3A_443 : i32 to vector<16xi32>
      %mul3A_445 = arith.muli %iota3A, %mul3A_444 : vector<16xi32>
      %add3A_446 = arith.constant 15 : i32
      %add3A_447 = vector.broadcast %add3A_446 : i32 to vector<16xi32>
      %add3A_448 = arith.addi %mul3A_445, %add3A_447 : vector<16xi32>
      tpu.vector_store_idx %arg11[%add3A_448], %add3A_442 : memref<256xf32, #tpu.memory_space<vmem>>[vector<16xi32>], vector<16xf32>,
      %get3A_449 = arith.constant 0 : index
      %get3A_450 = tpu.vector_load %arg11[%get3A_449] {strides = array<i32>} : memref<256xf32, #tpu.memory_space<vmem>>, vector<16xf32>,
      %get3A_451 = arith.constant 16 : index
      %get3A_452 = tpu.vector_load %arg11[%get3A_451] {strides = array<i32>} : memref<256xf32, #tpu.memory_space<vmem>>, vector<16xf32>,
      %add3A_453 = arith.addf %get3A_450, %get3A_452 : vector<16xf32>
      %get3A_454 = arith.constant 32 : index
      %get3A_455 = tpu.vector_load %arg11[%get3A_454] {strides = array<i32>} : memref<256xf32, #tpu.memory_space<vmem>>, vector<16xf32>,
      %add3A_456 = arith.addf %add3A_453, %get3A_455 : vector<16xf32>
      %get3A_457 = arith.constant 48 : index
      %get3A_458 = tpu.vector_load %arg11[%get3A_457] {strides = array<i32>} : memref<256xf32, #tpu.memory_space<vmem>>, vector<16xf32>,
      %add3A_459 = arith.addf %add3A_456, %get3A_458 : vector<16xf32>
      %get3A_460 = arith.constant 64 : index
      %get3A_461 = tpu.vector_load %arg11[%get3A_460] {strides = array<i32>} : memref<256xf32, #tpu.memory_space<vmem>>, vector<16xf32>,
      %add3A_462 = arith.addf %add3A_459, %get3A_461 : vector<16xf32>
      %get3A_463 = arith.constant 80 : index
      %get3A_464 = tpu.vector_load %arg11[%get3A_463] {strides = array<i32>} : memref<256xf32, #tpu.memory_space<vmem>>, vector<16xf32>,
      %add3A_465 = arith.addf %add3A_462, %get3A_464 : vector<16xf32>
      %get3A_466 = arith.constant 96 : index
      %get3A_467 = tpu.vector_load %arg11[%get3A_466] {strides = array<i32>} : memref<256xf32, #tpu.memory_space<vmem>>, vector<16xf32>,
      %add3A_468 = arith.addf %add3A_465, %get3A_467 : vector<16xf32>
      %get3A_469 = arith.constant 112 : index
      %get3A_470 = tpu.vector_load %arg11[%get3A_469] {strides = array<i32>} : memref<256xf32, #tpu.memory_space<vmem>>, vector<16xf32>,
      %add3A_471 = arith.addf %add3A_468, %get3A_470 : vector<16xf32>
      %get3A_472 = arith.constant 128 : index
      %get3A_473 = tpu.vector_load %arg11[%get3A_472] {strides = array<i32>} : memref<256xf32, #tpu.memory_space<vmem>>, vector<16xf32>,
      %add3A_474 = arith.addf %add3A_471, %get3A_473 : vector<16xf32>
      %get3A_475 = arith.constant 144 : index
      %get3A_476 = tpu.vector_load %arg11[%get3A_475] {strides = array<i32>} : memref<256xf32, #tpu.memory_space<vmem>>, vector<16xf32>,
      %add3A_477 = arith.addf %add3A_474, %get3A_476 : vector<16xf32>
      %get3A_478 = arith.constant 160 : index
      %get3A_479 = tpu.vector_load %arg11[%get3A_478] {strides = array<i32>} : memref<256xf32, #tpu.memory_space<vmem>>, vector<16xf32>,
      %add3A_480 = arith.addf %add3A_477, %get3A_479 : vector<16xf32>
      %get3A_481 = arith.constant 176 : index
      %get3A_482 = tpu.vector_load %arg11[%get3A_481] {strides = array<i32>} : memref<256xf32, #tpu.memory_space<vmem>>, vector<16xf32>,
      %add3A_483 = arith.addf %add3A_480, %get3A_482 : vector<16xf32>
      %get3A_484 = arith.constant 192 : index
      %get3A_485 = tpu.vector_load %arg11[%get3A_484] {strides = array<i32>} : memref<256xf32, #tpu.memory_space<vmem>>, vector<16xf32>,
      %add3A_486 = arith.addf %add3A_483, %get3A_485 : vector<16xf32>
      %get3A_487 = arith.constant 208 : index
      %get3A_488 = tpu.vector_load %arg11[%get3A_487] {strides = array<i32>} : memref<256xf32, #tpu.memory_space<vmem>>, vector<16xf32>,
      %add3A_489 = arith.addf %add3A_486, %get3A_488 : vector<16xf32>
      %get3A_490 = arith.constant 224 : index
      %get3A_491 = tpu.vector_load %arg11[%get3A_490] {strides = array<i32>} : memref<256xf32, #tpu.memory_space<vmem>>, vector<16xf32>,
      %add3A_492 = arith.addf %add3A_489, %get3A_491 : vector<16xf32>
      %get3A_493 = arith.constant 240 : index
      %get3A_494 = tpu.vector_load %arg11[%get3A_493] {strides = array<i32>} : memref<256xf32, #tpu.memory_space<vmem>>, vector<16xf32>,
      %add3A_495 = arith.addf %add3A_492, %get3A_494 : vector<16xf32>
      %mul3A_496 = arith.constant 16 : i32
      %mul3A_497 = arith.muli %scan3A_49, %mul3A_496 : i32
      %add3A_498 = arith.constant 0 : i32
      %add3A_499 = arith.addi %add3A_498, %mul3A_497 : i32
      %swap3A = arith.index_cast %add3A_499 : i32 to index
      %swap3A_500 = tpu.vector_load %arg12[%swap3A] {strides = array<i32>} : memref<512xf32, #tpu.memory_space<vmem>>, vector<16xf32>,
      tpu.vector_store %arg12[%swap3A], %add3A_495 {strides = array<i32>} : memref<512xf32, #tpu.memory_space<vmem>>, vector<16xf32>,
    }
    %scan3A_24 = arith.constant 16 : i32
    %scan3A_25 = arith.constant 0 : i32
    %scan3A_26 = arith.constant 0 : i32
    %scan3A_27 = arith.constant 16 : i32
    %scan3A_28 = arith.addi %scan3A_26, %scan3A_27 : i32
    %scan3A_29 = arith.constant 1 : i32
    scf.for %scan3A_49 = %scan3A_26 to %scan3A_28 step %scan3A_29  : i32 {
      %mul3A_50 = arith.constant 16 : i32
      %mul3A_51 = arith.muli %scan3A_49, %mul3A_50 : i32
      %add3A_52 = arith.constant 256 : i32
      %add3A_53 = arith.addi %add3A_52, %mul3A_51 : i32
      %get3A = arith.index_cast %add3A_53 : i32 to index
      %get3A_54 = tpu.vector_load %arg7[%get3A] {strides = array<i32>} : memref<512xi32, #tpu.memory_space<vmem>>, vector<16xi32>,
      %mul3A_55 = arith.constant 16 : i32
      %mul3A_56 = arith.muli %scan3A_49, %mul3A_55 : i32
      %add3A_57 = arith.constant 256 : i32
      %add3A_58 = arith.addi %add3A_57, %mul3A_56 : i32
      %get3A_59 = arith.index_cast %add3A_58 : i32 to index
      %get3A_60 = tpu.vector_load %arg8[%get3A_59] {strides = array<i32>} : memref<512xi32, #tpu.memory_space<vmem>>, vector<16xi32>,
      %mul3A_61 = arith.constant 16 : i32
      %mul3A_62 = arith.muli %scan3A_49, %mul3A_61 : i32
      %add3A_63 = arith.constant 0 : i32
      %add3A_64 = arith.addi %mul3A_62, %add3A_63 : i32
      %slice3A = vector.extract_strided_slice %get3A_54 {offsets = [0], sizes = [1], strides = [1]} : vector<16xi32> to vector<1xi32>
      %squeeze3A = vector.extract %slice3A[0] : i32 from vector<1xi32>
      %dma_start3A = arith.constant 0 : i32
      %dma_start3A_65 = tpu.memref_slice %arg9[%add3A_64, %dma_start3A] : memref<256x32xf32, #tpu.memory_space<vmem>> -> memref<1x32xf32, #tpu.memory_space<vmem>>
      %dma_start3A_66 = arith.constant 0 : i32
      %dma_start3A_67 = tpu.memref_slice %arg4[%squeeze3A, %dma_start3A_66] : memref<1000001x32xf32, #tpu.memory_space<hbm>> -> memref<1x32xf32, #tpu.memory_space<hbm>>
      %dma_start3A_68 = arith.constant 0 : i32
      %dma_start3A_69 = tpu.memref_slice %arg9[%add3A_64, %dma_start3A_68] : memref<256x32xf32, #tpu.memory_space<vmem>> -> memref<1x32xf32, #tpu.memory_space<vmem>>
      %dma_start3A_70 = arith.constant 0 : i32
      %dma_start3A_71 = tpu.memref_slice %arg4[%squeeze3A, %dma_start3A_70] : memref<1000001x32xf32, #tpu.memory_space<hbm>> -> memref<1x32xf32, #tpu.memory_space<hbm>>
      tpu.enqueue_dma source(%dma_start3A_71 : memref<1x32xf32, #tpu.memory_space<hbm>>) target(%dma_start3A_69 : memref<1x32xf32, #tpu.memory_space<vmem>>) target_semaphore(%arg13 : memref<!tpu.dma_semaphore, #tpu.memory_space<semaphore_mem>>)
      %slice3A_72 = vector.extract_strided_slice %get3A_60 {offsets = [0], sizes = [1], strides = [1]} : vector<16xi32> to vector<1xi32>
      %squeeze3A_73 = vector.extract %slice3A_72[0] : i32 from vector<1xi32>
      %dma_start3A_74 = arith.constant 0 : i32
      %dma_start3A_75 = tpu.memref_slice %arg10[%add3A_64, %dma_start3A_74] : memref<256x32xf32, #tpu.memory_space<vmem>> -> memref<1x32xf32, #tpu.memory_space<vmem>>
      %dma_start3A_76 = arith.constant 0 : i32
      %dma_start3A_77 = tpu.memref_slice %arg5[%squeeze3A_73, %dma_start3A_76] : memref<1000001x32xf32, #tpu.memory_space<hbm>> -> memref<1x32xf32, #tpu.memory_space<hbm>>
      %dma_start3A_78 = arith.constant 0 : i32
      %dma_start3A_79 = tpu.memref_slice %arg10[%add3A_64, %dma_start3A_78] : memref<256x32xf32, #tpu.memory_space<vmem>> -> memref<1x32xf32, #tpu.memory_space<vmem>>
      %dma_start3A_80 = arith.constant 0 : i32
      %dma_start3A_81 = tpu.memref_slice %arg5[%squeeze3A_73, %dma_start3A_80] : memref<1000001x32xf32, #tpu.memory_space<hbm>> -> memref<1x32xf32, #tpu.memory_space<hbm>>
      tpu.enqueue_dma source(%dma_start3A_81 : memref<1x32xf32, #tpu.memory_space<hbm>>) target(%dma_start3A_79 : memref<1x32xf32, #tpu.memory_space<vmem>>) target_semaphore(%arg14 : memref<!tpu.dma_semaphore, #tpu.memory_space<semaphore_mem>>)
      %mul3A_82 = arith.constant 16 : i32
      %mul3A_83 = arith.muli %scan3A_49, %mul3A_82 : i32
      %add3A_84 = arith.constant 1 : i32
      %add3A_85 = arith.addi %mul3A_83, %add3A_84 : i32
      %slice3A_86 = vector.extract_strided_slice %get3A_54 {offsets = [1], sizes = [1], strides = [1]} : vector<16xi32> to vector<1xi32>
      %squeeze3A_87 = vector.extract %slice3A_86[0] : i32 from vector<1xi32>
      %dma_start3A_88 = arith.constant 0 : i32
      %dma_start3A_89 = tpu.memref_slice %arg9[%add3A_85, %dma_start3A_88] : memref<256x32xf32, #tpu.memory_space<vmem>> -> memref<1x32xf32, #tpu.memory_space<vmem>>
      %dma_start3A_90 = arith.constant 0 : i32
      %dma_start3A_91 = tpu.memref_slice %arg4[%squeeze3A_87, %dma_start3A_90] : memref<1000001x32xf32, #tpu.memory_space<hbm>> -> memref<1x32xf32, #tpu.memory_space<hbm>>
      %dma_start3A_92 = arith.constant 0 : i32
      %dma_start3A_93 = tpu.memref_slice %arg9[%add3A_85, %dma_start3A_92] : memref<256x32xf32, #tpu.memory_space<vmem>> -> memref<1x32xf32, #tpu.memory_space<vmem>>
      %dma_start3A_94 = arith.constant 0 : i32
      %dma_start3A_95 = tpu.memref_slice %arg4[%squeeze3A_87, %dma_start3A_94] : memref<1000001x32xf32, #tpu.memory_space<hbm>> -> memref<1x32xf32, #tpu.memory_space<hbm>>
      tpu.enqueue_dma source(%dma_start3A_95 : memref<1x32xf32, #tpu.memory_space<hbm>>) target(%dma_start3A_93 : memref<1x32xf32, #tpu.memory_space<vmem>>) target_semaphore(%arg13 : memref<!tpu.dma_semaphore, #tpu.memory_space<semaphore_mem>>)
      %slice3A_96 = vector.extract_strided_slice %get3A_60 {offsets = [1], sizes = [1], strides = [1]} : vector<16xi32> to vector<1xi32>
      %squeeze3A_97 = vector.extract %slice3A_96[0] : i32 from vector<1xi32>
      %dma_start3A_98 = arith.constant 0 : i32
      %dma_start3A_99 = tpu.memref_slice %arg10[%add3A_85, %dma_start3A_98] : memref<256x32xf32, #tpu.memory_space<vmem>> -> memref<1x32xf32, #tpu.memory_space<vmem>>
      %dma_start3A_100 = arith.constant 0 : i32
      %dma_start3A_101 = tpu.memref_slice %arg5[%squeeze3A_97, %dma_start3A_100] : memref<1000001x32xf32, #tpu.memory_space<hbm>> -> memref<1x32xf32, #tpu.memory_space<hbm>>
      %dma_start3A_102 = arith.constant 0 : i32
      %dma_start3A_103 = tpu.memref_slice %arg10[%add3A_85, %dma_start3A_102] : memref<256x32xf32, #tpu.memory_space<vmem>> -> memref<1x32xf32, #tpu.memory_space<vmem>>
      %dma_start3A_104 = arith.constant 0 : i32
      %dma_start3A_105 = tpu.memref_slice %arg5[%squeeze3A_97, %dma_start3A_104] : memref<1000001x32xf32, #tpu.memory_space<hbm>> -> memref<1x32xf32, #tpu.memory_space<hbm>>
      tpu.enqueue_dma source(%dma_start3A_105 : memref<1x32xf32, #tpu.memory_space<hbm>>) target(%dma_start3A_103 : memref<1x32xf32, #tpu.memory_space<vmem>>) target_semaphore(%arg14 : memref<!tpu.dma_semaphore, #tpu.memory_space<semaphore_mem>>)
      %mul3A_106 = arith.constant 16 : i32
      %mul3A_107 = arith.muli %scan3A_49, %mul3A_106 : i32
      %add3A_108 = arith.constant 2 : i32
      %add3A_109 = arith.addi %mul3A_107, %add3A_108 : i32
      %slice3A_110 = vector.extract_strided_slice %get3A_54 {offsets = [2], sizes = [1], strides = [1]} : vector<16xi32> to vector<1xi32>
      %squeeze3A_111 = vector.extract %slice3A_110[0] : i32 from vector<1xi32>
      %dma_start3A_112 = arith.constant 0 : i32
      %dma_start3A_113 = tpu.memref_slice %arg9[%add3A_109, %dma_start3A_112] : memref<256x32xf32, #tpu.memory_space<vmem>> -> memref<1x32xf32, #tpu.memory_space<vmem>>
      %dma_start3A_114 = arith.constant 0 : i32
      %dma_start3A_115 = tpu.memref_slice %arg4[%squeeze3A_111, %dma_start3A_114] : memref<1000001x32xf32, #tpu.memory_space<hbm>> -> memref<1x32xf32, #tpu.memory_space<hbm>>
      %dma_start3A_116 = arith.constant 0 : i32
      %dma_start3A_117 = tpu.memref_slice %arg9[%add3A_109, %dma_start3A_116] : memref<256x32xf32, #tpu.memory_space<vmem>> -> memref<1x32xf32, #tpu.memory_space<vmem>>
      %dma_start3A_118 = arith.constant 0 : i32
      %dma_start3A_119 = tpu.memref_slice %arg4[%squeeze3A_111, %dma_start3A_118] : memref<1000001x32xf32, #tpu.memory_space<hbm>> -> memref<1x32xf32, #tpu.memory_space<hbm>>
      tpu.enqueue_dma source(%dma_start3A_119 : memref<1x32xf32, #tpu.memory_space<hbm>>) target(%dma_start3A_117 : memref<1x32xf32, #tpu.memory_space<vmem>>) target_semaphore(%arg13 : memref<!tpu.dma_semaphore, #tpu.memory_space<semaphore_mem>>)
      %slice3A_120 = vector.extract_strided_slice %get3A_60 {offsets = [2], sizes = [1], strides = [1]} : vector<16xi32> to vector<1xi32>
      %squeeze3A_121 = vector.extract %slice3A_120[0] : i32 from vector<1xi32>
      %dma_start3A_122 = arith.constant 0 : i32
      %dma_start3A_123 = tpu.memref_slice %arg10[%add3A_109, %dma_start3A_122] : memref<256x32xf32, #tpu.memory_space<vmem>> -> memref<1x32xf32, #tpu.memory_space<vmem>>
      %dma_start3A_124 = arith.constant 0 : i32
      %dma_start3A_125 = tpu.memref_slice %arg5[%squeeze3A_121, %dma_start3A_124] : memref<1000001x32xf32, #tpu.memory_space<hbm>> -> memref<1x32xf32, #tpu.memory_space<hbm>>
      %dma_start3A_126 = arith.constant 0 : i32
      %dma_start3A_127 = tpu.memref_slice %arg10[%add3A_109, %dma_start3A_126] : memref<256x32xf32, #tpu.memory_space<vmem>> -> memref<1x32xf32, #tpu.memory_space<vmem>>
      %dma_start3A_128 = arith.constant 0 : i32
      %dma_start3A_129 = tpu.memref_slice %arg5[%squeeze3A_121, %dma_start3A_128] : memref<1000001x32xf32, #tpu.memory_space<hbm>> -> memref<1x32xf32, #tpu.memory_space<hbm>>
      tpu.enqueue_dma source(%dma_start3A_129 : memref<1x32xf32, #tpu.memory_space<hbm>>) target(%dma_start3A_127 : memref<1x32xf32, #tpu.memory_space<vmem>>) target_semaphore(%arg14 : memref<!tpu.dma_semaphore, #tpu.memory_space<semaphore_mem>>)
      %mul3A_130 = arith.constant 16 : i32
      %mul3A_131 = arith.muli %scan3A_49, %mul3A_130 : i32
      %add3A_132 = arith.constant 3 : i32
      %add3A_133 = arith.addi %mul3A_131, %add3A_132 : i32
      %slice3A_134 = vector.extract_strided_slice %get3A_54 {offsets = [3], sizes = [1], strides = [1]} : vector<16xi32> to vector<1xi32>
      %squeeze3A_135 = vector.extract %slice3A_134[0] : i32 from vector<1xi32>
      %dma_start3A_136 = arith.constant 0 : i32
      %dma_start3A_137 = tpu.memref_slice %arg9[%add3A_133, %dma_start3A_136] : memref<256x32xf32, #tpu.memory_space<vmem>> -> memref<1x32xf32, #tpu.memory_space<vmem>>
      %dma_start3A_138 = arith.constant 0 : i32
      %dma_start3A_139 = tpu.memref_slice %arg4[%squeeze3A_135, %dma_start3A_138] : memref<1000001x32xf32, #tpu.memory_space<hbm>> -> memref<1x32xf32, #tpu.memory_space<hbm>>
      %dma_start3A_140 = arith.constant 0 : i32
      %dma_start3A_141 = tpu.memref_slice %arg9[%add3A_133, %dma_start3A_140] : memref<256x32xf32, #tpu.memory_space<vmem>> -> memref<1x32xf32, #tpu.memory_space<vmem>>
      %dma_start3A_142 = arith.constant 0 : i32
      %dma_start3A_143 = tpu.memref_slice %arg4[%squeeze3A_135, %dma_start3A_142] : memref<1000001x32xf32, #tpu.memory_space<hbm>> -> memref<1x32xf32, #tpu.memory_space<hbm>>
      tpu.enqueue_dma source(%dma_start3A_143 : memref<1x32xf32, #tpu.memory_space<hbm>>) target(%dma_start3A_141 : memref<1x32xf32, #tpu.memory_space<vmem>>) target_semaphore(%arg13 : memref<!tpu.dma_semaphore, #tpu.memory_space<semaphore_mem>>)
      %slice3A_144 = vector.extract_strided_slice %get3A_60 {offsets = [3], sizes = [1], strides = [1]} : vector<16xi32> to vector<1xi32>
      %squeeze3A_145 = vector.extract %slice3A_144[0] : i32 from vector<1xi32>
      %dma_start3A_146 = arith.constant 0 : i32
      %dma_start3A_147 = tpu.memref_slice %arg10[%add3A_133, %dma_start3A_146] : memref<256x32xf32, #tpu.memory_space<vmem>> -> memref<1x32xf32, #tpu.memory_space<vmem>>
      %dma_start3A_148 = arith.constant 0 : i32
      %dma_start3A_149 = tpu.memref_slice %arg5[%squeeze3A_145, %dma_start3A_148] : memref<1000001x32xf32, #tpu.memory_space<hbm>> -> memref<1x32xf32, #tpu.memory_space<hbm>>
      %dma_start3A_150 = arith.constant 0 : i32
      %dma_start3A_151 = tpu.memref_slice %arg10[%add3A_133, %dma_start3A_150] : memref<256x32xf32, #tpu.memory_space<vmem>> -> memref<1x32xf32, #tpu.memory_space<vmem>>
      %dma_start3A_152 = arith.constant 0 : i32
      %dma_start3A_153 = tpu.memref_slice %arg5[%squeeze3A_145, %dma_start3A_152] : memref<1000001x32xf32, #tpu.memory_space<hbm>> -> memref<1x32xf32, #tpu.memory_space<hbm>>
      tpu.enqueue_dma source(%dma_start3A_153 : memref<1x32xf32, #tpu.memory_space<hbm>>) target(%dma_start3A_151 : memref<1x32xf32, #tpu.memory_space<vmem>>) target_semaphore(%arg14 : memref<!tpu.dma_semaphore, #tpu.memory_space<semaphore_mem>>)
      %mul3A_154 = arith.constant 16 : i32
      %mul3A_155 = arith.muli %scan3A_49, %mul3A_154 : i32
      %add3A_156 = arith.constant 4 : i32
      %add3A_157 = arith.addi %mul3A_155, %add3A_156 : i32
      %slice3A_158 = vector.extract_strided_slice %get3A_54 {offsets = [4], sizes = [1], strides = [1]} : vector<16xi32> to vector<1xi32>
      %squeeze3A_159 = vector.extract %slice3A_158[0] : i32 from vector<1xi32>
      %dma_start3A_160 = arith.constant 0 : i32
      %dma_start3A_161 = tpu.memref_slice %arg9[%add3A_157, %dma_start3A_160] : memref<256x32xf32, #tpu.memory_space<vmem>> -> memref<1x32xf32, #tpu.memory_space<vmem>>
      %dma_start3A_162 = arith.constant 0 : i32
      %dma_start3A_163 = tpu.memref_slice %arg4[%squeeze3A_159, %dma_start3A_162] : memref<1000001x32xf32, #tpu.memory_space<hbm>> -> memref<1x32xf32, #tpu.memory_space<hbm>>
      %dma_start3A_164 = arith.constant 0 : i32
      %dma_start3A_165 = tpu.memref_slice %arg9[%add3A_157, %dma_start3A_164] : memref<256x32xf32, #tpu.memory_space<vmem>> -> memref<1x32xf32, #tpu.memory_space<vmem>>
      %dma_start3A_166 = arith.constant 0 : i32
      %dma_start3A_167 = tpu.memref_slice %arg4[%squeeze3A_159, %dma_start3A_166] : memref<1000001x32xf32, #tpu.memory_space<hbm>> -> memref<1x32xf32, #tpu.memory_space<hbm>>
      tpu.enqueue_dma source(%dma_start3A_167 : memref<1x32xf32, #tpu.memory_space<hbm>>) target(%dma_start3A_165 : memref<1x32xf32, #tpu.memory_space<vmem>>) target_semaphore(%arg13 : memref<!tpu.dma_semaphore, #tpu.memory_space<semaphore_mem>>)
      %slice3A_168 = vector.extract_strided_slice %get3A_60 {offsets = [4], sizes = [1], strides = [1]} : vector<16xi32> to vector<1xi32>
      %squeeze3A_169 = vector.extract %slice3A_168[0] : i32 from vector<1xi32>
      %dma_start3A_170 = arith.constant 0 : i32
      %dma_start3A_171 = tpu.memref_slice %arg10[%add3A_157, %dma_start3A_170] : memref<256x32xf32, #tpu.memory_space<vmem>> -> memref<1x32xf32, #tpu.memory_space<vmem>>
      %dma_start3A_172 = arith.constant 0 : i32
      %dma_start3A_173 = tpu.memref_slice %arg5[%squeeze3A_169, %dma_start3A_172] : memref<1000001x32xf32, #tpu.memory_space<hbm>> -> memref<1x32xf32, #tpu.memory_space<hbm>>
      %dma_start3A_174 = arith.constant 0 : i32
      %dma_start3A_175 = tpu.memref_slice %arg10[%add3A_157, %dma_start3A_174] : memref<256x32xf32, #tpu.memory_space<vmem>> -> memref<1x32xf32, #tpu.memory_space<vmem>>
      %dma_start3A_176 = arith.constant 0 : i32
      %dma_start3A_177 = tpu.memref_slice %arg5[%squeeze3A_169, %dma_start3A_176] : memref<1000001x32xf32, #tpu.memory_space<hbm>> -> memref<1x32xf32, #tpu.memory_space<hbm>>
      tpu.enqueue_dma source(%dma_start3A_177 : memref<1x32xf32, #tpu.memory_space<hbm>>) target(%dma_start3A_175 : memref<1x32xf32, #tpu.memory_space<vmem>>) target_semaphore(%arg14 : memref<!tpu.dma_semaphore, #tpu.memory_space<semaphore_mem>>)
      %mul3A_178 = arith.constant 16 : i32
      %mul3A_179 = arith.muli %scan3A_49, %mul3A_178 : i32
      %add3A_180 = arith.constant 5 : i32
      %add3A_181 = arith.addi %mul3A_179, %add3A_180 : i32
      %slice3A_182 = vector.extract_strided_slice %get3A_54 {offsets = [5], sizes = [1], strides = [1]} : vector<16xi32> to vector<1xi32>
      %squeeze3A_183 = vector.extract %slice3A_182[0] : i32 from vector<1xi32>
      %dma_start3A_184 = arith.constant 0 : i32
      %dma_start3A_185 = tpu.memref_slice %arg9[%add3A_181, %dma_start3A_184] : memref<256x32xf32, #tpu.memory_space<vmem>> -> memref<1x32xf32, #tpu.memory_space<vmem>>
      %dma_start3A_186 = arith.constant 0 : i32
      %dma_start3A_187 = tpu.memref_slice %arg4[%squeeze3A_183, %dma_start3A_186] : memref<1000001x32xf32, #tpu.memory_space<hbm>> -> memref<1x32xf32, #tpu.memory_space<hbm>>
      %dma_start3A_188 = arith.constant 0 : i32
      %dma_start3A_189 = tpu.memref_slice %arg9[%add3A_181, %dma_start3A_188] : memref<256x32xf32, #tpu.memory_space<vmem>> -> memref<1x32xf32, #tpu.memory_space<vmem>>
      %dma_start3A_190 = arith.constant 0 : i32
      %dma_start3A_191 = tpu.memref_slice %arg4[%squeeze3A_183, %dma_start3A_190] : memref<1000001x32xf32, #tpu.memory_space<hbm>> -> memref<1x32xf32, #tpu.memory_space<hbm>>
      tpu.enqueue_dma source(%dma_start3A_191 : memref<1x32xf32, #tpu.memory_space<hbm>>) target(%dma_start3A_189 : memref<1x32xf32, #tpu.memory_space<vmem>>) target_semaphore(%arg13 : memref<!tpu.dma_semaphore, #tpu.memory_space<semaphore_mem>>)
      %slice3A_192 = vector.extract_strided_slice %get3A_60 {offsets = [5], sizes = [1], strides = [1]} : vector<16xi32> to vector<1xi32>
      %squeeze3A_193 = vector.extract %slice3A_192[0] : i32 from vector<1xi32>
      %dma_start3A_194 = arith.constant 0 : i32
      %dma_start3A_195 = tpu.memref_slice %arg10[%add3A_181, %dma_start3A_194] : memref<256x32xf32, #tpu.memory_space<vmem>> -> memref<1x32xf32, #tpu.memory_space<vmem>>
      %dma_start3A_196 = arith.constant 0 : i32
      %dma_start3A_197 = tpu.memref_slice %arg5[%squeeze3A_193, %dma_start3A_196] : memref<1000001x32xf32, #tpu.memory_space<hbm>> -> memref<1x32xf32, #tpu.memory_space<hbm>>
      %dma_start3A_198 = arith.constant 0 : i32
      %dma_start3A_199 = tpu.memref_slice %arg10[%add3A_181, %dma_start3A_198] : memref<256x32xf32, #tpu.memory_space<vmem>> -> memref<1x32xf32, #tpu.memory_space<vmem>>
      %dma_start3A_200 = arith.constant 0 : i32
      %dma_start3A_201 = tpu.memref_slice %arg5[%squeeze3A_193, %dma_start3A_200] : memref<1000001x32xf32, #tpu.memory_space<hbm>> -> memref<1x32xf32, #tpu.memory_space<hbm>>
      tpu.enqueue_dma source(%dma_start3A_201 : memref<1x32xf32, #tpu.memory_space<hbm>>) target(%dma_start3A_199 : memref<1x32xf32, #tpu.memory_space<vmem>>) target_semaphore(%arg14 : memref<!tpu.dma_semaphore, #tpu.memory_space<semaphore_mem>>)
      %mul3A_202 = arith.constant 16 : i32
      %mul3A_203 = arith.muli %scan3A_49, %mul3A_202 : i32
      %add3A_204 = arith.constant 6 : i32
      %add3A_205 = arith.addi %mul3A_203, %add3A_204 : i32
      %slice3A_206 = vector.extract_strided_slice %get3A_54 {offsets = [6], sizes = [1], strides = [1]} : vector<16xi32> to vector<1xi32>
      %squeeze3A_207 = vector.extract %slice3A_206[0] : i32 from vector<1xi32>
      %dma_start3A_208 = arith.constant 0 : i32
      %dma_start3A_209 = tpu.memref_slice %arg9[%add3A_205, %dma_start3A_208] : memref<256x32xf32, #tpu.memory_space<vmem>> -> memref<1x32xf32, #tpu.memory_space<vmem>>
      %dma_start3A_210 = arith.constant 0 : i32
      %dma_start3A_211 = tpu.memref_slice %arg4[%squeeze3A_207, %dma_start3A_210] : memref<1000001x32xf32, #tpu.memory_space<hbm>> -> memref<1x32xf32, #tpu.memory_space<hbm>>
      %dma_start3A_212 = arith.constant 0 : i32
      %dma_start3A_213 = tpu.memref_slice %arg9[%add3A_205, %dma_start3A_212] : memref<256x32xf32, #tpu.memory_space<vmem>> -> memref<1x32xf32, #tpu.memory_space<vmem>>
      %dma_start3A_214 = arith.constant 0 : i32
      %dma_start3A_215 = tpu.memref_slice %arg4[%squeeze3A_207, %dma_start3A_214] : memref<1000001x32xf32, #tpu.memory_space<hbm>> -> memref<1x32xf32, #tpu.memory_space<hbm>>
      tpu.enqueue_dma source(%dma_start3A_215 : memref<1x32xf32, #tpu.memory_space<hbm>>) target(%dma_start3A_213 : memref<1x32xf32, #tpu.memory_space<vmem>>) target_semaphore(%arg13 : memref<!tpu.dma_semaphore, #tpu.memory_space<semaphore_mem>>)
      %slice3A_216 = vector.extract_strided_slice %get3A_60 {offsets = [6], sizes = [1], strides = [1]} : vector<16xi32> to vector<1xi32>
      %squeeze3A_217 = vector.extract %slice3A_216[0] : i32 from vector<1xi32>
      %dma_start3A_218 = arith.constant 0 : i32
      %dma_start3A_219 = tpu.memref_slice %arg10[%add3A_205, %dma_start3A_218] : memref<256x32xf32, #tpu.memory_space<vmem>> -> memref<1x32xf32, #tpu.memory_space<vmem>>
      %dma_start3A_220 = arith.constant 0 : i32
      %dma_start3A_221 = tpu.memref_slice %arg5[%squeeze3A_217, %dma_start3A_220] : memref<1000001x32xf32, #tpu.memory_space<hbm>> -> memref<1x32xf32, #tpu.memory_space<hbm>>
      %dma_start3A_222 = arith.constant 0 : i32
      %dma_start3A_223 = tpu.memref_slice %arg10[%add3A_205, %dma_start3A_222] : memref<256x32xf32, #tpu.memory_space<vmem>> -> memref<1x32xf32, #tpu.memory_space<vmem>>
      %dma_start3A_224 = arith.constant 0 : i32
      %dma_start3A_225 = tpu.memref_slice %arg5[%squeeze3A_217, %dma_start3A_224] : memref<1000001x32xf32, #tpu.memory_space<hbm>> -> memref<1x32xf32, #tpu.memory_space<hbm>>
      tpu.enqueue_dma source(%dma_start3A_225 : memref<1x32xf32, #tpu.memory_space<hbm>>) target(%dma_start3A_223 : memref<1x32xf32, #tpu.memory_space<vmem>>) target_semaphore(%arg14 : memref<!tpu.dma_semaphore, #tpu.memory_space<semaphore_mem>>)
      %mul3A_226 = arith.constant 16 : i32
      %mul3A_227 = arith.muli %scan3A_49, %mul3A_226 : i32
      %add3A_228 = arith.constant 7 : i32
      %add3A_229 = arith.addi %mul3A_227, %add3A_228 : i32
      %slice3A_230 = vector.extract_strided_slice %get3A_54 {offsets = [7], sizes = [1], strides = [1]} : vector<16xi32> to vector<1xi32>
      %squeeze3A_231 = vector.extract %slice3A_230[0] : i32 from vector<1xi32>
      %dma_start3A_232 = arith.constant 0 : i32
      %dma_start3A_233 = tpu.memref_slice %arg9[%add3A_229, %dma_start3A_232] : memref<256x32xf32, #tpu.memory_space<vmem>> -> memref<1x32xf32, #tpu.memory_space<vmem>>
      %dma_start3A_234 = arith.constant 0 : i32
      %dma_start3A_235 = tpu.memref_slice %arg4[%squeeze3A_231, %dma_start3A_234] : memref<1000001x32xf32, #tpu.memory_space<hbm>> -> memref<1x32xf32, #tpu.memory_space<hbm>>
      %dma_start3A_236 = arith.constant 0 : i32
      %dma_start3A_237 = tpu.memref_slice %arg9[%add3A_229, %dma_start3A_236] : memref<256x32xf32, #tpu.memory_space<vmem>> -> memref<1x32xf32, #tpu.memory_space<vmem>>
      %dma_start3A_238 = arith.constant 0 : i32
      %dma_start3A_239 = tpu.memref_slice %arg4[%squeeze3A_231, %dma_start3A_238] : memref<1000001x32xf32, #tpu.memory_space<hbm>> -> memref<1x32xf32, #tpu.memory_space<hbm>>
      tpu.enqueue_dma source(%dma_start3A_239 : memref<1x32xf32, #tpu.memory_space<hbm>>) target(%dma_start3A_237 : memref<1x32xf32, #tpu.memory_space<vmem>>) target_semaphore(%arg13 : memref<!tpu.dma_semaphore, #tpu.memory_space<semaphore_mem>>)
      %slice3A_240 = vector.extract_strided_slice %get3A_60 {offsets = [7], sizes = [1], strides = [1]} : vector<16xi32> to vector<1xi32>
      %squeeze3A_241 = vector.extract %slice3A_240[0] : i32 from vector<1xi32>
      %dma_start3A_242 = arith.constant 0 : i32
      %dma_start3A_243 = tpu.memref_slice %arg10[%add3A_229, %dma_start3A_242] : memref<256x32xf32, #tpu.memory_space<vmem>> -> memref<1x32xf32, #tpu.memory_space<vmem>>
      %dma_start3A_244 = arith.constant 0 : i32
      %dma_start3A_245 = tpu.memref_slice %arg5[%squeeze3A_241, %dma_start3A_244] : memref<1000001x32xf32, #tpu.memory_space<hbm>> -> memref<1x32xf32, #tpu.memory_space<hbm>>
      %dma_start3A_246 = arith.constant 0 : i32
      %dma_start3A_247 = tpu.memref_slice %arg10[%add3A_229, %dma_start3A_246] : memref<256x32xf32, #tpu.memory_space<vmem>> -> memref<1x32xf32, #tpu.memory_space<vmem>>
      %dma_start3A_248 = arith.constant 0 : i32
      %dma_start3A_249 = tpu.memref_slice %arg5[%squeeze3A_241, %dma_start3A_248] : memref<1000001x32xf32, #tpu.memory_space<hbm>> -> memref<1x32xf32, #tpu.memory_space<hbm>>
      tpu.enqueue_dma source(%dma_start3A_249 : memref<1x32xf32, #tpu.memory_space<hbm>>) target(%dma_start3A_247 : memref<1x32xf32, #tpu.memory_space<vmem>>) target_semaphore(%arg14 : memref<!tpu.dma_semaphore, #tpu.memory_space<semaphore_mem>>)
      %mul3A_250 = arith.constant 16 : i32
      %mul3A_251 = arith.muli %scan3A_49, %mul3A_250 : i32
      %add3A_252 = arith.constant 8 : i32
      %add3A_253 = arith.addi %mul3A_251, %add3A_252 : i32
      %slice3A_254 = vector.extract_strided_slice %get3A_54 {offsets = [8], sizes = [1], strides = [1]} : vector<16xi32> to vector<1xi32>
      %squeeze3A_255 = vector.extract %slice3A_254[0] : i32 from vector<1xi32>
      %dma_start3A_256 = arith.constant 0 : i32
      %dma_start3A_257 = tpu.memref_slice %arg9[%add3A_253, %dma_start3A_256] : memref<256x32xf32, #tpu.memory_space<vmem>> -> memref<1x32xf32, #tpu.memory_space<vmem>>
      %dma_start3A_258 = arith.constant 0 : i32
      %dma_start3A_259 = tpu.memref_slice %arg4[%squeeze3A_255, %dma_start3A_258] : memref<1000001x32xf32, #tpu.memory_space<hbm>> -> memref<1x32xf32, #tpu.memory_space<hbm>>
      %dma_start3A_260 = arith.constant 0 : i32
      %dma_start3A_261 = tpu.memref_slice %arg9[%add3A_253, %dma_start3A_260] : memref<256x32xf32, #tpu.memory_space<vmem>> -> memref<1x32xf32, #tpu.memory_space<vmem>>
      %dma_start3A_262 = arith.constant 0 : i32
      %dma_start3A_263 = tpu.memref_slice %arg4[%squeeze3A_255, %dma_start3A_262] : memref<1000001x32xf32, #tpu.memory_space<hbm>> -> memref<1x32xf32, #tpu.memory_space<hbm>>
      tpu.enqueue_dma source(%dma_start3A_263 : memref<1x32xf32, #tpu.memory_space<hbm>>) target(%dma_start3A_261 : memref<1x32xf32, #tpu.memory_space<vmem>>) target_semaphore(%arg13 : memref<!tpu.dma_semaphore, #tpu.memory_space<semaphore_mem>>)
      %slice3A_264 = vector.extract_strided_slice %get3A_60 {offsets = [8], sizes = [1], strides = [1]} : vector<16xi32> to vector<1xi32>
      %squeeze3A_265 = vector.extract %slice3A_264[0] : i32 from vector<1xi32>
      %dma_start3A_266 = arith.constant 0 : i32
      %dma_start3A_267 = tpu.memref_slice %arg10[%add3A_253, %dma_start3A_266] : memref<256x32xf32, #tpu.memory_space<vmem>> -> memref<1x32xf32, #tpu.memory_space<vmem>>
      %dma_start3A_268 = arith.constant 0 : i32
      %dma_start3A_269 = tpu.memref_slice %arg5[%squeeze3A_265, %dma_start3A_268] : memref<1000001x32xf32, #tpu.memory_space<hbm>> -> memref<1x32xf32, #tpu.memory_space<hbm>>
      %dma_start3A_270 = arith.constant 0 : i32
      %dma_start3A_271 = tpu.memref_slice %arg10[%add3A_253, %dma_start3A_270] : memref<256x32xf32, #tpu.memory_space<vmem>> -> memref<1x32xf32, #tpu.memory_space<vmem>>
      %dma_start3A_272 = arith.constant 0 : i32
      %dma_start3A_273 = tpu.memref_slice %arg5[%squeeze3A_265, %dma_start3A_272] : memref<1000001x32xf32, #tpu.memory_space<hbm>> -> memref<1x32xf32, #tpu.memory_space<hbm>>
      tpu.enqueue_dma source(%dma_start3A_273 : memref<1x32xf32, #tpu.memory_space<hbm>>) target(%dma_start3A_271 : memref<1x32xf32, #tpu.memory_space<vmem>>) target_semaphore(%arg14 : memref<!tpu.dma_semaphore, #tpu.memory_space<semaphore_mem>>)
      %mul3A_274 = arith.constant 16 : i32
      %mul3A_275 = arith.muli %scan3A_49, %mul3A_274 : i32
      %add3A_276 = arith.constant 9 : i32
      %add3A_277 = arith.addi %mul3A_275, %add3A_276 : i32
      %slice3A_278 = vector.extract_strided_slice %get3A_54 {offsets = [9], sizes = [1], strides = [1]} : vector<16xi32> to vector<1xi32>
      %squeeze3A_279 = vector.extract %slice3A_278[0] : i32 from vector<1xi32>
      %dma_start3A_280 = arith.constant 0 : i32
      %dma_start3A_281 = tpu.memref_slice %arg9[%add3A_277, %dma_start3A_280] : memref<256x32xf32, #tpu.memory_space<vmem>> -> memref<1x32xf32, #tpu.memory_space<vmem>>
      %dma_start3A_282 = arith.constant 0 : i32
      %dma_start3A_283 = tpu.memref_slice %arg4[%squeeze3A_279, %dma_start3A_282] : memref<1000001x32xf32, #tpu.memory_space<hbm>> -> memref<1x32xf32, #tpu.memory_space<hbm>>
      %dma_start3A_284 = arith.constant 0 : i32
      %dma_start3A_285 = tpu.memref_slice %arg9[%add3A_277, %dma_start3A_284] : memref<256x32xf32, #tpu.memory_space<vmem>> -> memref<1x32xf32, #tpu.memory_space<vmem>>
      %dma_start3A_286 = arith.constant 0 : i32
      %dma_start3A_287 = tpu.memref_slice %arg4[%squeeze3A_279, %dma_start3A_286] : memref<1000001x32xf32, #tpu.memory_space<hbm>> -> memref<1x32xf32, #tpu.memory_space<hbm>>
      tpu.enqueue_dma source(%dma_start3A_287 : memref<1x32xf32, #tpu.memory_space<hbm>>) target(%dma_start3A_285 : memref<1x32xf32, #tpu.memory_space<vmem>>) target_semaphore(%arg13 : memref<!tpu.dma_semaphore, #tpu.memory_space<semaphore_mem>>)
      %slice3A_288 = vector.extract_strided_slice %get3A_60 {offsets = [9], sizes = [1], strides = [1]} : vector<16xi32> to vector<1xi32>
      %squeeze3A_289 = vector.extract %slice3A_288[0] : i32 from vector<1xi32>
      %dma_start3A_290 = arith.constant 0 : i32
      %dma_start3A_291 = tpu.memref_slice %arg10[%add3A_277, %dma_start3A_290] : memref<256x32xf32, #tpu.memory_space<vmem>> -> memref<1x32xf32, #tpu.memory_space<vmem>>
      %dma_start3A_292 = arith.constant 0 : i32
      %dma_start3A_293 = tpu.memref_slice %arg5[%squeeze3A_289, %dma_start3A_292] : memref<1000001x32xf32, #tpu.memory_space<hbm>> -> memref<1x32xf32, #tpu.memory_space<hbm>>
      %dma_start3A_294 = arith.constant 0 : i32
      %dma_start3A_295 = tpu.memref_slice %arg10[%add3A_277, %dma_start3A_294] : memref<256x32xf32, #tpu.memory_space<vmem>> -> memref<1x32xf32, #tpu.memory_space<vmem>>
      %dma_start3A_296 = arith.constant 0 : i32
      %dma_start3A_297 = tpu.memref_slice %arg5[%squeeze3A_289, %dma_start3A_296] : memref<1000001x32xf32, #tpu.memory_space<hbm>> -> memref<1x32xf32, #tpu.memory_space<hbm>>
      tpu.enqueue_dma source(%dma_start3A_297 : memref<1x32xf32, #tpu.memory_space<hbm>>) target(%dma_start3A_295 : memref<1x32xf32, #tpu.memory_space<vmem>>) target_semaphore(%arg14 : memref<!tpu.dma_semaphore, #tpu.memory_space<semaphore_mem>>)
      %mul3A_298 = arith.constant 16 : i32
      %mul3A_299 = arith.muli %scan3A_49, %mul3A_298 : i32
      %add3A_300 = arith.constant 10 : i32
      %add3A_301 = arith.addi %mul3A_299, %add3A_300 : i32
      %slice3A_302 = vector.extract_strided_slice %get3A_54 {offsets = [10], sizes = [1], strides = [1]} : vector<16xi32> to vector<1xi32>
      %squeeze3A_303 = vector.extract %slice3A_302[0] : i32 from vector<1xi32>
      %dma_start3A_304 = arith.constant 0 : i32
      %dma_start3A_305 = tpu.memref_slice %arg9[%add3A_301, %dma_start3A_304] : memref<256x32xf32, #tpu.memory_space<vmem>> -> memref<1x32xf32, #tpu.memory_space<vmem>>
      %dma_start3A_306 = arith.constant 0 : i32
      %dma_start3A_307 = tpu.memref_slice %arg4[%squeeze3A_303, %dma_start3A_306] : memref<1000001x32xf32, #tpu.memory_space<hbm>> -> memref<1x32xf32, #tpu.memory_space<hbm>>
      %dma_start3A_308 = arith.constant 0 : i32
      %dma_start3A_309 = tpu.memref_slice %arg9[%add3A_301, %dma_start3A_308] : memref<256x32xf32, #tpu.memory_space<vmem>> -> memref<1x32xf32, #tpu.memory_space<vmem>>
      %dma_start3A_310 = arith.constant 0 : i32
      %dma_start3A_311 = tpu.memref_slice %arg4[%squeeze3A_303, %dma_start3A_310] : memref<1000001x32xf32, #tpu.memory_space<hbm>> -> memref<1x32xf32, #tpu.memory_space<hbm>>
      tpu.enqueue_dma source(%dma_start3A_311 : memref<1x32xf32, #tpu.memory_space<hbm>>) target(%dma_start3A_309 : memref<1x32xf32, #tpu.memory_space<vmem>>) target_semaphore(%arg13 : memref<!tpu.dma_semaphore, #tpu.memory_space<semaphore_mem>>)
      %slice3A_312 = vector.extract_strided_slice %get3A_60 {offsets = [10], sizes = [1], strides = [1]} : vector<16xi32> to vector<1xi32>
      %squeeze3A_313 = vector.extract %slice3A_312[0] : i32 from vector<1xi32>
      %dma_start3A_314 = arith.constant 0 : i32
      %dma_start3A_315 = tpu.memref_slice %arg10[%add3A_301, %dma_start3A_314] : memref<256x32xf32, #tpu.memory_space<vmem>> -> memref<1x32xf32, #tpu.memory_space<vmem>>
      %dma_start3A_316 = arith.constant 0 : i32
      %dma_start3A_317 = tpu.memref_slice %arg5[%squeeze3A_313, %dma_start3A_316] : memref<1000001x32xf32, #tpu.memory_space<hbm>> -> memref<1x32xf32, #tpu.memory_space<hbm>>
      %dma_start3A_318 = arith.constant 0 : i32
      %dma_start3A_319 = tpu.memref_slice %arg10[%add3A_301, %dma_start3A_318] : memref<256x32xf32, #tpu.memory_space<vmem>> -> memref<1x32xf32, #tpu.memory_space<vmem>>
      %dma_start3A_320 = arith.constant 0 : i32
      %dma_start3A_321 = tpu.memref_slice %arg5[%squeeze3A_313, %dma_start3A_320] : memref<1000001x32xf32, #tpu.memory_space<hbm>> -> memref<1x32xf32, #tpu.memory_space<hbm>>
      tpu.enqueue_dma source(%dma_start3A_321 : memref<1x32xf32, #tpu.memory_space<hbm>>) target(%dma_start3A_319 : memref<1x32xf32, #tpu.memory_space<vmem>>) target_semaphore(%arg14 : memref<!tpu.dma_semaphore, #tpu.memory_space<semaphore_mem>>)
      %mul3A_322 = arith.constant 16 : i32
      %mul3A_323 = arith.muli %scan3A_49, %mul3A_322 : i32
      %add3A_324 = arith.constant 11 : i32
      %add3A_325 = arith.addi %mul3A_323, %add3A_324 : i32
      %slice3A_326 = vector.extract_strided_slice %get3A_54 {offsets = [11], sizes = [1], strides = [1]} : vector<16xi32> to vector<1xi32>
      %squeeze3A_327 = vector.extract %slice3A_326[0] : i32 from vector<1xi32>
      %dma_start3A_328 = arith.constant 0 : i32
      %dma_start3A_329 = tpu.memref_slice %arg9[%add3A_325, %dma_start3A_328] : memref<256x32xf32, #tpu.memory_space<vmem>> -> memref<1x32xf32, #tpu.memory_space<vmem>>
      %dma_start3A_330 = arith.constant 0 : i32
      %dma_start3A_331 = tpu.memref_slice %arg4[%squeeze3A_327, %dma_start3A_330] : memref<1000001x32xf32, #tpu.memory_space<hbm>> -> memref<1x32xf32, #tpu.memory_space<hbm>>
      %dma_start3A_332 = arith.constant 0 : i32
      %dma_start3A_333 = tpu.memref_slice %arg9[%add3A_325, %dma_start3A_332] : memref<256x32xf32, #tpu.memory_space<vmem>> -> memref<1x32xf32, #tpu.memory_space<vmem>>
      %dma_start3A_334 = arith.constant 0 : i32
      %dma_start3A_335 = tpu.memref_slice %arg4[%squeeze3A_327, %dma_start3A_334] : memref<1000001x32xf32, #tpu.memory_space<hbm>> -> memref<1x32xf32, #tpu.memory_space<hbm>>
      tpu.enqueue_dma source(%dma_start3A_335 : memref<1x32xf32, #tpu.memory_space<hbm>>) target(%dma_start3A_333 : memref<1x32xf32, #tpu.memory_space<vmem>>) target_semaphore(%arg13 : memref<!tpu.dma_semaphore, #tpu.memory_space<semaphore_mem>>)
      %slice3A_336 = vector.extract_strided_slice %get3A_60 {offsets = [11], sizes = [1], strides = [1]} : vector<16xi32> to vector<1xi32>
      %squeeze3A_337 = vector.extract %slice3A_336[0] : i32 from vector<1xi32>
      %dma_start3A_338 = arith.constant 0 : i32
      %dma_start3A_339 = tpu.memref_slice %arg10[%add3A_325, %dma_start3A_338] : memref<256x32xf32, #tpu.memory_space<vmem>> -> memref<1x32xf32, #tpu.memory_space<vmem>>
      %dma_start3A_340 = arith.constant 0 : i32
      %dma_start3A_341 = tpu.memref_slice %arg5[%squeeze3A_337, %dma_start3A_340] : memref<1000001x32xf32, #tpu.memory_space<hbm>> -> memref<1x32xf32, #tpu.memory_space<hbm>>
      %dma_start3A_342 = arith.constant 0 : i32
      %dma_start3A_343 = tpu.memref_slice %arg10[%add3A_325, %dma_start3A_342] : memref<256x32xf32, #tpu.memory_space<vmem>> -> memref<1x32xf32, #tpu.memory_space<vmem>>
      %dma_start3A_344 = arith.constant 0 : i32
      %dma_start3A_345 = tpu.memref_slice %arg5[%squeeze3A_337, %dma_start3A_344] : memref<1000001x32xf32, #tpu.memory_space<hbm>> -> memref<1x32xf32, #tpu.memory_space<hbm>>
      tpu.enqueue_dma source(%dma_start3A_345 : memref<1x32xf32, #tpu.memory_space<hbm>>) target(%dma_start3A_343 : memref<1x32xf32, #tpu.memory_space<vmem>>) target_semaphore(%arg14 : memref<!tpu.dma_semaphore, #tpu.memory_space<semaphore_mem>>)
      %mul3A_346 = arith.constant 16 : i32
      %mul3A_347 = arith.muli %scan3A_49, %mul3A_346 : i32
      %add3A_348 = arith.constant 12 : i32
      %add3A_349 = arith.addi %mul3A_347, %add3A_348 : i32
      %slice3A_350 = vector.extract_strided_slice %get3A_54 {offsets = [12], sizes = [1], strides = [1]} : vector<16xi32> to vector<1xi32>
      %squeeze3A_351 = vector.extract %slice3A_350[0] : i32 from vector<1xi32>
      %dma_start3A_352 = arith.constant 0 : i32
      %dma_start3A_353 = tpu.memref_slice %arg9[%add3A_349, %dma_start3A_352] : memref<256x32xf32, #tpu.memory_space<vmem>> -> memref<1x32xf32, #tpu.memory_space<vmem>>
      %dma_start3A_354 = arith.constant 0 : i32
      %dma_start3A_355 = tpu.memref_slice %arg4[%squeeze3A_351, %dma_start3A_354] : memref<1000001x32xf32, #tpu.memory_space<hbm>> -> memref<1x32xf32, #tpu.memory_space<hbm>>
      %dma_start3A_356 = arith.constant 0 : i32
      %dma_start3A_357 = tpu.memref_slice %arg9[%add3A_349, %dma_start3A_356] : memref<256x32xf32, #tpu.memory_space<vmem>> -> memref<1x32xf32, #tpu.memory_space<vmem>>
      %dma_start3A_358 = arith.constant 0 : i32
      %dma_start3A_359 = tpu.memref_slice %arg4[%squeeze3A_351, %dma_start3A_358] : memref<1000001x32xf32, #tpu.memory_space<hbm>> -> memref<1x32xf32, #tpu.memory_space<hbm>>
      tpu.enqueue_dma source(%dma_start3A_359 : memref<1x32xf32, #tpu.memory_space<hbm>>) target(%dma_start3A_357 : memref<1x32xf32, #tpu.memory_space<vmem>>) target_semaphore(%arg13 : memref<!tpu.dma_semaphore, #tpu.memory_space<semaphore_mem>>)
      %slice3A_360 = vector.extract_strided_slice %get3A_60 {offsets = [12], sizes = [1], strides = [1]} : vector<16xi32> to vector<1xi32>
      %squeeze3A_361 = vector.extract %slice3A_360[0] : i32 from vector<1xi32>
      %dma_start3A_362 = arith.constant 0 : i32
      %dma_start3A_363 = tpu.memref_slice %arg10[%add3A_349, %dma_start3A_362] : memref<256x32xf32, #tpu.memory_space<vmem>> -> memref<1x32xf32, #tpu.memory_space<vmem>>
      %dma_start3A_364 = arith.constant 0 : i32
      %dma_start3A_365 = tpu.memref_slice %arg5[%squeeze3A_361, %dma_start3A_364] : memref<1000001x32xf32, #tpu.memory_space<hbm>> -> memref<1x32xf32, #tpu.memory_space<hbm>>
      %dma_start3A_366 = arith.constant 0 : i32
      %dma_start3A_367 = tpu.memref_slice %arg10[%add3A_349, %dma_start3A_366] : memref<256x32xf32, #tpu.memory_space<vmem>> -> memref<1x32xf32, #tpu.memory_space<vmem>>
      %dma_start3A_368 = arith.constant 0 : i32
      %dma_start3A_369 = tpu.memref_slice %arg5[%squeeze3A_361, %dma_start3A_368] : memref<1000001x32xf32, #tpu.memory_space<hbm>> -> memref<1x32xf32, #tpu.memory_space<hbm>>
      tpu.enqueue_dma source(%dma_start3A_369 : memref<1x32xf32, #tpu.memory_space<hbm>>) target(%dma_start3A_367 : memref<1x32xf32, #tpu.memory_space<vmem>>) target_semaphore(%arg14 : memref<!tpu.dma_semaphore, #tpu.memory_space<semaphore_mem>>)
      %mul3A_370 = arith.constant 16 : i32
      %mul3A_371 = arith.muli %scan3A_49, %mul3A_370 : i32
      %add3A_372 = arith.constant 13 : i32
      %add3A_373 = arith.addi %mul3A_371, %add3A_372 : i32
      %slice3A_374 = vector.extract_strided_slice %get3A_54 {offsets = [13], sizes = [1], strides = [1]} : vector<16xi32> to vector<1xi32>
      %squeeze3A_375 = vector.extract %slice3A_374[0] : i32 from vector<1xi32>
      %dma_start3A_376 = arith.constant 0 : i32
      %dma_start3A_377 = tpu.memref_slice %arg9[%add3A_373, %dma_start3A_376] : memref<256x32xf32, #tpu.memory_space<vmem>> -> memref<1x32xf32, #tpu.memory_space<vmem>>
      %dma_start3A_378 = arith.constant 0 : i32
      %dma_start3A_379 = tpu.memref_slice %arg4[%squeeze3A_375, %dma_start3A_378] : memref<1000001x32xf32, #tpu.memory_space<hbm>> -> memref<1x32xf32, #tpu.memory_space<hbm>>
      %dma_start3A_380 = arith.constant 0 : i32
      %dma_start3A_381 = tpu.memref_slice %arg9[%add3A_373, %dma_start3A_380] : memref<256x32xf32, #tpu.memory_space<vmem>> -> memref<1x32xf32, #tpu.memory_space<vmem>>
      %dma_start3A_382 = arith.constant 0 : i32
      %dma_start3A_383 = tpu.memref_slice %arg4[%squeeze3A_375, %dma_start3A_382] : memref<1000001x32xf32, #tpu.memory_space<hbm>> -> memref<1x32xf32, #tpu.memory_space<hbm>>
      tpu.enqueue_dma source(%dma_start3A_383 : memref<1x32xf32, #tpu.memory_space<hbm>>) target(%dma_start3A_381 : memref<1x32xf32, #tpu.memory_space<vmem>>) target_semaphore(%arg13 : memref<!tpu.dma_semaphore, #tpu.memory_space<semaphore_mem>>)
      %slice3A_384 = vector.extract_strided_slice %get3A_60 {offsets = [13], sizes = [1], strides = [1]} : vector<16xi32> to vector<1xi32>
      %squeeze3A_385 = vector.extract %slice3A_384[0] : i32 from vector<1xi32>
      %dma_start3A_386 = arith.constant 0 : i32
      %dma_start3A_387 = tpu.memref_slice %arg10[%add3A_373, %dma_start3A_386] : memref<256x32xf32, #tpu.memory_space<vmem>> -> memref<1x32xf32, #tpu.memory_space<vmem>>
      %dma_start3A_388 = arith.constant 0 : i32
      %dma_start3A_389 = tpu.memref_slice %arg5[%squeeze3A_385, %dma_start3A_388] : memref<1000001x32xf32, #tpu.memory_space<hbm>> -> memref<1x32xf32, #tpu.memory_space<hbm>>
      %dma_start3A_390 = arith.constant 0 : i32
      %dma_start3A_391 = tpu.memref_slice %arg10[%add3A_373, %dma_start3A_390] : memref<256x32xf32, #tpu.memory_space<vmem>> -> memref<1x32xf32, #tpu.memory_space<vmem>>
      %dma_start3A_392 = arith.constant 0 : i32
      %dma_start3A_393 = tpu.memref_slice %arg5[%squeeze3A_385, %dma_start3A_392] : memref<1000001x32xf32, #tpu.memory_space<hbm>> -> memref<1x32xf32, #tpu.memory_space<hbm>>
      tpu.enqueue_dma source(%dma_start3A_393 : memref<1x32xf32, #tpu.memory_space<hbm>>) target(%dma_start3A_391 : memref<1x32xf32, #tpu.memory_space<vmem>>) target_semaphore(%arg14 : memref<!tpu.dma_semaphore, #tpu.memory_space<semaphore_mem>>)
      %mul3A_394 = arith.constant 16 : i32
      %mul3A_395 = arith.muli %scan3A_49, %mul3A_394 : i32
      %add3A_396 = arith.constant 14 : i32
      %add3A_397 = arith.addi %mul3A_395, %add3A_396 : i32
      %slice3A_398 = vector.extract_strided_slice %get3A_54 {offsets = [14], sizes = [1], strides = [1]} : vector<16xi32> to vector<1xi32>
      %squeeze3A_399 = vector.extract %slice3A_398[0] : i32 from vector<1xi32>
      %dma_start3A_400 = arith.constant 0 : i32
      %dma_start3A_401 = tpu.memref_slice %arg9[%add3A_397, %dma_start3A_400] : memref<256x32xf32, #tpu.memory_space<vmem>> -> memref<1x32xf32, #tpu.memory_space<vmem>>
      %dma_start3A_402 = arith.constant 0 : i32
      %dma_start3A_403 = tpu.memref_slice %arg4[%squeeze3A_399, %dma_start3A_402] : memref<1000001x32xf32, #tpu.memory_space<hbm>> -> memref<1x32xf32, #tpu.memory_space<hbm>>
      %dma_start3A_404 = arith.constant 0 : i32
      %dma_start3A_405 = tpu.memref_slice %arg9[%add3A_397, %dma_start3A_404] : memref<256x32xf32, #tpu.memory_space<vmem>> -> memref<1x32xf32, #tpu.memory_space<vmem>>
      %dma_start3A_406 = arith.constant 0 : i32
      %dma_start3A_407 = tpu.memref_slice %arg4[%squeeze3A_399, %dma_start3A_406] : memref<1000001x32xf32, #tpu.memory_space<hbm>> -> memref<1x32xf32, #tpu.memory_space<hbm>>
      tpu.enqueue_dma source(%dma_start3A_407 : memref<1x32xf32, #tpu.memory_space<hbm>>) target(%dma_start3A_405 : memref<1x32xf32, #tpu.memory_space<vmem>>) target_semaphore(%arg13 : memref<!tpu.dma_semaphore, #tpu.memory_space<semaphore_mem>>)
      %slice3A_408 = vector.extract_strided_slice %get3A_60 {offsets = [14], sizes = [1], strides = [1]} : vector<16xi32> to vector<1xi32>
      %squeeze3A_409 = vector.extract %slice3A_408[0] : i32 from vector<1xi32>
      %dma_start3A_410 = arith.constant 0 : i32
      %dma_start3A_411 = tpu.memref_slice %arg10[%add3A_397, %dma_start3A_410] : memref<256x32xf32, #tpu.memory_space<vmem>> -> memref<1x32xf32, #tpu.memory_space<vmem>>
      %dma_start3A_412 = arith.constant 0 : i32
      %dma_start3A_413 = tpu.memref_slice %arg5[%squeeze3A_409, %dma_start3A_412] : memref<1000001x32xf32, #tpu.memory_space<hbm>> -> memref<1x32xf32, #tpu.memory_space<hbm>>
      %dma_start3A_414 = arith.constant 0 : i32
      %dma_start3A_415 = tpu.memref_slice %arg10[%add3A_397, %dma_start3A_414] : memref<256x32xf32, #tpu.memory_space<vmem>> -> memref<1x32xf32, #tpu.memory_space<vmem>>
      %dma_start3A_416 = arith.constant 0 : i32
      %dma_start3A_417 = tpu.memref_slice %arg5[%squeeze3A_409, %dma_start3A_416] : memref<1000001x32xf32, #tpu.memory_space<hbm>> -> memref<1x32xf32, #tpu.memory_space<hbm>>
      tpu.enqueue_dma source(%dma_start3A_417 : memref<1x32xf32, #tpu.memory_space<hbm>>) target(%dma_start3A_415 : memref<1x32xf32, #tpu.memory_space<vmem>>) target_semaphore(%arg14 : memref<!tpu.dma_semaphore, #tpu.memory_space<semaphore_mem>>)
      %mul3A_418 = arith.constant 16 : i32
      %mul3A_419 = arith.muli %scan3A_49, %mul3A_418 : i32
      %add3A_420 = arith.constant 15 : i32
      %add3A_421 = arith.addi %mul3A_419, %add3A_420 : i32
      %slice3A_422 = vector.extract_strided_slice %get3A_54 {offsets = [15], sizes = [1], strides = [1]} : vector<16xi32> to vector<1xi32>
      %squeeze3A_423 = vector.extract %slice3A_422[0] : i32 from vector<1xi32>
      %dma_start3A_424 = arith.constant 0 : i32
      %dma_start3A_425 = tpu.memref_slice %arg9[%add3A_421, %dma_start3A_424] : memref<256x32xf32, #tpu.memory_space<vmem>> -> memref<1x32xf32, #tpu.memory_space<vmem>>
      %dma_start3A_426 = arith.constant 0 : i32
      %dma_start3A_427 = tpu.memref_slice %arg4[%squeeze3A_423, %dma_start3A_426] : memref<1000001x32xf32, #tpu.memory_space<hbm>> -> memref<1x32xf32, #tpu.memory_space<hbm>>
      %dma_start3A_428 = arith.constant 0 : i32
      %dma_start3A_429 = tpu.memref_slice %arg9[%add3A_421, %dma_start3A_428] : memref<256x32xf32, #tpu.memory_space<vmem>> -> memref<1x32xf32, #tpu.memory_space<vmem>>
      %dma_start3A_430 = arith.constant 0 : i32
      %dma_start3A_431 = tpu.memref_slice %arg4[%squeeze3A_423, %dma_start3A_430] : memref<1000001x32xf32, #tpu.memory_space<hbm>> -> memref<1x32xf32, #tpu.memory_space<hbm>>
      tpu.enqueue_dma source(%dma_start3A_431 : memref<1x32xf32, #tpu.memory_space<hbm>>) target(%dma_start3A_429 : memref<1x32xf32, #tpu.memory_space<vmem>>) target_semaphore(%arg13 : memref<!tpu.dma_semaphore, #tpu.memory_space<semaphore_mem>>)
      %slice3A_432 = vector.extract_strided_slice %get3A_60 {offsets = [15], sizes = [1], strides = [1]} : vector<16xi32> to vector<1xi32>
      %squeeze3A_433 = vector.extract %slice3A_432[0] : i32 from vector<1xi32>
      %dma_start3A_434 = arith.constant 0 : i32
      %dma_start3A_435 = tpu.memref_slice %arg10[%add3A_421, %dma_start3A_434] : memref<256x32xf32, #tpu.memory_space<vmem>> -> memref<1x32xf32, #tpu.memory_space<vmem>>
      %dma_start3A_436 = arith.constant 0 : i32
      %dma_start3A_437 = tpu.memref_slice %arg5[%squeeze3A_433, %dma_start3A_436] : memref<1000001x32xf32, #tpu.memory_space<hbm>> -> memref<1x32xf32, #tpu.memory_space<hbm>>
      %dma_start3A_438 = arith.constant 0 : i32
      %dma_start3A_439 = tpu.memref_slice %arg10[%add3A_421, %dma_start3A_438] : memref<256x32xf32, #tpu.memory_space<vmem>> -> memref<1x32xf32, #tpu.memory_space<vmem>>
      %dma_start3A_440 = arith.constant 0 : i32
      %dma_start3A_441 = tpu.memref_slice %arg5[%squeeze3A_433, %dma_start3A_440] : memref<1000001x32xf32, #tpu.memory_space<hbm>> -> memref<1x32xf32, #tpu.memory_space<hbm>>
      tpu.enqueue_dma source(%dma_start3A_441 : memref<1x32xf32, #tpu.memory_space<hbm>>) target(%dma_start3A_439 : memref<1x32xf32, #tpu.memory_space<vmem>>) target_semaphore(%arg14 : memref<!tpu.dma_semaphore, #tpu.memory_space<semaphore_mem>>)
    }
    %scan3A_30 = arith.constant 16 : i32
    %dma_wait3A_31 = arith.constant 0 : i32
    %dma_wait3A_32 = arith.constant 0 : i32
    %dma_wait3A_33 = tpu.memref_slice %arg4[%dma_wait3A_31, %dma_wait3A_32] : memref<1000001x32xf32, #tpu.memory_space<hbm>> -> memref<256x32xf32, #tpu.memory_space<hbm>>
    %dma_wait3A_34 = arith.constant 0 : i32
    %dma_wait3A_35 = arith.constant 0 : i32
    %dma_wait3A_36 = tpu.memref_slice %arg4[%dma_wait3A_34, %dma_wait3A_35] : memref<1000001x32xf32, #tpu.memory_space<hbm>> -> memref<256x32xf32, #tpu.memory_space<hbm>>
    tpu.wait_dma2 semaphore(%arg13 : memref<!tpu.dma_semaphore, #tpu.memory_space<semaphore_mem>>) src(%dma_wait3A_36 : memref<256x32xf32, #tpu.memory_space<hbm>>) dst(%arg9 : memref<256x32xf32, #tpu.memory_space<vmem>>)
    %dma_wait3A_37 = arith.constant 0 : i32
    %dma_wait3A_38 = arith.constant 0 : i32
    %dma_wait3A_39 = tpu.memref_slice %arg5[%dma_wait3A_37, %dma_wait3A_38] : memref<1000001x32xf32, #tpu.memory_space<hbm>> -> memref<256x32xf32, #tpu.memory_space<hbm>>
    %dma_wait3A_40 = arith.constant 0 : i32
    %dma_wait3A_41 = arith.constant 0 : i32
    %dma_wait3A_42 = tpu.memref_slice %arg5[%dma_wait3A_40, %dma_wait3A_41] : memref<1000001x32xf32, #tpu.memory_space<hbm>> -> memref<256x32xf32, #tpu.memory_space<hbm>>
    tpu.wait_dma2 semaphore(%arg14 : memref<!tpu.dma_semaphore, #tpu.memory_space<semaphore_mem>>) src(%dma_wait3A_42 : memref<256x32xf32, #tpu.memory_space<hbm>>) dst(%arg10 : memref<256x32xf32, #tpu.memory_space<vmem>>)
    %scan3A_43 = arith.constant 0 : i32
    %scan3A_44 = arith.constant 0 : i32
    %scan3A_45 = arith.constant 16 : i32
    %scan3A_46 = arith.addi %scan3A_44, %scan3A_45 : i32
    %scan3A_47 = arith.constant 1 : i32
    scf.for %scan3A_49 = %scan3A_44 to %scan3A_46 step %scan3A_47  : i32 {
      %mul3A_50 = arith.constant 16 : i32
      %mul3A_51 = arith.muli %scan3A_49, %mul3A_50 : i32
      %add3A_52 = arith.constant 0 : i32
      %add3A_53 = arith.addi %mul3A_51, %add3A_52 : i32
      %get3A = arith.index_cast %add3A_53 : i32 to index
      %get3A_54 = arith.constant 0 : index
      %get3A_55 = tpu.vector_load %arg9[%get3A, %get3A_54] {strides = array<i32>} : memref<256x32xf32, #tpu.memory_space<vmem>>, vector<16xf32>,
      %get3A_56 = arith.index_cast %add3A_53 : i32 to index
      %get3A_57 = arith.constant 0 : index
      %get3A_58 = tpu.vector_load %arg10[%get3A_56, %get3A_57] {strides = array<i32>} : memref<256x32xf32, #tpu.memory_space<vmem>>, vector<16xf32>,
      %mul3A_59 = arith.mulf %get3A_55, %get3A_58 : vector<16xf32>
      %get3A_60 = arith.index_cast %add3A_53 : i32 to index
      %get3A_61 = arith.constant 16 : index
      %get3A_62 = tpu.vector_load %arg9[%get3A_60, %get3A_61] {strides = array<i32>} : memref<256x32xf32, #tpu.memory_space<vmem>>, vector<16xf32>,
      %get3A_63 = arith.index_cast %add3A_53 : i32 to index
      %get3A_64 = arith.constant 16 : index
      %get3A_65 = tpu.vector_load %arg10[%get3A_63, %get3A_64] {strides = array<i32>} : memref<256x32xf32, #tpu.memory_space<vmem>>, vector<16xf32>,
      %mul3A_66 = arith.mulf %get3A_62, %get3A_65 : vector<16xf32>
      %add3A_67 = arith.addf %mul3A_59, %mul3A_66 : vector<16xf32>
      %mul3A_68 = arith.constant 16 : i32
      %mul3A_69 = vector.broadcast %mul3A_68 : i32 to vector<16xi32>
      %mul3A_70 = arith.muli %iota3A, %mul3A_69 : vector<16xi32>
      %add3A_71 = arith.constant 0 : i32
      %add3A_72 = vector.broadcast %add3A_71 : i32 to vector<16xi32>
      %add3A_73 = arith.addi %mul3A_70, %add3A_72 : vector<16xi32>
      tpu.vector_store_idx %arg11[%add3A_73], %add3A_67 : memref<256xf32, #tpu.memory_space<vmem>>[vector<16xi32>], vector<16xf32>,
      %mul3A_74 = arith.constant 16 : i32
      %mul3A_75 = arith.muli %scan3A_49, %mul3A_74 : i32
      %add3A_76 = arith.constant 1 : i32
      %add3A_77 = arith.addi %mul3A_75, %add3A_76 : i32
      %get3A_78 = arith.index_cast %add3A_77 : i32 to index
      %get3A_79 = arith.constant 0 : index
      %get3A_80 = tpu.vector_load %arg9[%get3A_78, %get3A_79] {strides = array<i32>} : memref<256x32xf32, #tpu.memory_space<vmem>>, vector<16xf32>,
      %get3A_81 = arith.index_cast %add3A_77 : i32 to index
      %get3A_82 = arith.constant 0 : index
      %get3A_83 = tpu.vector_load %arg10[%get3A_81, %get3A_82] {strides = array<i32>} : memref<256x32xf32, #tpu.memory_space<vmem>>, vector<16xf32>,
      %mul3A_84 = arith.mulf %get3A_80, %get3A_83 : vector<16xf32>
      %get3A_85 = arith.index_cast %add3A_77 : i32 to index
      %get3A_86 = arith.constant 16 : index
      %get3A_87 = tpu.vector_load %arg9[%get3A_85, %get3A_86] {strides = array<i32>} : memref<256x32xf32, #tpu.memory_space<vmem>>, vector<16xf32>,
      %get3A_88 = arith.index_cast %add3A_77 : i32 to index
      %get3A_89 = arith.constant 16 : index
      %get3A_90 = tpu.vector_load %arg10[%get3A_88, %get3A_89] {strides = array<i32>} : memref<256x32xf32, #tpu.memory_space<vmem>>, vector<16xf32>,
      %mul3A_91 = arith.mulf %get3A_87, %get3A_90 : vector<16xf32>
      %add3A_92 = arith.addf %mul3A_84, %mul3A_91 : vector<16xf32>
      %mul3A_93 = arith.constant 16 : i32
      %mul3A_94 = vector.broadcast %mul3A_93 : i32 to vector<16xi32>
      %mul3A_95 = arith.muli %iota3A, %mul3A_94 : vector<16xi32>
      %add3A_96 = arith.constant 1 : i32
      %add3A_97 = vector.broadcast %add3A_96 : i32 to vector<16xi32>
      %add3A_98 = arith.addi %mul3A_95, %add3A_97 : vector<16xi32>
      tpu.vector_store_idx %arg11[%add3A_98], %add3A_92 : memref<256xf32, #tpu.memory_space<vmem>>[vector<16xi32>], vector<16xf32>,
      %mul3A_99 = arith.constant 16 : i32
      %mul3A_100 = arith.muli %scan3A_49, %mul3A_99 : i32
      %add3A_101 = arith.constant 2 : i32
      %add3A_102 = arith.addi %mul3A_100, %add3A_101 : i32
      %get3A_103 = arith.index_cast %add3A_102 : i32 to index
      %get3A_104 = arith.constant 0 : index
      %get3A_105 = tpu.vector_load %arg9[%get3A_103, %get3A_104] {strides = array<i32>} : memref<256x32xf32, #tpu.memory_space<vmem>>, vector<16xf32>,
      %get3A_106 = arith.index_cast %add3A_102 : i32 to index
      %get3A_107 = arith.constant 0 : index
      %get3A_108 = tpu.vector_load %arg10[%get3A_106, %get3A_107] {strides = array<i32>} : memref<256x32xf32, #tpu.memory_space<vmem>>, vector<16xf32>,
      %mul3A_109 = arith.mulf %get3A_105, %get3A_108 : vector<16xf32>
      %get3A_110 = arith.index_cast %add3A_102 : i32 to index
      %get3A_111 = arith.constant 16 : index
      %get3A_112 = tpu.vector_load %arg9[%get3A_110, %get3A_111] {strides = array<i32>} : memref<256x32xf32, #tpu.memory_space<vmem>>, vector<16xf32>,
      %get3A_113 = arith.index_cast %add3A_102 : i32 to index
      %get3A_114 = arith.constant 16 : index
      %get3A_115 = tpu.vector_load %arg10[%get3A_113, %get3A_114] {strides = array<i32>} : memref<256x32xf32, #tpu.memory_space<vmem>>, vector<16xf32>,
      %mul3A_116 = arith.mulf %get3A_112, %get3A_115 : vector<16xf32>
      %add3A_117 = arith.addf %mul3A_109, %mul3A_116 : vector<16xf32>
      %mul3A_118 = arith.constant 16 : i32
      %mul3A_119 = vector.broadcast %mul3A_118 : i32 to vector<16xi32>
      %mul3A_120 = arith.muli %iota3A, %mul3A_119 : vector<16xi32>
      %add3A_121 = arith.constant 2 : i32
      %add3A_122 = vector.broadcast %add3A_121 : i32 to vector<16xi32>
      %add3A_123 = arith.addi %mul3A_120, %add3A_122 : vector<16xi32>
      tpu.vector_store_idx %arg11[%add3A_123], %add3A_117 : memref<256xf32, #tpu.memory_space<vmem>>[vector<16xi32>], vector<16xf32>,
      %mul3A_124 = arith.constant 16 : i32
      %mul3A_125 = arith.muli %scan3A_49, %mul3A_124 : i32
      %add3A_126 = arith.constant 3 : i32
      %add3A_127 = arith.addi %mul3A_125, %add3A_126 : i32
      %get3A_128 = arith.index_cast %add3A_127 : i32 to index
      %get3A_129 = arith.constant 0 : index
      %get3A_130 = tpu.vector_load %arg9[%get3A_128, %get3A_129] {strides = array<i32>} : memref<256x32xf32, #tpu.memory_space<vmem>>, vector<16xf32>,
      %get3A_131 = arith.index_cast %add3A_127 : i32 to index
      %get3A_132 = arith.constant 0 : index
      %get3A_133 = tpu.vector_load %arg10[%get3A_131, %get3A_132] {strides = array<i32>} : memref<256x32xf32, #tpu.memory_space<vmem>>, vector<16xf32>,
      %mul3A_134 = arith.mulf %get3A_130, %get3A_133 : vector<16xf32>
      %get3A_135 = arith.index_cast %add3A_127 : i32 to index
      %get3A_136 = arith.constant 16 : index
      %get3A_137 = tpu.vector_load %arg9[%get3A_135, %get3A_136] {strides = array<i32>} : memref<256x32xf32, #tpu.memory_space<vmem>>, vector<16xf32>,
      %get3A_138 = arith.index_cast %add3A_127 : i32 to index
      %get3A_139 = arith.constant 16 : index
      %get3A_140 = tpu.vector_load %arg10[%get3A_138, %get3A_139] {strides = array<i32>} : memref<256x32xf32, #tpu.memory_space<vmem>>, vector<16xf32>,
      %mul3A_141 = arith.mulf %get3A_137, %get3A_140 : vector<16xf32>
      %add3A_142 = arith.addf %mul3A_134, %mul3A_141 : vector<16xf32>
      %mul3A_143 = arith.constant 16 : i32
      %mul3A_144 = vector.broadcast %mul3A_143 : i32 to vector<16xi32>
      %mul3A_145 = arith.muli %iota3A, %mul3A_144 : vector<16xi32>
      %add3A_146 = arith.constant 3 : i32
      %add3A_147 = vector.broadcast %add3A_146 : i32 to vector<16xi32>
      %add3A_148 = arith.addi %mul3A_145, %add3A_147 : vector<16xi32>
      tpu.vector_store_idx %arg11[%add3A_148], %add3A_142 : memref<256xf32, #tpu.memory_space<vmem>>[vector<16xi32>], vector<16xf32>,
      %mul3A_149 = arith.constant 16 : i32
      %mul3A_150 = arith.muli %scan3A_49, %mul3A_149 : i32
      %add3A_151 = arith.constant 4 : i32
      %add3A_152 = arith.addi %mul3A_150, %add3A_151 : i32
      %get3A_153 = arith.index_cast %add3A_152 : i32 to index
      %get3A_154 = arith.constant 0 : index
      %get3A_155 = tpu.vector_load %arg9[%get3A_153, %get3A_154] {strides = array<i32>} : memref<256x32xf32, #tpu.memory_space<vmem>>, vector<16xf32>,
      %get3A_156 = arith.index_cast %add3A_152 : i32 to index
      %get3A_157 = arith.constant 0 : index
      %get3A_158 = tpu.vector_load %arg10[%get3A_156, %get3A_157] {strides = array<i32>} : memref<256x32xf32, #tpu.memory_space<vmem>>, vector<16xf32>,
      %mul3A_159 = arith.mulf %get3A_155, %get3A_158 : vector<16xf32>
      %get3A_160 = arith.index_cast %add3A_152 : i32 to index
      %get3A_161 = arith.constant 16 : index
      %get3A_162 = tpu.vector_load %arg9[%get3A_160, %get3A_161] {strides = array<i32>} : memref<256x32xf32, #tpu.memory_space<vmem>>, vector<16xf32>,
      %get3A_163 = arith.index_cast %add3A_152 : i32 to index
      %get3A_164 = arith.constant 16 : index
      %get3A_165 = tpu.vector_load %arg10[%get3A_163, %get3A_164] {strides = array<i32>} : memref<256x32xf32, #tpu.memory_space<vmem>>, vector<16xf32>,
      %mul3A_166 = arith.mulf %get3A_162, %get3A_165 : vector<16xf32>
      %add3A_167 = arith.addf %mul3A_159, %mul3A_166 : vector<16xf32>
      %mul3A_168 = arith.constant 16 : i32
      %mul3A_169 = vector.broadcast %mul3A_168 : i32 to vector<16xi32>
      %mul3A_170 = arith.muli %iota3A, %mul3A_169 : vector<16xi32>
      %add3A_171 = arith.constant 4 : i32
      %add3A_172 = vector.broadcast %add3A_171 : i32 to vector<16xi32>
      %add3A_173 = arith.addi %mul3A_170, %add3A_172 : vector<16xi32>
      tpu.vector_store_idx %arg11[%add3A_173], %add3A_167 : memref<256xf32, #tpu.memory_space<vmem>>[vector<16xi32>], vector<16xf32>,
      %mul3A_174 = arith.constant 16 : i32
      %mul3A_175 = arith.muli %scan3A_49, %mul3A_174 : i32
      %add3A_176 = arith.constant 5 : i32
      %add3A_177 = arith.addi %mul3A_175, %add3A_176 : i32
      %get3A_178 = arith.index_cast %add3A_177 : i32 to index
      %get3A_179 = arith.constant 0 : index
      %get3A_180 = tpu.vector_load %arg9[%get3A_178, %get3A_179] {strides = array<i32>} : memref<256x32xf32, #tpu.memory_space<vmem>>, vector<16xf32>,
      %get3A_181 = arith.index_cast %add3A_177 : i32 to index
      %get3A_182 = arith.constant 0 : index
      %get3A_183 = tpu.vector_load %arg10[%get3A_181, %get3A_182] {strides = array<i32>} : memref<256x32xf32, #tpu.memory_space<vmem>>, vector<16xf32>,
      %mul3A_184 = arith.mulf %get3A_180, %get3A_183 : vector<16xf32>
      %get3A_185 = arith.index_cast %add3A_177 : i32 to index
      %get3A_186 = arith.constant 16 : index
      %get3A_187 = tpu.vector_load %arg9[%get3A_185, %get3A_186] {strides = array<i32>} : memref<256x32xf32, #tpu.memory_space<vmem>>, vector<16xf32>,
      %get3A_188 = arith.index_cast %add3A_177 : i32 to index
      %get3A_189 = arith.constant 16 : index
      %get3A_190 = tpu.vector_load %arg10[%get3A_188, %get3A_189] {strides = array<i32>} : memref<256x32xf32, #tpu.memory_space<vmem>>, vector<16xf32>,
      %mul3A_191 = arith.mulf %get3A_187, %get3A_190 : vector<16xf32>
      %add3A_192 = arith.addf %mul3A_184, %mul3A_191 : vector<16xf32>
      %mul3A_193 = arith.constant 16 : i32
      %mul3A_194 = vector.broadcast %mul3A_193 : i32 to vector<16xi32>
      %mul3A_195 = arith.muli %iota3A, %mul3A_194 : vector<16xi32>
      %add3A_196 = arith.constant 5 : i32
      %add3A_197 = vector.broadcast %add3A_196 : i32 to vector<16xi32>
      %add3A_198 = arith.addi %mul3A_195, %add3A_197 : vector<16xi32>
      tpu.vector_store_idx %arg11[%add3A_198], %add3A_192 : memref<256xf32, #tpu.memory_space<vmem>>[vector<16xi32>], vector<16xf32>,
      %mul3A_199 = arith.constant 16 : i32
      %mul3A_200 = arith.muli %scan3A_49, %mul3A_199 : i32
      %add3A_201 = arith.constant 6 : i32
      %add3A_202 = arith.addi %mul3A_200, %add3A_201 : i32
      %get3A_203 = arith.index_cast %add3A_202 : i32 to index
      %get3A_204 = arith.constant 0 : index
      %get3A_205 = tpu.vector_load %arg9[%get3A_203, %get3A_204] {strides = array<i32>} : memref<256x32xf32, #tpu.memory_space<vmem>>, vector<16xf32>,
      %get3A_206 = arith.index_cast %add3A_202 : i32 to index
      %get3A_207 = arith.constant 0 : index
      %get3A_208 = tpu.vector_load %arg10[%get3A_206, %get3A_207] {strides = array<i32>} : memref<256x32xf32, #tpu.memory_space<vmem>>, vector<16xf32>,
      %mul3A_209 = arith.mulf %get3A_205, %get3A_208 : vector<16xf32>
      %get3A_210 = arith.index_cast %add3A_202 : i32 to index
      %get3A_211 = arith.constant 16 : index
      %get3A_212 = tpu.vector_load %arg9[%get3A_210, %get3A_211] {strides = array<i32>} : memref<256x32xf32, #tpu.memory_space<vmem>>, vector<16xf32>,
      %get3A_213 = arith.index_cast %add3A_202 : i32 to index
      %get3A_214 = arith.constant 16 : index
      %get3A_215 = tpu.vector_load %arg10[%get3A_213, %get3A_214] {strides = array<i32>} : memref<256x32xf32, #tpu.memory_space<vmem>>, vector<16xf32>,
      %mul3A_216 = arith.mulf %get3A_212, %get3A_215 : vector<16xf32>
      %add3A_217 = arith.addf %mul3A_209, %mul3A_216 : vector<16xf32>
      %mul3A_218 = arith.constant 16 : i32
      %mul3A_219 = vector.broadcast %mul3A_218 : i32 to vector<16xi32>
      %mul3A_220 = arith.muli %iota3A, %mul3A_219 : vector<16xi32>
      %add3A_221 = arith.constant 6 : i32
      %add3A_222 = vector.broadcast %add3A_221 : i32 to vector<16xi32>
      %add3A_223 = arith.addi %mul3A_220, %add3A_222 : vector<16xi32>
      tpu.vector_store_idx %arg11[%add3A_223], %add3A_217 : memref<256xf32, #tpu.memory_space<vmem>>[vector<16xi32>], vector<16xf32>,
      %mul3A_224 = arith.constant 16 : i32
      %mul3A_225 = arith.muli %scan3A_49, %mul3A_224 : i32
      %add3A_226 = arith.constant 7 : i32
      %add3A_227 = arith.addi %mul3A_225, %add3A_226 : i32
      %get3A_228 = arith.index_cast %add3A_227 : i32 to index
      %get3A_229 = arith.constant 0 : index
      %get3A_230 = tpu.vector_load %arg9[%get3A_228, %get3A_229] {strides = array<i32>} : memref<256x32xf32, #tpu.memory_space<vmem>>, vector<16xf32>,
      %get3A_231 = arith.index_cast %add3A_227 : i32 to index
      %get3A_232 = arith.constant 0 : index
      %get3A_233 = tpu.vector_load %arg10[%get3A_231, %get3A_232] {strides = array<i32>} : memref<256x32xf32, #tpu.memory_space<vmem>>, vector<16xf32>,
      %mul3A_234 = arith.mulf %get3A_230, %get3A_233 : vector<16xf32>
      %get3A_235 = arith.index_cast %add3A_227 : i32 to index
      %get3A_236 = arith.constant 16 : index
      %get3A_237 = tpu.vector_load %arg9[%get3A_235, %get3A_236] {strides = array<i32>} : memref<256x32xf32, #tpu.memory_space<vmem>>, vector<16xf32>,
      %get3A_238 = arith.index_cast %add3A_227 : i32 to index
      %get3A_239 = arith.constant 16 : index
      %get3A_240 = tpu.vector_load %arg10[%get3A_238, %get3A_239] {strides = array<i32>} : memref<256x32xf32, #tpu.memory_space<vmem>>, vector<16xf32>,
      %mul3A_241 = arith.mulf %get3A_237, %get3A_240 : vector<16xf32>
      %add3A_242 = arith.addf %mul3A_234, %mul3A_241 : vector<16xf32>
      %mul3A_243 = arith.constant 16 : i32
      %mul3A_244 = vector.broadcast %mul3A_243 : i32 to vector<16xi32>
      %mul3A_245 = arith.muli %iota3A, %mul3A_244 : vector<16xi32>
      %add3A_246 = arith.constant 7 : i32
      %add3A_247 = vector.broadcast %add3A_246 : i32 to vector<16xi32>
      %add3A_248 = arith.addi %mul3A_245, %add3A_247 : vector<16xi32>
      tpu.vector_store_idx %arg11[%add3A_248], %add3A_242 : memref<256xf32, #tpu.memory_space<vmem>>[vector<16xi32>], vector<16xf32>,
      %mul3A_249 = arith.constant 16 : i32
      %mul3A_250 = arith.muli %scan3A_49, %mul3A_249 : i32
      %add3A_251 = arith.constant 8 : i32
      %add3A_252 = arith.addi %mul3A_250, %add3A_251 : i32
      %get3A_253 = arith.index_cast %add3A_252 : i32 to index
      %get3A_254 = arith.constant 0 : index
      %get3A_255 = tpu.vector_load %arg9[%get3A_253, %get3A_254] {strides = array<i32>} : memref<256x32xf32, #tpu.memory_space<vmem>>, vector<16xf32>,
      %get3A_256 = arith.index_cast %add3A_252 : i32 to index
      %get3A_257 = arith.constant 0 : index
      %get3A_258 = tpu.vector_load %arg10[%get3A_256, %get3A_257] {strides = array<i32>} : memref<256x32xf32, #tpu.memory_space<vmem>>, vector<16xf32>,
      %mul3A_259 = arith.mulf %get3A_255, %get3A_258 : vector<16xf32>
      %get3A_260 = arith.index_cast %add3A_252 : i32 to index
      %get3A_261 = arith.constant 16 : index
      %get3A_262 = tpu.vector_load %arg9[%get3A_260, %get3A_261] {strides = array<i32>} : memref<256x32xf32, #tpu.memory_space<vmem>>, vector<16xf32>,
      %get3A_263 = arith.index_cast %add3A_252 : i32 to index
      %get3A_264 = arith.constant 16 : index
      %get3A_265 = tpu.vector_load %arg10[%get3A_263, %get3A_264] {strides = array<i32>} : memref<256x32xf32, #tpu.memory_space<vmem>>, vector<16xf32>,
      %mul3A_266 = arith.mulf %get3A_262, %get3A_265 : vector<16xf32>
      %add3A_267 = arith.addf %mul3A_259, %mul3A_266 : vector<16xf32>
      %mul3A_268 = arith.constant 16 : i32
      %mul3A_269 = vector.broadcast %mul3A_268 : i32 to vector<16xi32>
      %mul3A_270 = arith.muli %iota3A, %mul3A_269 : vector<16xi32>
      %add3A_271 = arith.constant 8 : i32
      %add3A_272 = vector.broadcast %add3A_271 : i32 to vector<16xi32>
      %add3A_273 = arith.addi %mul3A_270, %add3A_272 : vector<16xi32>
      tpu.vector_store_idx %arg11[%add3A_273], %add3A_267 : memref<256xf32, #tpu.memory_space<vmem>>[vector<16xi32>], vector<16xf32>,
      %mul3A_274 = arith.constant 16 : i32
      %mul3A_275 = arith.muli %scan3A_49, %mul3A_274 : i32
      %add3A_276 = arith.constant 9 : i32
      %add3A_277 = arith.addi %mul3A_275, %add3A_276 : i32
      %get3A_278 = arith.index_cast %add3A_277 : i32 to index
      %get3A_279 = arith.constant 0 : index
      %get3A_280 = tpu.vector_load %arg9[%get3A_278, %get3A_279] {strides = array<i32>} : memref<256x32xf32, #tpu.memory_space<vmem>>, vector<16xf32>,
      %get3A_281 = arith.index_cast %add3A_277 : i32 to index
      %get3A_282 = arith.constant 0 : index
      %get3A_283 = tpu.vector_load %arg10[%get3A_281, %get3A_282] {strides = array<i32>} : memref<256x32xf32, #tpu.memory_space<vmem>>, vector<16xf32>,
      %mul3A_284 = arith.mulf %get3A_280, %get3A_283 : vector<16xf32>
      %get3A_285 = arith.index_cast %add3A_277 : i32 to index
      %get3A_286 = arith.constant 16 : index
      %get3A_287 = tpu.vector_load %arg9[%get3A_285, %get3A_286] {strides = array<i32>} : memref<256x32xf32, #tpu.memory_space<vmem>>, vector<16xf32>,
      %get3A_288 = arith.index_cast %add3A_277 : i32 to index
      %get3A_289 = arith.constant 16 : index
      %get3A_290 = tpu.vector_load %arg10[%get3A_288, %get3A_289] {strides = array<i32>} : memref<256x32xf32, #tpu.memory_space<vmem>>, vector<16xf32>,
      %mul3A_291 = arith.mulf %get3A_287, %get3A_290 : vector<16xf32>
      %add3A_292 = arith.addf %mul3A_284, %mul3A_291 : vector<16xf32>
      %mul3A_293 = arith.constant 16 : i32
      %mul3A_294 = vector.broadcast %mul3A_293 : i32 to vector<16xi32>
      %mul3A_295 = arith.muli %iota3A, %mul3A_294 : vector<16xi32>
      %add3A_296 = arith.constant 9 : i32
      %add3A_297 = vector.broadcast %add3A_296 : i32 to vector<16xi32>
      %add3A_298 = arith.addi %mul3A_295, %add3A_297 : vector<16xi32>
      tpu.vector_store_idx %arg11[%add3A_298], %add3A_292 : memref<256xf32, #tpu.memory_space<vmem>>[vector<16xi32>], vector<16xf32>,
      %mul3A_299 = arith.constant 16 : i32
      %mul3A_300 = arith.muli %scan3A_49, %mul3A_299 : i32
      %add3A_301 = arith.constant 10 : i32
      %add3A_302 = arith.addi %mul3A_300, %add3A_301 : i32
      %get3A_303 = arith.index_cast %add3A_302 : i32 to index
      %get3A_304 = arith.constant 0 : index
      %get3A_305 = tpu.vector_load %arg9[%get3A_303, %get3A_304] {strides = array<i32>} : memref<256x32xf32, #tpu.memory_space<vmem>>, vector<16xf32>,
      %get3A_306 = arith.index_cast %add3A_302 : i32 to index
      %get3A_307 = arith.constant 0 : index
      %get3A_308 = tpu.vector_load %arg10[%get3A_306, %get3A_307] {strides = array<i32>} : memref<256x32xf32, #tpu.memory_space<vmem>>, vector<16xf32>,
      %mul3A_309 = arith.mulf %get3A_305, %get3A_308 : vector<16xf32>
      %get3A_310 = arith.index_cast %add3A_302 : i32 to index
      %get3A_311 = arith.constant 16 : index
      %get3A_312 = tpu.vector_load %arg9[%get3A_310, %get3A_311] {strides = array<i32>} : memref<256x32xf32, #tpu.memory_space<vmem>>, vector<16xf32>,
      %get3A_313 = arith.index_cast %add3A_302 : i32 to index
      %get3A_314 = arith.constant 16 : index
      %get3A_315 = tpu.vector_load %arg10[%get3A_313, %get3A_314] {strides = array<i32>} : memref<256x32xf32, #tpu.memory_space<vmem>>, vector<16xf32>,
      %mul3A_316 = arith.mulf %get3A_312, %get3A_315 : vector<16xf32>
      %add3A_317 = arith.addf %mul3A_309, %mul3A_316 : vector<16xf32>
      %mul3A_318 = arith.constant 16 : i32
      %mul3A_319 = vector.broadcast %mul3A_318 : i32 to vector<16xi32>
      %mul3A_320 = arith.muli %iota3A, %mul3A_319 : vector<16xi32>
      %add3A_321 = arith.constant 10 : i32
      %add3A_322 = vector.broadcast %add3A_321 : i32 to vector<16xi32>
      %add3A_323 = arith.addi %mul3A_320, %add3A_322 : vector<16xi32>
      tpu.vector_store_idx %arg11[%add3A_323], %add3A_317 : memref<256xf32, #tpu.memory_space<vmem>>[vector<16xi32>], vector<16xf32>,
      %mul3A_324 = arith.constant 16 : i32
      %mul3A_325 = arith.muli %scan3A_49, %mul3A_324 : i32
      %add3A_326 = arith.constant 11 : i32
      %add3A_327 = arith.addi %mul3A_325, %add3A_326 : i32
      %get3A_328 = arith.index_cast %add3A_327 : i32 to index
      %get3A_329 = arith.constant 0 : index
      %get3A_330 = tpu.vector_load %arg9[%get3A_328, %get3A_329] {strides = array<i32>} : memref<256x32xf32, #tpu.memory_space<vmem>>, vector<16xf32>,
      %get3A_331 = arith.index_cast %add3A_327 : i32 to index
      %get3A_332 = arith.constant 0 : index
      %get3A_333 = tpu.vector_load %arg10[%get3A_331, %get3A_332] {strides = array<i32>} : memref<256x32xf32, #tpu.memory_space<vmem>>, vector<16xf32>,
      %mul3A_334 = arith.mulf %get3A_330, %get3A_333 : vector<16xf32>
      %get3A_335 = arith.index_cast %add3A_327 : i32 to index
      %get3A_336 = arith.constant 16 : index
      %get3A_337 = tpu.vector_load %arg9[%get3A_335, %get3A_336] {strides = array<i32>} : memref<256x32xf32, #tpu.memory_space<vmem>>, vector<16xf32>,
      %get3A_338 = arith.index_cast %add3A_327 : i32 to index
      %get3A_339 = arith.constant 16 : index
      %get3A_340 = tpu.vector_load %arg10[%get3A_338, %get3A_339] {strides = array<i32>} : memref<256x32xf32, #tpu.memory_space<vmem>>, vector<16xf32>,
      %mul3A_341 = arith.mulf %get3A_337, %get3A_340 : vector<16xf32>
      %add3A_342 = arith.addf %mul3A_334, %mul3A_341 : vector<16xf32>
      %mul3A_343 = arith.constant 16 : i32
      %mul3A_344 = vector.broadcast %mul3A_343 : i32 to vector<16xi32>
      %mul3A_345 = arith.muli %iota3A, %mul3A_344 : vector<16xi32>
      %add3A_346 = arith.constant 11 : i32
      %add3A_347 = vector.broadcast %add3A_346 : i32 to vector<16xi32>
      %add3A_348 = arith.addi %mul3A_345, %add3A_347 : vector<16xi32>
      tpu.vector_store_idx %arg11[%add3A_348], %add3A_342 : memref<256xf32, #tpu.memory_space<vmem>>[vector<16xi32>], vector<16xf32>,
      %mul3A_349 = arith.constant 16 : i32
      %mul3A_350 = arith.muli %scan3A_49, %mul3A_349 : i32
      %add3A_351 = arith.constant 12 : i32
      %add3A_352 = arith.addi %mul3A_350, %add3A_351 : i32
      %get3A_353 = arith.index_cast %add3A_352 : i32 to index
      %get3A_354 = arith.constant 0 : index
      %get3A_355 = tpu.vector_load %arg9[%get3A_353, %get3A_354] {strides = array<i32>} : memref<256x32xf32, #tpu.memory_space<vmem>>, vector<16xf32>,
      %get3A_356 = arith.index_cast %add3A_352 : i32 to index
      %get3A_357 = arith.constant 0 : index
      %get3A_358 = tpu.vector_load %arg10[%get3A_356, %get3A_357] {strides = array<i32>} : memref<256x32xf32, #tpu.memory_space<vmem>>, vector<16xf32>,
      %mul3A_359 = arith.mulf %get3A_355, %get3A_358 : vector<16xf32>
      %get3A_360 = arith.index_cast %add3A_352 : i32 to index
      %get3A_361 = arith.constant 16 : index
      %get3A_362 = tpu.vector_load %arg9[%get3A_360, %get3A_361] {strides = array<i32>} : memref<256x32xf32, #tpu.memory_space<vmem>>, vector<16xf32>,
      %get3A_363 = arith.index_cast %add3A_352 : i32 to index
      %get3A_364 = arith.constant 16 : index
      %get3A_365 = tpu.vector_load %arg10[%get3A_363, %get3A_364] {strides = array<i32>} : memref<256x32xf32, #tpu.memory_space<vmem>>, vector<16xf32>,
      %mul3A_366 = arith.mulf %get3A_362, %get3A_365 : vector<16xf32>
      %add3A_367 = arith.addf %mul3A_359, %mul3A_366 : vector<16xf32>
      %mul3A_368 = arith.constant 16 : i32
      %mul3A_369 = vector.broadcast %mul3A_368 : i32 to vector<16xi32>
      %mul3A_370 = arith.muli %iota3A, %mul3A_369 : vector<16xi32>
      %add3A_371 = arith.constant 12 : i32
      %add3A_372 = vector.broadcast %add3A_371 : i32 to vector<16xi32>
      %add3A_373 = arith.addi %mul3A_370, %add3A_372 : vector<16xi32>
      tpu.vector_store_idx %arg11[%add3A_373], %add3A_367 : memref<256xf32, #tpu.memory_space<vmem>>[vector<16xi32>], vector<16xf32>,
      %mul3A_374 = arith.constant 16 : i32
      %mul3A_375 = arith.muli %scan3A_49, %mul3A_374 : i32
      %add3A_376 = arith.constant 13 : i32
      %add3A_377 = arith.addi %mul3A_375, %add3A_376 : i32
      %get3A_378 = arith.index_cast %add3A_377 : i32 to index
      %get3A_379 = arith.constant 0 : index
      %get3A_380 = tpu.vector_load %arg9[%get3A_378, %get3A_379] {strides = array<i32>} : memref<256x32xf32, #tpu.memory_space<vmem>>, vector<16xf32>,
      %get3A_381 = arith.index_cast %add3A_377 : i32 to index
      %get3A_382 = arith.constant 0 : index
      %get3A_383 = tpu.vector_load %arg10[%get3A_381, %get3A_382] {strides = array<i32>} : memref<256x32xf32, #tpu.memory_space<vmem>>, vector<16xf32>,
      %mul3A_384 = arith.mulf %get3A_380, %get3A_383 : vector<16xf32>
      %get3A_385 = arith.index_cast %add3A_377 : i32 to index
      %get3A_386 = arith.constant 16 : index
      %get3A_387 = tpu.vector_load %arg9[%get3A_385, %get3A_386] {strides = array<i32>} : memref<256x32xf32, #tpu.memory_space<vmem>>, vector<16xf32>,
      %get3A_388 = arith.index_cast %add3A_377 : i32 to index
      %get3A_389 = arith.constant 16 : index
      %get3A_390 = tpu.vector_load %arg10[%get3A_388, %get3A_389] {strides = array<i32>} : memref<256x32xf32, #tpu.memory_space<vmem>>, vector<16xf32>,
      %mul3A_391 = arith.mulf %get3A_387, %get3A_390 : vector<16xf32>
      %add3A_392 = arith.addf %mul3A_384, %mul3A_391 : vector<16xf32>
      %mul3A_393 = arith.constant 16 : i32
      %mul3A_394 = vector.broadcast %mul3A_393 : i32 to vector<16xi32>
      %mul3A_395 = arith.muli %iota3A, %mul3A_394 : vector<16xi32>
      %add3A_396 = arith.constant 13 : i32
      %add3A_397 = vector.broadcast %add3A_396 : i32 to vector<16xi32>
      %add3A_398 = arith.addi %mul3A_395, %add3A_397 : vector<16xi32>
      tpu.vector_store_idx %arg11[%add3A_398], %add3A_392 : memref<256xf32, #tpu.memory_space<vmem>>[vector<16xi32>], vector<16xf32>,
      %mul3A_399 = arith.constant 16 : i32
      %mul3A_400 = arith.muli %scan3A_49, %mul3A_399 : i32
      %add3A_401 = arith.constant 14 : i32
      %add3A_402 = arith.addi %mul3A_400, %add3A_401 : i32
      %get3A_403 = arith.index_cast %add3A_402 : i32 to index
      %get3A_404 = arith.constant 0 : index
      %get3A_405 = tpu.vector_load %arg9[%get3A_403, %get3A_404] {strides = array<i32>} : memref<256x32xf32, #tpu.memory_space<vmem>>, vector<16xf32>,
      %get3A_406 = arith.index_cast %add3A_402 : i32 to index
      %get3A_407 = arith.constant 0 : index
      %get3A_408 = tpu.vector_load %arg10[%get3A_406, %get3A_407] {strides = array<i32>} : memref<256x32xf32, #tpu.memory_space<vmem>>, vector<16xf32>,
      %mul3A_409 = arith.mulf %get3A_405, %get3A_408 : vector<16xf32>
      %get3A_410 = arith.index_cast %add3A_402 : i32 to index
      %get3A_411 = arith.constant 16 : index
      %get3A_412 = tpu.vector_load %arg9[%get3A_410, %get3A_411] {strides = array<i32>} : memref<256x32xf32, #tpu.memory_space<vmem>>, vector<16xf32>,
      %get3A_413 = arith.index_cast %add3A_402 : i32 to index
      %get3A_414 = arith.constant 16 : index
      %get3A_415 = tpu.vector_load %arg10[%get3A_413, %get3A_414] {strides = array<i32>} : memref<256x32xf32, #tpu.memory_space<vmem>>, vector<16xf32>,
      %mul3A_416 = arith.mulf %get3A_412, %get3A_415 : vector<16xf32>
      %add3A_417 = arith.addf %mul3A_409, %mul3A_416 : vector<16xf32>
      %mul3A_418 = arith.constant 16 : i32
      %mul3A_419 = vector.broadcast %mul3A_418 : i32 to vector<16xi32>
      %mul3A_420 = arith.muli %iota3A, %mul3A_419 : vector<16xi32>
      %add3A_421 = arith.constant 14 : i32
      %add3A_422 = vector.broadcast %add3A_421 : i32 to vector<16xi32>
      %add3A_423 = arith.addi %mul3A_420, %add3A_422 : vector<16xi32>
      tpu.vector_store_idx %arg11[%add3A_423], %add3A_417 : memref<256xf32, #tpu.memory_space<vmem>>[vector<16xi32>], vector<16xf32>,
      %mul3A_424 = arith.constant 16 : i32
      %mul3A_425 = arith.muli %scan3A_49, %mul3A_424 : i32
      %add3A_426 = arith.constant 15 : i32
      %add3A_427 = arith.addi %mul3A_425, %add3A_426 : i32
      %get3A_428 = arith.index_cast %add3A_427 : i32 to index
      %get3A_429 = arith.constant 0 : index
      %get3A_430 = tpu.vector_load %arg9[%get3A_428, %get3A_429] {strides = array<i32>} : memref<256x32xf32, #tpu.memory_space<vmem>>, vector<16xf32>,
      %get3A_431 = arith.index_cast %add3A_427 : i32 to index
      %get3A_432 = arith.constant 0 : index
      %get3A_433 = tpu.vector_load %arg10[%get3A_431, %get3A_432] {strides = array<i32>} : memref<256x32xf32, #tpu.memory_space<vmem>>, vector<16xf32>,
      %mul3A_434 = arith.mulf %get3A_430, %get3A_433 : vector<16xf32>
      %get3A_435 = arith.index_cast %add3A_427 : i32 to index
      %get3A_436 = arith.constant 16 : index
      %get3A_437 = tpu.vector_load %arg9[%get3A_435, %get3A_436] {strides = array<i32>} : memref<256x32xf32, #tpu.memory_space<vmem>>, vector<16xf32>,
      %get3A_438 = arith.index_cast %add3A_427 : i32 to index
      %get3A_439 = arith.constant 16 : index
      %get3A_440 = tpu.vector_load %arg10[%get3A_438, %get3A_439] {strides = array<i32>} : memref<256x32xf32, #tpu.memory_space<vmem>>, vector<16xf32>,
      %mul3A_441 = arith.mulf %get3A_437, %get3A_440 : vector<16xf32>
      %add3A_442 = arith.addf %mul3A_434, %mul3A_441 : vector<16xf32>
      %mul3A_443 = arith.constant 16 : i32
      %mul3A_444 = vector.broadcast %mul3A_443 : i32 to vector<16xi32>
      %mul3A_445 = arith.muli %iota3A, %mul3A_444 : vector<16xi32>
      %add3A_446 = arith.constant 15 : i32
      %add3A_447 = vector.broadcast %add3A_446 : i32 to vector<16xi32>
      %add3A_448 = arith.addi %mul3A_445, %add3A_447 : vector<16xi32>
      tpu.vector_store_idx %arg11[%add3A_448], %add3A_442 : memref<256xf32, #tpu.memory_space<vmem>>[vector<16xi32>], vector<16xf32>,
      %get3A_449 = arith.constant 0 : index
      %get3A_450 = tpu.vector_load %arg11[%get3A_449] {strides = array<i32>} : memref<256xf32, #tpu.memory_space<vmem>>, vector<16xf32>,
      %get3A_451 = arith.constant 16 : index
      %get3A_452 = tpu.vector_load %arg11[%get3A_451] {strides = array<i32>} : memref<256xf32, #tpu.memory_space<vmem>>, vector<16xf32>,
      %add3A_453 = arith.addf %get3A_450, %get3A_452 : vector<16xf32>
      %get3A_454 = arith.constant 32 : index
      %get3A_455 = tpu.vector_load %arg11[%get3A_454] {strides = array<i32>} : memref<256xf32, #tpu.memory_space<vmem>>, vector<16xf32>,
      %add3A_456 = arith.addf %add3A_453, %get3A_455 : vector<16xf32>
      %get3A_457 = arith.constant 48 : index
      %get3A_458 = tpu.vector_load %arg11[%get3A_457] {strides = array<i32>} : memref<256xf32, #tpu.memory_space<vmem>>, vector<16xf32>,
      %add3A_459 = arith.addf %add3A_456, %get3A_458 : vector<16xf32>
      %get3A_460 = arith.constant 64 : index
      %get3A_461 = tpu.vector_load %arg11[%get3A_460] {strides = array<i32>} : memref<256xf32, #tpu.memory_space<vmem>>, vector<16xf32>,
      %add3A_462 = arith.addf %add3A_459, %get3A_461 : vector<16xf32>
      %get3A_463 = arith.constant 80 : index
      %get3A_464 = tpu.vector_load %arg11[%get3A_463] {strides = array<i32>} : memref<256xf32, #tpu.memory_space<vmem>>, vector<16xf32>,
      %add3A_465 = arith.addf %add3A_462, %get3A_464 : vector<16xf32>
      %get3A_466 = arith.constant 96 : index
      %get3A_467 = tpu.vector_load %arg11[%get3A_466] {strides = array<i32>} : memref<256xf32, #tpu.memory_space<vmem>>, vector<16xf32>,
      %add3A_468 = arith.addf %add3A_465, %get3A_467 : vector<16xf32>
      %get3A_469 = arith.constant 112 : index
      %get3A_470 = tpu.vector_load %arg11[%get3A_469] {strides = array<i32>} : memref<256xf32, #tpu.memory_space<vmem>>, vector<16xf32>,
      %add3A_471 = arith.addf %add3A_468, %get3A_470 : vector<16xf32>
      %get3A_472 = arith.constant 128 : index
      %get3A_473 = tpu.vector_load %arg11[%get3A_472] {strides = array<i32>} : memref<256xf32, #tpu.memory_space<vmem>>, vector<16xf32>,
      %add3A_474 = arith.addf %add3A_471, %get3A_473 : vector<16xf32>
      %get3A_475 = arith.constant 144 : index
      %get3A_476 = tpu.vector_load %arg11[%get3A_475] {strides = array<i32>} : memref<256xf32, #tpu.memory_space<vmem>>, vector<16xf32>,
      %add3A_477 = arith.addf %add3A_474, %get3A_476 : vector<16xf32>
      %get3A_478 = arith.constant 160 : index
      %get3A_479 = tpu.vector_load %arg11[%get3A_478] {strides = array<i32>} : memref<256xf32, #tpu.memory_space<vmem>>, vector<16xf32>,
      %add3A_480 = arith.addf %add3A_477, %get3A_479 : vector<16xf32>
      %get3A_481 = arith.constant 176 : index
      %get3A_482 = tpu.vector_load %arg11[%get3A_481] {strides = array<i32>} : memref<256xf32, #tpu.memory_space<vmem>>, vector<16xf32>,
      %add3A_483 = arith.addf %add3A_480, %get3A_482 : vector<16xf32>
      %get3A_484 = arith.constant 192 : index
      %get3A_485 = tpu.vector_load %arg11[%get3A_484] {strides = array<i32>} : memref<256xf32, #tpu.memory_space<vmem>>, vector<16xf32>,
      %add3A_486 = arith.addf %add3A_483, %get3A_485 : vector<16xf32>
      %get3A_487 = arith.constant 208 : index
      %get3A_488 = tpu.vector_load %arg11[%get3A_487] {strides = array<i32>} : memref<256xf32, #tpu.memory_space<vmem>>, vector<16xf32>,
      %add3A_489 = arith.addf %add3A_486, %get3A_488 : vector<16xf32>
      %get3A_490 = arith.constant 224 : index
      %get3A_491 = tpu.vector_load %arg11[%get3A_490] {strides = array<i32>} : memref<256xf32, #tpu.memory_space<vmem>>, vector<16xf32>,
      %add3A_492 = arith.addf %add3A_489, %get3A_491 : vector<16xf32>
      %get3A_493 = arith.constant 240 : index
      %get3A_494 = tpu.vector_load %arg11[%get3A_493] {strides = array<i32>} : memref<256xf32, #tpu.memory_space<vmem>>, vector<16xf32>,
      %add3A_495 = arith.addf %add3A_492, %get3A_494 : vector<16xf32>
      %mul3A_496 = arith.constant 16 : i32
      %mul3A_497 = arith.muli %scan3A_49, %mul3A_496 : i32
      %add3A_498 = arith.constant 256 : i32
      %add3A_499 = arith.addi %add3A_498, %mul3A_497 : i32
      %swap3A = arith.index_cast %add3A_499 : i32 to index
      %swap3A_500 = tpu.vector_load %arg12[%swap3A] {strides = array<i32>} : memref<512xf32, #tpu.memory_space<vmem>>, vector<16xf32>,
      tpu.vector_store %arg12[%swap3A], %add3A_495 {strides = array<i32>} : memref<512xf32, #tpu.memory_space<vmem>>, vector<16xf32>,
    }
    %scan3A_48 = arith.constant 16 : i32
    "tpu.region"() ({
      %run_scoped3A = tpu.sem_alloc : memref<!tpu.dma_semaphore, #tpu.memory_space<semaphore_mem>>
      %dma_start3A = tpu.memref_slice %arg6[%mul3A_2] : memref<16384xf32, #tpu.memory_space<hbm>> -> memref<512xf32, #tpu.memory_space<hbm>>
      %dma_start3A_49 = tpu.memref_slice %arg6[%mul3A_2] : memref<16384xf32, #tpu.memory_space<hbm>> -> memref<512xf32, #tpu.memory_space<hbm>>
      tpu.enqueue_dma source(%arg12 : memref<512xf32, #tpu.memory_space<vmem>>) target(%dma_start3A_49 : memref<512xf32, #tpu.memory_space<hbm>>) target_semaphore(%run_scoped3A : memref<!tpu.dma_semaphore, #tpu.memory_space<semaphore_mem>>)
      %dma_wait3A_50 = tpu.memref_slice %arg6[%mul3A_2] : memref<16384xf32, #tpu.memory_space<hbm>> -> memref<512xf32, #tpu.memory_space<hbm>>
      %dma_wait3A_51 = tpu.memref_slice %arg6[%mul3A_2] : memref<16384xf32, #tpu.memory_space<hbm>> -> memref<512xf32, #tpu.memory_space<hbm>>
      tpu.wait_dma2 semaphore(%run_scoped3A : memref<!tpu.dma_semaphore, #tpu.memory_space<semaphore_mem>>) src(%arg12 : memref<512xf32, #tpu.memory_space<vmem>>) dst(%dma_wait3A_51 : memref<512xf32, #tpu.memory_space<hbm>>)
      tpu.yield
    }) : () -> ()
    return
  }
}

</mosaic_0001>

<sc_bundles>
// kernel: _run.3.cloned.1.call-start
scs
__scs_entry_jumppad:
0x0: {  	(pc) =	sbr.rel $0x88, $3  }
0x1: {  	(tag) =	ssettag $0x0;
	lr =	simm.s32 $0x1  }
0x2: {  	[smem:$0x3F9D] =	sst lr;
	_ =	strace $0xD0000000  }
0x3: {  	_ = 	snop  }
0x4: {  	_ = 	snop  }
0x5: {  	_ = 	snop  }
0x6: {  	_ = 	snop  }
0x7: {  	_ = 	snop  }
__scs_overlays_trampoline_lowered:
0x8: {  	[smem:$0x3FAC] =	sst s0  }
0x9: {  	[smem:$0x3FAD] =	sst s1  }
0xa: {  	[smem:$0x3FAE] =	sst s2  }
0xb: {  	[smem:$0x3FAF] =	sst s3  }
0xc: {  	[smem:$0x3FB0] =	sst s4  }
0xd: {  	[smem:$0x3FB1] =	sst s5  }
0xe: {  	[smem:$0x3FB2] =	sst s6  }
0xf: {  	[smem:$0x3FB3] =	sst s7  }
0x10: {  	[smem:$0x3FB4] =	sst s8  }
0x11: {  	[smem:$0x3FB5] =	sst s9;
	s0 =	simm.s32 @!p0 $0x0  }
0x12: {  	s1 =	sld [smem:$0x3F9B];
	s0 =	simm.s32 @p0 $0x1  }
0x13: {  	[smem:$0x3FB6] =	sst s0;
	s0 =	simm.s32 @!p1 $0x0  }
0x14: {  	s2 =	sld [smem:$0x3F9A];
	s0 =	simm.s32 @p1 $0x1  }
0x15: {  	[smem:$0x3FB7] =	sst s0;
	s0 =	simm.s32 @!p2 $0x0  }
0x16: {  	s3 =	sld [smem:$0x3FDB];
	s0 =	simm.s32 @p2 $0x1  }
0x17: {  	s4 =	simm.s32 $0x1BF5;
	[smem:$0x3FB9] =	sst s0  }
0x18: {  	s0 =	sld [smem:$0x3F9C];
	_ =	swait.ge [sflag:s4], $0x0  }
0x19: {  	s7 =	sld [smem:$0x3F9D]  }
0x1a: {  	s8 =	sadd.s32 $0xFFFFE003, lr  }
0x1b: {  	s9 =	sadd.s32 $0xFFFFFEF7, lr;
	s5 =	simm.s32 $0xFFFFFFFF;
	p2 =	slt.u32 s8, $0xFFFFF086  }
0x1c: {  	p1 =	slt.u32 s9, $0xF7A;
	s5 =	simm.s32 @!p2 $0x0  }
0x1d: {  	s5 =	simm.s32 @p1 $0x1;
	p0 =	seq.s32 s7, s2  }
0x1e: {  	s7 =	smul.u32 @!p0 $0xF7A, s2;
	p2 =	seq.s32 @!p0 s5, $0x0  }
0x1f: {  	s9 =	smul.u32 $0xF7A, s1;
	s8 =	simm.s32 @!p0 $0x1BF5;
	p2 =	por !p2, p0  }
0x20: {  	[sflag:s8] =	ssyncset.s32 @!p0 $0xFFFFF086;
	s6 =	sadd.s32 @!p0 s3, s7;
	s7 =	simm.s32 @!p0 $0x108  }
0x21: {  	s3 =	sadd.s32 s3, s9;
	s6 =	sadd.s32 @!p0 $0x88, s6;
	s7 =	simm.s32 @p2 $0x1082  }
0x22: {  	[simem:s7], [sflag:s8] =	dma.local @!p0 [hbm:s6], $0xF7A  }
0x23: {  	s9 =	sor.u32 $0xD0000000, s2;
	s6 =	simm.s32 $0x108;
	_ =	swait.ge @!p0 [sflag:s8], $0x0  }
0x24: {  	s3 =	sadd.s32 $0x88, s3;
	s6 =	simm.s32 @!p1 $0x1082;
	[sflag:s4] =	ssyncset.s32 $0xFFFFF086  }
0x25: {  	[simem:s6], [sflag:s4] =	dma.local [hbm:s3], $0xF7A  }
0x26: {  	[smem:$0x3F9D] =	sst s1;
	(tag) =	ssettag s2;
	_ =	strace s9  }
0x27: {  	s1 =	sld [smem:$0x3FAD]  }
0x28: {  	s2 =	sld [smem:$0x3FAE]  }
0x29: {  	s4 =	sld [smem:$0x3FB0]  }
0x2a: {  	p0 =	seq.s32 s5, $0x0;
	s5 =	sld [smem:$0x3FB1]  }
0x2b: {  	s6 =	sld [smem:$0x3FB2]  }
0x2c: {  	s7 =	sld [smem:$0x3FB3]  }
0x2d: {  	s3 =	simm.s32 $0x108;
	s8 =	sld [smem:$0x3FB4]  }
0x2e: {  	s3 =	simm.s32 @!p0 $0x1082;
	s9 =	sld [smem:$0x3FB5]  }
0x2f: {  	lr =	sadd.s32 s0, s3;
	s0 =	sld [smem:$0x3FAC]  }
0x30: {  	s3 =	sld [smem:$0x3FAF]  }
0x31: {  	[smem:$0x3FB8] =	sst s10  }
0x32: {  	s10 =	sld [smem:$0x3FB6];
	_ =	sdelay $0x3  }
0x33: {  	p0 =	seq.s32 s10, $0x1;
	s10 =	sld [smem:$0x3FB8];
	_ =	sdelay $0x3  }
0x34: {  	[smem:$0x3FB8] =	sst s10  }
0x35: {  	s10 =	sld [smem:$0x3FB7];
	_ =	sdelay $0x3  }
0x36: {  	p1 =	seq.s32 s10, $0x1;
	s10 =	sld [smem:$0x3FB8];
	_ =	sdelay $0x3  }
0x37: {  	[smem:$0x3FB8] =	sst s10  }
0x38: {  	s10 =	sld [smem:$0x3FB9]  }
0x39: {  	_ = 	snop;
	(pc) =	sbr.ind lr, $3  }
0x3a: {  	_ = 	snop  }
0x3b: {  	_ = 	snop  }
0x3c: {  	p2 =	seq.s32 s10, $0x1;
	s10 =	sld [smem:$0x3FB8]  }
0x3d: {  	_ =	shalt  }
0x3e: {  	_ =	shalt  }
0x3f: {  	_ =	shalt  }
0x40: {  	_ =	shalt  }
0x41: {  	_ =	shalt  }
0x42: {  	_ =	shalt  }
0x43: {  	_ =	shalt  }
0x44: {  	_ =	shalt  }
0x45: {  	_ =	shalt  }
0x46: {  	_ =	shalt  }
0x47: {  	_ =	shalt  }
0x48: {  	_ =	shalt  }
0x49: {  	_ =	shalt  }
0x4a: {  	_ =	shalt  }
0x4b: {  	_ =	shalt  }
0x4c: {  	_ =	shalt  }
0x4d: {  	_ =	shalt  }
0x4e: {  	_ =	shalt  }
0x4f: {  	_ =	shalt  }
0x50: {  	_ =	shalt  }
0x51: {  	_ =	shalt  }
0x52: {  	_ =	shalt  }
0x53: {  	_ =	shalt  }
0x54: {  	_ =	shalt  }
0x55: {  	_ =	shalt  }
0x56: {  	_ =	shalt  }
0x57: {  	_ =	shalt  }
0x58: {  	_ =	shalt  }
0x59: {  	_ =	shalt  }
0x5a: {  	_ =	shalt  }
0x5b: {  	_ =	shalt  }
0x5c: {  	_ =	shalt  }
0x5d: {  	_ =	shalt  }
0x5e: {  	_ =	shalt  }
0x5f: {  	_ =	shalt  }
0x60: {  	_ =	shalt  }
0x61: {  	_ =	shalt  }
0x62: {  	_ =	shalt  }
0x63: {  	_ =	shalt  }
0x64: {  	_ =	shalt  }
0x65: {  	_ =	shalt  }
0x66: {  	_ =	shalt  }
0x67: {  	_ =	shalt  }
0x68: {  	_ =	shalt  }
0x69: {  	_ =	shalt  }
0x6a: {  	_ =	shalt  }
0x6b: {  	_ =	shalt  }
0x6c: {  	_ =	shalt  }
0x6d: {  	_ =	shalt  }
0x6e: {  	_ =	shalt  }
0x6f: {  	_ =	shalt  }
0x70: {  	_ =	shalt  }
0x71: {  	_ =	shalt  }
0x72: {  	_ =	shalt  }
0x73: {  	_ =	shalt  }
0x74: {  	_ =	shalt  }
0x75: {  	_ =	shalt  }
0x76: {  	_ =	shalt  }
0x77: {  	_ =	shalt  }
0x78: {  	_ =	shalt  }
0x79: {  	_ =	shalt  }
0x7a: {  	_ =	shalt  }
0x7b: {  	_ =	shalt  }
0x7c: {  	_ =	shalt  }
0x7d: {  	_ =	shalt  }
0x7e: {  	_ =	shalt  }
0x7f: {  	_ =	shalt  }
0x80: {  	_ =	shalt  }
0x81: {  	_ =	shalt  }
0x82: {  	_ =	shalt  }
0x83: {  	_ =	shalt  }
0x84: {  	_ =	shalt  }
0x85: {  	_ =	shalt  }
0x86: {  	_ =	shalt  }
0x87: {  	_ =	shalt  }
.Lfunc_end0:
.L_simem_size_0:
called_computation_lowered:
.L_overlay_start_0:
0x88: {  	s2 =	sld [smem:$0x3FD9]  }
0x89: {  	s3 =	sld [smem:$0x3FFE];
	_ =	sdelay $0x1  }
0x8a: {  	s1 =	srdreg.scid  }
0x8b: {  	s0 =	sand.u32 $0x1, s1  }
0x8c: {  	s17 =	sshll.u32 s0, $0xA;
	s2 =	sadd.s32 s3, s2  }
0x8d: {  	s2 =	sadd.s32 s2, s17  }
0x8e: {  	[smem:$0x3FC4] =	sst s2  }
0x8f: {  	_ = 	snop  }
0x90: {  	s2 =	sld [smem:$0x3FC9]  }
0x91: {  	s18 =	sld [smem:$0x3FC8]  }
0x92: {  	s4 =	sld [smem:$0x3FD0];
	(tm) =	ssettm $0x1  }
0x93: {  	s5 =	sld [smem:$0x3FFB];
	_ =	sdelay $0x3  }
0x94: {  	_ =	strace s5  }
0x95: {  	s5 =	sld [smem:$0x3FFC];
	_ =	sdelay $0x3  }
0x96: {  	_ =	strace s5  }
0x97: {  	s5 =	sld [smem:$0x3FFD];
	_ =	sdelay $0x3  }
0x98: {  	_ =	strace s5  }
0x99: {  	_ =	strace $0x8FFFFFFF  }
0x9a: {  	s19 =	sld [smem:$0x3FDB];
	_ =	sdelay $0x1  }
0x9b: {  	s6 =	simm.s32 $_scs_section_size  }
0x9c: {  	s7 =	simm.s32 $_size__tile_overlayer_lowered;
	s8 =	simm.s32 $_tile_overlayer_lowered  }
0x9d: {  	s22 =	simm.s32 $0x1BFF;
	s21 =	sshll.u32 s8, $0x1;
	s5 =	sadd.s32 s6, s19  }
0x9e: {  	s9 =	simm.s32 $0x0;
	s20 =	sshll.u32 s7, $0x1;
	s7 =	sadd.s32 s21, s5  }
0x9f: {  	[timem:s9], [sflag:s22] =	dma.local [hbm:s7], s20  }
0xa0: {  	_ =	swait.ge [sflag:s22], s20  }
0xa1: {  	s6 =	ssub.s32 $0x0, s20;
	[sflag:s22] =	ssyncset.done $0x0  }
0xa2: {  	[sflag:s22] =	ssyncadd.s32 s6;
	_ =	sdelay $0x1  }
0xa3: {  	s23 =	simm.s32 $0x1B8B  }
0xa4: {  	_ =	swait.ge [sflag:s23], $0x1  }
0xa5: {  	[sflag:s23] =	ssyncset.done $0x0  }
0xa6: {  	s25 =	simm.s32 $0x1B8E;
	s24 =	sld [smem:$0x3FFE];
	[sflag:s23] =	ssyncadd.s32 $0xFFFFFFFF  }
0xa7: {  	s26 =	simm.s32 $execute0_lowered;
	[smem:$0x3FD2] =	sst s25  }
0xa8: {  	s7 =	sshll.u32 s26, $0x1;
	_ =	strace $0x80000046;
	[dreg:$0x1] =	wrdreg $0xFFFFFFFF  }
0xa9: {  	s28 =	simm.s32 $_size_execute0_lowered;
	s5 =	sadd.s32 s5, s7;
	[dreg:$0x0] =	wrdreg $0x0  }
0xaa: {  	s7 =	sshll.u32 s28, $0x1;
	[dreg:$0x2] =	wrdreg s5  }
0xab: {  	[dreg:$0x3] =	wrdreg s7  }
0xac: {  	[dreg:$0x4] =	wrdreg $0xC0  }
0xad: {  	_ =	task [dreg:s9], $0x5FFFF  }
0xae: {  	[dreg:$0x1] =	wrdreg $0xFFFFFFFF  }
0xaf: {  	[dreg:$0x0] =	wrdreg $0x60  }
0xb0: {  	[dreg:$0x2] =	wrdreg s2  }
0xb1: {  	[dreg:$0x3] =	wrdreg s18  }
0xb2: {  	[dreg:$0x4] =	wrdreg s24  }
0xb3: {  	[dreg:$0x5] =	wrdreg s4  }
0xb4: {  	[dreg:$0x6] =	wrdreg $0x9  }
0xb5: {  	_ =	task.clear_ibuf [dreg:s9], $0x7FFFF;
	_ =	strace $0x90000046  }
0xb6: {  	s29 =	simm.s32 $0x9;
	_ =	strace $0x80000048  }
0xb7: {  	_ =	swait.ge [sflag:s29], $0x1  }
0xb8: {  	[sflag:s29] =	ssyncadd.s32 $0xFFFFFFFF  }
0xb9: {  	_ =	strace $0x90000048  }
0xba: {  	_ =	sfence  }
0xbb: {  	s30 =	sld [smem:$0x0];
	_ =	sdelay $0x2  }
0xbc: {  	s31 =	sshll.u32 s1, $0xD;
	s1 =	sshrl.u32 s1, $0x2  }
0xbd: {  	s3 =	sand.u32 $0x4000, s31;
	s1 =	sadd.s32 s1, s30  }
0xbe: {  	s0 =	sor.u32 s3, s0;
	s1 =	sshll.u32 s1, $0x11  }
0xbf: {  	s0 =	sor.u32 s1, s0  }
0xc0: {  	s0 =	sadd.s32 $0x8F2B, s0  }
0xc1: {  	[sflag:s0] =	ssyncadd.remote.s32 $0x1  }
0xc2: {  	_ =	sfence.sel $0xFFFF  }
0xc3: {  	[dreg:$0x0] =	wrdreg $0xFFFFFFFF;
	(pc) =	sbr.abs _section_cstart, $3  }
0xc4: {  	[dreg:$0x1] =	wrdreg $0xFFFFFFFF  }
0xc5: {  	_ =	task.clear_ibuf [dreg:s9], $0x2FFFF;
	_ =	strace $0x9FFFFFFF  }
0xc6: {  	(tm) =	ssettm $0x7FFFFFFF  }
0xc7: {  	_ =	shalt  }
tec
execute0_lowered:
.L_overlay_start_1:
0x0: {  	(tag) =	ssettag $0x1  }
0x1: {  	s0 =	rddreg [dreg:$0x0]  }
0x2: {  	s2 =	rddreg [dreg:$0x1]  }
0x3: {  	s4 =	rddreg [dreg:$0x2];
	s3 =	srdreg.scid  }
0x4: {  	s1 =	simm.s32 $0x0;
	v0 =	vlaneseq.u32;
	s7 =	stileid.u32;
	s3 =	sand.u32 $0x1, s3  }
0x5: {  	[smem:$0x7FF] =	sst s1;
	v0 =	vmul.u32 $0x10, v0;
	s7 =	sshll.u32 s7, $0x7;
	s8 =	sshll.u32 s3, $0x6  }
0x6: {  	s5 =	rddreg [dreg:$0x3];
	_ =	strace $0x80000047;
	s7 =	sor.u32 s8, s7  }
0x7: {  	s6 =	ssub.s32 $0x2, s3;
	s3 =	sadd.s32 $0x400, s4;
	v1 =	vor.u32 $0x1, v0;
	v2 =	vor.u32 $0x2, v0;
	v3 =	vor.u32 $0x3, v0;
	s0 =	sadd.s32 s0, s7  }
0x8: {  	s9 =	sshrl.u32 s6, $0x1;
	v4 =	vor.u32 $0x4, v0;
	v5 =	vor.u32 $0x5, v0;
	v6 =	vor.u32 $0x6, v0;
	s29 =	sadd.s32 s2, s7;
	[dreg:$0x17] =	wrdreg s0  }
0x9: {  	v7 =	vor.u32 $0x7, v0;
	v8 =	vor.u32 $0x8, v0;
	v9 =	vor.u32 $0x9, v0;
	s6 =	ssub.s32 s6, s9;
	s30 =	sadd.s32 s5, s7;
	[dreg:$0x18] =	wrdreg s29  }
0xa: {  	s4 =	sadd.s32 $0xF42A00, s4;
	v10 =	vor.u32 $0xA, v0;
	v11 =	vor.u32 $0xB, v0;
	v12 =	vor.u32 $0xC, v0;
	[dreg:$0x19] =	wrdreg s30;
	s31 =	smax.u32 s6, $0x1  }
0xb: {  	v13 =	vor.u32 $0xD, v0;
	v14 =	vor.u32 $0xE, v0;
	v15 =	vor.u32 $0xF, v0;
	s5 =	simm.s32 $0x3;
	s2 =	simm.s32 $0x0;
	[dreg:$0x1a] =	wrdreg s31  }
.LBB2_1:
0xc: {  	[dreg:$0x1b] =	wrdreg s2  }
0xd: {  	s0 =	rddreg [dreg:$0x17]  }
0xe: {  	[tilespmem:s1], [sflag:$0x3] =	stream.linear.gather [hbm4b:s0+s1], $0x200, $0x38;
	[tilespmem:$0x10700] =	vst v63  }
0xf: {  	_ =	swait.ge [sflag:s5], $0x200  }
0x10: {  	[sflag:s5] =	ssyncset.done $0x0  }
0x11: {  	s24 =	simm.s32 $0x200;
	s25 =	rddreg [dreg:$0x18];
	[sflag:s5] =	ssyncadd.s32 $0xFFFFFE00  }
0x12: {  	[tilespmem:s24], [sflag:$0x3] =	stream.linear.gather [hbm4b:s25+s1], $0x200, $0x38;
	[tilespmem:$0x10700] =	vst v63  }
0x13: {  	_ =	swait.ge [sflag:s5], $0x200  }
0x14: {  	[sflag:s5] =	ssyncset.done $0x0  }
0x15: {  	[sflag:s5] =	ssyncadd.s32 $0xFFFFFE00  }
0x16: {  	v16 =	vld [tilespmem:s1+$0x0]  }
0x17: {  	v18 =	vld [tilespmem:s24+$0x0];
	_ =	sdelay $0x3  }
0x18: {  	v17 =	vshll.u32 v16, $0x4  }
0x19: {  	v16 =	vshll.u32 v18, $0x4;
	(v2sf) =	vpush v17, $0x0  }
0x1a: {  	(v2sf) =	vpush v16, $0x0  }
0x1b: {  	(v2sf) =	vpush v17, $0x1;
	_ =	sdelay $0x1  }
0x1c: {  	(v2sf) =	vpush v16, $0x1;
	_ =	sdelay $0x3  }
0x1d: {  	(v2sf) =	vpush v17, $0x2;
	_ =	sdelay $0x1  }
0x1e: {  	(v2sf) =	vpush v16, $0x2  }
0x1f: {  	s16 =	simm.s32 $0x2000;
	(v2sf) =	vpush v17, $0x3  }
0x20: {  	s15 =	simm.s32 $0x0;
	s6 =	simm.s32 $0x8400;
	s2 =	simm.s32 $0x880  }
0x21: {  	s7 =	simm.s32 $0x400;
	s9 =	simm.s32 $0x600;
	s10 =	simm.s32 $0x580  }
0x22: {  	s29 =	simm.s32 $0x480;
	s13 =	simm.s32 $0x500;
	s18 =	simm.s32 $0x8500  }
0x23: {  	s23 =	simm.s32 $0x8600;
	s0 =	simm.s32 $0x8900;
	s8 =	spop (v2sf);
	(v2sf) =	vpush v16, $0x3  }
0x24: {  	s5 =	simm.s32 $0x680;
	s8 =	sand.u32 $0x1FFFFFF0, s8;
	s11 =	spop (v2sf)  }
0x25: {  	(v2sf) =	vpush v17, $0x4;
	s8 =	sadd.s32 s3, s8;
	s26 =	sand.u32 $0x1FFFFFF0, s11;
	s28 =	spop (v2sf)  }
0x26: {  	(v2sf) =	vpush v16, $0x4;
	[tilespmem:s7], [sflag:$0x1] =	stream.linear.gather [hbm4b:s8+s1], $0x80, $0x38;
	[tilespmem:$0x10700] =	vst v63  }
0x27: {  	s8 =	sadd.s32 s4, s26;
	s11 =	sand.u32 $0x1FFFFFF0, s28;
	s12 =	spop (v2sf)  }
0x28: {  	(v2sf) =	vpush v17, $0x5;
	[tilespmem:s6], [sflag:$0x2] =	stream.linear.gather [hbm4b:s8+s1], $0x80, $0x38;
	[tilespmem:$0x10700] =	vst v63  }
0x29: {  	s7 =	simm.s32 $0x8580;
	s30 =	sadd.s32 s3, s11;
	s31 =	sand.u32 $0x1FFFFFF0, s12;
	(v2sf) =	vpush v16, $0x5  }
0x2a: {  	[tilespmem:s29], [sflag:$0x1] =	stream.linear.gather [hbm4b:s30+s1], $0x80, $0x38;
	[tilespmem:$0x10700] =	vst v63  }
0x2b: {  	s12 =	spop (v2sf);
	s8 =	simm.s32 $0x8480;
	s11 =	sadd.s32 s4, s31;
	(v2sf) =	vpush v17, $0x6  }
0x2c: {  	[tilespmem:s8], [sflag:$0x2] =	stream.linear.gather [hbm4b:s11+s1], $0x80, $0x38;
	[tilespmem:$0x10700] =	vst v63  }
0x2d: {  	s14 =	spop (v2sf);
	s31 =	simm.s32 $0x700;
	s8 =	sand.u32 $0x1FFFFFF0, s12  }
0x2e: {  	s17 =	spop (v2sf);
	s11 =	sand.u32 $0x1FFFFFF0, s14;
	s8 =	sadd.s32 s3, s8  }
0x2f: {  	(v2sf) =	vpush v16, $0x6;
	[tilespmem:s13], [sflag:$0x1] =	stream.linear.gather [hbm4b:s8+s1], $0x80, $0x38;
	[tilespmem:$0x10700] =	vst v63  }
0x30: {  	s20 =	sand.u32 $0x1FFFFFF0, s17;
	s29 =	simm.s32 $0x8680;
	s19 =	sadd.s32 s4, s11  }
0x31: {  	[tilespmem:s18], [sflag:$0x2] =	stream.linear.gather [hbm4b:s19+s1], $0x80, $0x38;
	[tilespmem:$0x10700] =	vst v63  }
0x32: {  	s22 =	sadd.s32 s3, s20;
	s20 =	simm.s32 $0x8700;
	s21 =	spop (v2sf)  }
0x33: {  	(v2sf) =	vpush v17, $0x7;
	[tilespmem:s10], [sflag:$0x1] =	stream.linear.gather [hbm4b:s22+s1], $0x80, $0x38;
	[tilespmem:$0x10700] =	vst v63  }
0x34: {  	s13 =	simm.s32 $0xA80;
	s6 =	sand.u32 $0x1FFFFFF0, s21;
	s24 =	spop (v2sf)  }
0x35: {  	s19 =	simm.s32 $0x8A00;
	(v2sf) =	vpush v16, $0x7;
	s6 =	sadd.s32 s4, s6;
	s25 =	spop (v2sf)  }
0x36: {  	(v2sf) =	vpush v17, $0x8;
	[tilespmem:s7], [sflag:$0x2] =	stream.linear.gather [hbm4b:s6+s1], $0x80, $0x38;
	[tilespmem:$0x10700] =	vst v63  }
0x37: {  	s10 =	sand.u32 $0x1FFFFFF0, s24;
	s28 =	sand.u32 $0x1FFFFFF0, s25;
	s30 =	spop (v2sf)  }
0x38: {  	s26 =	sadd.s32 s3, s10;
	(v2sf) =	vpush v16, $0x8;
	s7 =	sadd.s32 s4, s28;
	s10 =	spop (v2sf)  }
0x39: {  	(v2sf) =	vpush v17, $0x9;
	[tilespmem:s9], [sflag:$0x1] =	stream.linear.gather [hbm4b:s26+s1], $0x80, $0x38;
	[tilespmem:$0x10700] =	vst v63  }
0x3a: {  	s9 =	sand.u32 $0x1FFFFFF0, s30;
	s11 =	spop (v2sf);
	s26 =	simm.s32 $0x8780  }
0x3b: {  	(v2sf) =	vpush v16, $0x9;
	[tilespmem:s23], [sflag:$0x2] =	stream.linear.gather [hbm4b:s7+s1], $0x80, $0x38;
	[tilespmem:$0x10700] =	vst v63  }
0x3c: {  	s8 =	sadd.s32 s3, s9;
	s9 =	sand.u32 $0x1FFFFFF0, s10;
	s14 =	sand.u32 $0x1FFFFFF0, s11;
	(v2sf) =	vpush v17, $0xA  }
0x3d: {  	[tilespmem:s5], [sflag:$0x1] =	stream.linear.gather [hbm4b:s8+s1], $0x80, $0x38;
	[tilespmem:$0x10700] =	vst v63  }
0x3e: {  	s10 =	simm.s32 $0x8A80;
	s17 =	spop (v2sf);
	s12 =	sadd.s32 s4, s9;
	(v2sf) =	vpush v16, $0xA  }
0x3f: {  	[tilespmem:s29], [sflag:$0x2] =	stream.linear.gather [hbm4b:s12+s1], $0x80, $0x38;
	[tilespmem:$0x10700] =	vst v63  }
0x40: {  	s11 =	simm.s32 $0x8880;
	s18 =	sadd.s32 s3, s14;
	s6 =	sand.u32 $0x1FFFFFF0, s17  }
0x41: {  	[tilespmem:s31], [sflag:$0x1] =	stream.linear.gather [hbm4b:s18+s1], $0x80, $0x38;
	[tilespmem:$0x10700] =	vst v63  }
0x42: {  	s23 =	simm.s32 $0x780;
	s6 =	sadd.s32 s4, s6;
	s21 =	spop (v2sf)  }
0x43: {  	[tilespmem:s20], [sflag:$0x2] =	stream.linear.gather [hbm4b:s6+s1], $0x80, $0x38;
	[tilespmem:$0x10700] =	vst v63  }
0x44: {  	s14 =	simm.s32 $0x900;
	(v2sf) =	vpush v17, $0xB;
	s8 =	sand.u32 $0x1FFFFFF0, s21;
	s22 =	spop (v2sf)  }
0x45: {  	s5 =	simm.s32 $0x8980;
	s24 =	sadd.s32 s3, s8;
	s28 =	spop (v2sf)  }
0x46: {  	(v2sf) =	vpush v16, $0xB;
	[tilespmem:s23], [sflag:$0x1] =	stream.linear.gather [hbm4b:s24+s1], $0x80, $0x38;
	[tilespmem:$0x10700] =	vst v63  }
0x47: {  	s29 =	simm.s32 $0x800;
	s25 =	sand.u32 $0x1FFFFFF0, s22;
	s30 =	spop (v2sf)  }
0x48: {  	s8 =	sadd.s32 s4, s25;
	s7 =	sand.u32 $0x1FFFFFF0, s28;
	s31 =	spop (v2sf)  }
0x49: {  	(v2sf) =	vpush v17, $0xC;
	[tilespmem:s26], [sflag:$0x2] =	stream.linear.gather [hbm4b:s8+s1], $0x80, $0x38;
	[tilespmem:$0x10700] =	vst v63  }
0x4a: {  	s7 =	sadd.s32 s3, s7;
	s8 =	sand.u32 $0x1FFFFFF0, s30;
	s12 =	spop (v2sf)  }
0x4b: {  	(v2sf) =	vpush v16, $0xC;
	s9 =	sand.u32 $0x1FFFFFF0, s31;
	s26 =	simm.s32 $0x980;
	s17 =	spop (v2sf)  }
0x4c: {  	[tilespmem:s29], [sflag:$0x1] =	stream.linear.gather [hbm4b:s7+s1], $0x80, $0x38;
	[tilespmem:$0x10700] =	vst v63  }
0x4d: {  	s8 =	sadd.s32 s4, s8;
	s7 =	simm.s32 $0x8800;
	s18 =	spop (v2sf)  }
0x4e: {  	[tilespmem:s7], [sflag:$0x2] =	stream.linear.gather [hbm4b:s8+s1], $0x80, $0x38;
	[tilespmem:$0x10700] =	vst v63  }
0x4f: {  	s21 =	sand.u32 $0x1FFFFFF0, s18;
	s8 =	sadd.s32 s3, s9;
	s7 =	sand.u32 $0x1FFFFFF0, s12  }
0x50: {  	[tilespmem:s2], [sflag:$0x1] =	stream.linear.gather [hbm4b:s8+s1], $0x80, $0x38;
	[tilespmem:$0x10700] =	vst v63  }
0x51: {  	s23 =	sadd.s32 s4, s21;
	s7 =	sadd.s32 s4, s7;
	s8 =	sand.u32 $0x1FFFFFF0, s17  }
0x52: {  	[tilespmem:s11], [sflag:$0x2] =	stream.linear.gather [hbm4b:s7+s1], $0x80, $0x38;
	[tilespmem:$0x10700] =	vst v63  }
0x53: {  	s21 =	simm.s32 $0x210;
	s20 =	sadd.s32 s3, s8;
	s22 =	spop (v2sf)  }
0x54: {  	[tilespmem:s14], [sflag:$0x1] =	stream.linear.gather [hbm4b:s20+s1], $0x80, $0x38;
	[tilespmem:$0x10700] =	vst v63  }
0x55: {  	s20 =	simm.s32 $0x10;
	s24 =	sand.u32 $0x1FFFFFF0, s22;
	s25 =	spop (v2sf)  }
0x56: {  	(v2sf) =	vpush v17, $0xD;
	[tilespmem:s0], [sflag:$0x2] =	stream.linear.gather [hbm4b:s23+s1], $0x80, $0x38;
	[tilespmem:$0x10700] =	vst v63  }
0x57: {  	(v2sf) =	vpush v16, $0xD;
	s22 =	simm.s32 $0x8B00;
	s28 =	sadd.s32 s3, s24;
	s29 =	sand.u32 $0x1FFFFFF0, s25  }
0x58: {  	s24 =	simm.s32 $0xA00;
	(v2sf) =	vpush v17, $0xE;
	s23 =	simm.s32 $0xB00;
	s31 =	spop (v2sf)  }
0x59: {  	(v2sf) =	vpush v16, $0xE;
	[tilespmem:s26], [sflag:$0x1] =	stream.linear.gather [hbm4b:s28+s1], $0x80, $0x38;
	[tilespmem:$0x10700] =	vst v63  }
0x5a: {  	s30 =	sadd.s32 s4, s29;
	(v2sf) =	vpush v17, $0xF;
	s0 =	sand.u32 $0x1FFFFFF0, s31;
	s2 =	spop (v2sf)  }
0x5b: {  	(v2sf) =	vpush v16, $0xF;
	[tilespmem:s5], [sflag:$0x2] =	stream.linear.gather [hbm4b:s30+s1], $0x80, $0x38;
	[tilespmem:$0x10700] =	vst v63  }
.LBB2_2:
0x5c: {  	_ =	sdelay $0x4  }
0x5d: {  	s0 =	sadd.s32 s3, s0;
	s2 =	sand.u32 $0x1FFFFFF0, s2  }
0x5e: {  	[tilespmem:s24], [sflag:$0x1] =	stream.linear.gather [hbm4b:s0+s1], $0x80, $0x38;
	[tilespmem:$0x10700] =	vst v63  }
0x5f: {  	s25 =	sadd.s32 s4, s2  }
0x60: {  	[tilespmem:s19], [sflag:$0x2] =	stream.linear.gather [hbm4b:s25+s1], $0x80, $0x38;
	[tilespmem:$0x10700] =	vst v63  }
0x61: {  	s5 =	spop (v2sf)  }
0x62: {  	s26 =	sand.u32 $0x1FFFFFF0, s5;
	s28 =	spop (v2sf)  }
0x63: {  	s29 =	sadd.s32 s3, s26;
	s30 =	sand.u32 $0x1FFFFFF0, s28;
	s31 =	spop (v2sf)  }
0x64: {  	[tilespmem:s13], [sflag:$0x1] =	stream.linear.gather [hbm4b:s29+s1], $0x80, $0x38;
	[tilespmem:$0x10700] =	vst v63  }
0x65: {  	s2 =	sadd.s32 s4, s30;
	s5 =	sand.u32 $0x1FFFFFF0, s31;
	s6 =	spop (v2sf)  }
0x66: {  	[tilespmem:s10], [sflag:$0x2] =	stream.linear.gather [hbm4b:s2+s1], $0x80, $0x38;
	[tilespmem:$0x10700] =	vst v63  }
0x67: {  	s7 =	sadd.s32 s3, s5;
	s8 =	sand.u32 $0x1FFFFFF0, s6;
	s9 =	spop (v2sf)  }
0x68: {  	[tilespmem:s23], [sflag:$0x1] =	stream.linear.gather [hbm4b:s7+s1], $0x80, $0x38;
	[tilespmem:$0x10700] =	vst v63  }
0x69: {  	s10 =	sadd.s32 s4, s8;
	s11 =	sand.u32 $0x1FFFFFF0, s9;
	s12 =	spop (v2sf)  }
0x6a: {  	[tilespmem:s22], [sflag:$0x2] =	stream.linear.gather [hbm4b:s10+s1], $0x80, $0x38;
	[tilespmem:$0x10700] =	vst v63  }
0x6b: {  	s13 =	sadd.s32 $0xB80, s15;
	s2 =	sadd.s32 s3, s11;
	s5 =	sand.u32 $0x1FFFFFF0, s12  }
0x6c: {  	[tilespmem:s13], [sflag:$0x1] =	stream.linear.gather [hbm4b:s2+s1], $0x80, $0x38;
	[tilespmem:$0x10700] =	vst v63  }
0x6d: {  	s14 =	sadd.s32 $0x8B80, s15;
	s15 =	sadd.s32 s4, s5  }
0x6e: {  	[tilespmem:s14], [sflag:$0x2] =	stream.linear.gather [hbm4b:s15+s1], $0x80, $0x38;
	[tilespmem:$0x10700] =	vst v63  }
0x6f: {  	v16 =	vld [tilespmem:s20+$0x0]  }
0x70: {  	v18 =	vld [tilespmem:s21+$0x0];
	_ =	sdelay $0x3  }
0x71: {  	v17 =	vshll.u32 v16, $0x4  }
0x72: {  	s17 =	smov.u32 s16;
	v16 =	vshll.u32 v18, $0x4;
	(v2sf) =	vpush v17, $0x0  }
0x73: {  	s15 =	sshra.s32 s17, $0x2;
	(v2sf) =	vpush v16, $0x0  }
0x74: {  	p0 =	sne.s32 s16, $0x1E000;
	s16 =	sadd.s32 $0x2000, s16;
	s26 =	sadd.s32 $0x8400, s15;
	(v2sf) =	vpush v17, $0x1  }
0x75: {  	s0 =	sadd.s32 $0x680, s15;
	s18 =	sadd.s32 $0x880, s15;
	s29 =	sadd.s32 $0x400, s15  }
0x76: {  	s11 =	sadd.s32 $0x600, s15;
	s19 =	sadd.s32 $0x8900, s15;
	s12 =	sadd.s32 $0x580, s15;
	(v2sf) =	vpush v16, $0x1  }
0x77: {  	s14 =	sadd.s32 $0x8580, s15;
	s25 =	sadd.s32 $0x500, s15;
	s9 =	sadd.s32 $0x8600, s15  }
0x78: {  	s13 =	sadd.s32 $0xA80, s15;
	s28 =	sadd.s32 $0x8480, s15;
	s17 =	sadd.s32 $0x8500, s15;
	(v2sf) =	vpush v17, $0x2  }
0x79: {  	s10 =	sadd.s32 $0x8680, s15;
	s8 =	sadd.s32 $0x700, s15;
	[dreg:$0x15] =	wrdreg s0  }
0x7a: {  	s22 =	sadd.s32 $0x8980, s15;
	s2 =	sadd.s32 $0x8A80, s15;
	[dreg:$0x9] =	wrdreg s18;
	(v2sf) =	vpush v16, $0x2  }
0x7b: {  	s7 =	sadd.s32 $0x8700, s15;
	s23 =	sadd.s32 $0x8880, s15;
	[dreg:$0x5] =	wrdreg s19  }
0x7c: {  	s24 =	sadd.s32 $0x900, s15;
	s6 =	sadd.s32 $0x780, s15;
	[dreg:$0x7] =	wrdreg s22;
	(v2sf) =	vpush v17, $0x3  }
0x7d: {  	s30 =	sadd.s32 $0x8800, s15;
	s5 =	sadd.s32 $0x8780, s15;
	[dreg:$0xd] =	wrdreg s23  }
0x7e: {  	s31 =	sadd.s32 $0x800, s15;
	s20 =	sadd.s32 $0x10, s20;
	[dreg:$0xb] =	wrdreg s24;
	(v2sf) =	vpush v16, $0x3  }
0x7f: {  	s21 =	sadd.s32 $0x10, s21;
	s19 =	sadd.s32 $0x8A00, s15;
	[dreg:$0x11] =	wrdreg s30  }
0x80: {  	s24 =	sadd.s32 $0xA00, s15;
	s30 =	sadd.s32 $0x480, s15;
	[dreg:$0x13] =	wrdreg s31;
	(v2sf) =	vpush v17, $0x4  }
0x81: {  	s23 =	sadd.s32 $0xB00, s15;
	s18 =	sadd.s32 $0x980, s15;
	s31 =	spop (v2sf)  }
0x82: {  	[dreg:$0xf] =	wrdreg s18;
	s31 =	sand.u32 $0x1FFFFFF0, s31;
	s18 =	spop (v2sf);
	(v2sf) =	vpush v16, $0x4  }
0x83: {  	s31 =	sadd.s32 s3, s31;
	s18 =	sand.u32 $0x1FFFFFF0, s18;
	s0 =	spop (v2sf)  }
0x84: {  	(v2sf) =	vpush v17, $0x5;
	[tilespmem:s29], [sflag:$0x1] =	stream.linear.gather [hbm4b:s31+s1], $0x80, $0x38;
	[tilespmem:$0x10700] =	vst v63  }
0x85: {  	s18 =	sadd.s32 s4, s18;
	s0 =	sand.u32 $0x1FFFFFF0, s0;
	s31 =	spop (v2sf);
	(v2sf) =	vpush v16, $0x5  }
0x86: {  	[tilespmem:s26], [sflag:$0x2] =	stream.linear.gather [hbm4b:s18+s1], $0x80, $0x38;
	[tilespmem:$0x10700] =	vst v63  }
0x87: {  	s0 =	sadd.s32 s3, s0;
	s29 =	sand.u32 $0x1FFFFFF0, s31;
	s31 =	spop (v2sf);
	(v2sf) =	vpush v17, $0x6  }
0x88: {  	[tilespmem:s30], [sflag:$0x1] =	stream.linear.gather [hbm4b:s0+s1], $0x80, $0x38;
	[tilespmem:$0x10700] =	vst v63  }
0x89: {  	s29 =	sadd.s32 s4, s29;
	s30 =	sand.u32 $0x1FFFFFF0, s31;
	s31 =	spop (v2sf);
	(v2sf) =	vpush v16, $0x6  }
0x8a: {  	[tilespmem:s28], [sflag:$0x2] =	stream.linear.gather [hbm4b:s29+s1], $0x80, $0x38;
	[tilespmem:$0x10700] =	vst v63  }
0x8b: {  	s29 =	sadd.s32 s3, s30;
	s30 =	sand.u32 $0x1FFFFFF0, s31;
	s31 =	spop (v2sf)  }
0x8c: {  	[tilespmem:s25], [sflag:$0x1] =	stream.linear.gather [hbm4b:s29+s1], $0x80, $0x38;
	[tilespmem:$0x10700] =	vst v63  }
0x8d: {  	(v2sf) =	vpush v17, $0x7;
	s26 =	sand.u32 $0x1FFFFFF0, s31;
	s28 =	spop (v2sf);
	s25 =	sadd.s32 s4, s30  }
0x8e: {  	(v2sf) =	vpush v16, $0x7;
	[tilespmem:s17], [sflag:$0x2] =	stream.linear.gather [hbm4b:s25+s1], $0x80, $0x38;
	[tilespmem:$0x10700] =	vst v63  }
0x8f: {  	s29 =	sadd.s32 s3, s26;
	s30 =	sand.u32 $0x1FFFFFF0, s28;
	s31 =	spop (v2sf)  }
0x90: {  	(v2sf) =	vpush v17, $0x8;
	[tilespmem:s12], [sflag:$0x1] =	stream.linear.gather [hbm4b:s29+s1], $0x80, $0x38;
	[tilespmem:$0x10700] =	vst v63  }
0x91: {  	s26 =	sand.u32 $0x1FFFFFF0, s31;
	s25 =	sadd.s32 s4, s30;
	s28 =	spop (v2sf)  }
0x92: {  	[tilespmem:s14], [sflag:$0x2] =	stream.linear.gather [hbm4b:s25+s1], $0x80, $0x38;
	[tilespmem:$0x10700] =	vst v63  }
0x93: {  	s22 =	sadd.s32 $0x8B00, s15;
	s29 =	sadd.s32 s3, s26;
	s31 =	spop (v2sf)  }
0x94: {  	(v2sf) =	vpush v16, $0x8;
	s30 =	sand.u32 $0x1FFFFFF0, s28;
	s28 =	rddreg [dreg:$0x15];
	s17 =	spop (v2sf)  }
0x95: {  	[tilespmem:s11], [sflag:$0x1] =	stream.linear.gather [hbm4b:s29+s1], $0x80, $0x38;
	[tilespmem:$0x10700] =	vst v63  }
0x96: {  	(v2sf) =	vpush v17, $0x9;
	s12 =	sadd.s32 s4, s30;
	s14 =	sand.u32 $0x1FFFFFF0, s31;
	s26 =	spop (v2sf)  }
0x97: {  	(v2sf) =	vpush v16, $0x9;
	[tilespmem:s9], [sflag:$0x2] =	stream.linear.gather [hbm4b:s12+s1], $0x80, $0x38;
	[tilespmem:$0x10700] =	vst v63  }
0x98: {  	s18 =	sadd.s32 s3, s14;
	s25 =	sand.u32 $0x1FFFFFF0, s17;
	s31 =	spop (v2sf)  }
0x99: {  	[tilespmem:s28], [sflag:$0x1] =	stream.linear.gather [hbm4b:s18+s1], $0x80, $0x38;
	[tilespmem:$0x10700] =	vst v63  }
0x9a: {  	s29 =	sadd.s32 s4, s25;
	s30 =	sand.u32 $0x1FFFFFF0, s26;
	s12 =	sand.u32 $0x1FFFFFF0, s31  }
0x9b: {  	(v2sf) =	vpush v17, $0xA;
	[tilespmem:s10], [sflag:$0x2] =	stream.linear.gather [hbm4b:s29+s1], $0x80, $0x38;
	[tilespmem:$0x10700] =	vst v63  }
0x9c: {  	s14 =	spop (v2sf);
	s17 =	sadd.s32 s4, s12;
	s10 =	sadd.s32 s3, s30  }
0x9d: {  	(v2sf) =	vpush v16, $0xA;
	s18 =	sand.u32 $0x1FFFFFF0, s14;
	s25 =	spop (v2sf);
	s14 =	rddreg [dreg:$0x11]  }
0x9e: {  	[tilespmem:s8], [sflag:$0x1] =	stream.linear.gather [hbm4b:s10+s1], $0x80, $0x38;
	[tilespmem:$0x10700] =	vst v63  }
0x9f: {  	(v2sf) =	vpush v17, $0xB;
	s26 =	sadd.s32 s3, s18;
	s28 =	sand.u32 $0x1FFFFFF0, s25;
	s29 =	spop (v2sf)  }
0xa0: {  	[tilespmem:s7], [sflag:$0x2] =	stream.linear.gather [hbm4b:s17+s1], $0x80, $0x38;
	[tilespmem:$0x10700] =	vst v63  }
0xa1: {  	s10 =	smov.u32 s2;
	s30 =	sadd.s32 s4, s28;
	s8 =	rddreg [dreg:$0x13]  }
0xa2: {  	[tilespmem:s6], [sflag:$0x1] =	stream.linear.gather [hbm4b:s26+s1], $0x80, $0x38;
	[tilespmem:$0x10700] =	vst v63  }
0xa3: {  	(v2sf) =	vpush v16, $0xB;
	s31 =	sand.u32 $0x1FFFFFF0, s29;
	s2 =	spop (v2sf);
	s26 =	rddreg [dreg:$0x9]  }
0xa4: {  	(v2sf) =	vpush v17, $0xC;
	[tilespmem:s5], [sflag:$0x2] =	stream.linear.gather [hbm4b:s30+s1], $0x80, $0x38;
	[tilespmem:$0x10700] =	vst v63  }
0xa5: {  	s6 =	sand.u32 $0x1FFFFFF0, s2;
	s7 =	spop (v2sf);
	s5 =	sadd.s32 s3, s31  }
0xa6: {  	(v2sf) =	vpush v16, $0xC;
	s9 =	sadd.s32 s4, s6;
	s11 =	sand.u32 $0x1FFFFFF0, s7;
	s12 =	spop (v2sf)  }
0xa7: {  	[tilespmem:s8], [sflag:$0x1] =	stream.linear.gather [hbm4b:s5+s1], $0x80, $0x38;
	[tilespmem:$0x10700] =	vst v63  }
0xa8: {  	s31 =	rddreg [dreg:$0xd];
	s17 =	sadd.s32 s3, s11;
	s18 =	sand.u32 $0x1FFFFFF0, s12  }
0xa9: {  	[tilespmem:s14], [sflag:$0x2] =	stream.linear.gather [hbm4b:s9+s1], $0x80, $0x38;
	[tilespmem:$0x10700] =	vst v63  }
0xaa: {  	s25 =	spop (v2sf);
	s11 =	rddreg [dreg:$0xb];
	s28 =	sadd.s32 s4, s18  }
0xab: {  	[tilespmem:s26], [sflag:$0x1] =	stream.linear.gather [hbm4b:s17+s1], $0x80, $0x38;
	[tilespmem:$0x10700] =	vst v63  }
0xac: {  	s29 =	sand.u32 $0x1FFFFFF0, s25;
	s18 =	rddreg [dreg:$0x5];
	s30 =	spop (v2sf)  }
0xad: {  	[tilespmem:s31], [sflag:$0x2] =	stream.linear.gather [hbm4b:s28+s1], $0x80, $0x38;
	[tilespmem:$0x10700] =	vst v63  }
0xae: {  	s7 =	sadd.s32 s3, s29;
	s8 =	sand.u32 $0x1FFFFFF0, s30;
	s9 =	spop (v2sf)  }
0xaf: {  	[tilespmem:s11], [sflag:$0x1] =	stream.linear.gather [hbm4b:s7+s1], $0x80, $0x38;
	[tilespmem:$0x10700] =	vst v63  }
0xb0: {  	s29 =	rddreg [dreg:$0xf];
	s12 =	sadd.s32 s4, s8;
	s14 =	sand.u32 $0x1FFFFFF0, s9  }
0xb1: {  	(v2sf) =	vpush v17, $0xD;
	[tilespmem:s18], [sflag:$0x2] =	stream.linear.gather [hbm4b:s12+s1], $0x80, $0x38;
	[tilespmem:$0x10700] =	vst v63  }
.Ltmp0:
0xb2: {  	(v2sf) =	vpush v16, $0xD;
	s17 =	spop (v2sf);
	s25 =	sadd.s32 s3, s14;
	(pc) =	sbr.rel @p0 .LBB2_2-.Ltmp0, $4  }
0xb3: {  	(v2sf) =	vpush v17, $0xE;
	s26 =	sand.u32 $0x1FFFFFF0, s17;
	s28 =	spop (v2sf);
	s31 =	rddreg [dreg:$0x7]  }
0xb4: {  	(v2sf) =	vpush v16, $0xE;
	[tilespmem:s29], [sflag:$0x1] =	stream.linear.gather [hbm4b:s25+s1], $0x80, $0x38;
	[tilespmem:$0x10700] =	vst v63  }
0xb5: {  	(v2sf) =	vpush v17, $0xF;
	s30 =	sadd.s32 s4, s26;
	s0 =	sand.u32 $0x1FFFFFF0, s28;
	s2 =	spop (v2sf)  }
0xb6: {  	(v2sf) =	vpush v16, $0xF;
	[tilespmem:s31], [sflag:$0x2] =	stream.linear.gather [hbm4b:s30+s1], $0x80, $0x38;
	[tilespmem:$0x10700] =	vst v63  }
0xb7: {  	_ =	sdelay $0x4  }
0xb8: {  	s0 =	sadd.s32 s3, s0;
	s2 =	sand.u32 $0x1FFFFFF0, s2  }
0xb9: {  	[tilespmem:s24], [sflag:$0x1] =	stream.linear.gather [hbm4b:s0+s1], $0x80, $0x38;
	[tilespmem:$0x10700] =	vst v63  }
0xba: {  	s7 =	sadd.s32 s4, s2  }
0xbb: {  	[tilespmem:s19], [sflag:$0x2] =	stream.linear.gather [hbm4b:s7+s1], $0x80, $0x38;
	[tilespmem:$0x10700] =	vst v63  }
0xbc: {  	s5 =	spop (v2sf)  }
0xbd: {  	s8 =	sand.u32 $0x1FFFFFF0, s5;
	s9 =	spop (v2sf)  }
0xbe: {  	s11 =	sadd.s32 s3, s8;
	s12 =	sand.u32 $0x1FFFFFF0, s9;
	s14 =	spop (v2sf)  }
0xbf: {  	[tilespmem:s13], [sflag:$0x1] =	stream.linear.gather [hbm4b:s11+s1], $0x80, $0x38;
	[tilespmem:$0x10700] =	vst v63  }
0xc0: {  	s16 =	sadd.s32 s4, s12;
	s17 =	sand.u32 $0x1FFFFFF0, s14;
	s18 =	spop (v2sf)  }
0xc1: {  	[tilespmem:s10], [sflag:$0x2] =	stream.linear.gather [hbm4b:s16+s1], $0x80, $0x38;
	[tilespmem:$0x10700] =	vst v63  }
0xc2: {  	s19 =	sadd.s32 s3, s17;
	s20 =	sand.u32 $0x1FFFFFF0, s18;
	s21 =	spop (v2sf)  }
0xc3: {  	[tilespmem:s23], [sflag:$0x1] =	stream.linear.gather [hbm4b:s19+s1], $0x80, $0x38;
	[tilespmem:$0x10700] =	vst v63  }
0xc4: {  	s24 =	sand.u32 $0x1FFFFFF0, s21;
	s25 =	spop (v2sf);
	s23 =	sadd.s32 s4, s20  }
0xc5: {  	[tilespmem:s22], [sflag:$0x2] =	stream.linear.gather [hbm4b:s23+s1], $0x80, $0x38;
	[tilespmem:$0x10700] =	vst v63  }
0xc6: {  	s26 =	sadd.s32 $0xB80, s15;
	s2 =	sadd.s32 s3, s24;
	s5 =	sand.u32 $0x1FFFFFF0, s25  }
0xc7: {  	[tilespmem:s26], [sflag:$0x1] =	stream.linear.gather [hbm4b:s2+s1], $0x80, $0x38;
	[tilespmem:$0x10700] =	vst v63  }
0xc8: {  	s28 =	sadd.s32 $0x8B80, s15;
	s30 =	simm.s32 $0x1;
	s29 =	sadd.s32 s4, s5  }
0xc9: {  	[tilespmem:s28], [sflag:$0x2] =	stream.linear.gather [hbm4b:s29+s1], $0x80, $0x38;
	[tilespmem:$0x10700] =	vst v63  }
0xca: {  	_ =	swait.ge [sflag:s30], $0x8000  }
0xcb: {  	[sflag:s30] =	ssyncset.done $0x0  }
0xcc: {  	s31 =	simm.s32 $0x2;
	[sflag:s30] =	ssyncadd.s32 $0xFFFF8000  }
0xcd: {  	_ =	swait.ge [sflag:s31], $0x8000  }
0xce: {  	[sflag:s31] =	ssyncset.done $0x0  }
0xcf: {  	s15 =	simm.s32 $0x0;
	[sflag:s31] =	ssyncadd.s32 $0xFFFF8000  }
0xd0: {  	v16 =	vld [tilespmem:s15+$0x8410]  }
0xd1: {  	v17 =	vld [tilespmem:s15+$0x400]  }
0xd2: {  	v18 =	vld [tilespmem:s15+$0x410]  }
0xd3: {  	v19 =	vld [tilespmem:s15+$0x8400];
	_ =	sdelay $0x4  }
0xd4: {  	v16 =	vmul.f32 v16, v18;
	v17 =	vmul.f32 v19, v17;
	_ =	sdelay $0x1  }
0xd5: {  	v16 =	vadd.f32 v16, v17  }
0xd6: {  	s2 =	simm.s32 $0x10400  }
0xd7: {  	[tilespmem:v0+s2+$0x0] =	vst.idx.msk $0xffff, v16  }
0xd8: {  	v16 =	vld [tilespmem:s15+$0x480]  }
0xd9: {  	v17 =	vld [tilespmem:s15+$0x8480]  }
0xda: {  	v36 =	vld [tilespmem:s15+$0x490]  }
0xdb: {  	v37 =	vld [tilespmem:s15+$0x8490];
	_ =	sdelay $0x4  }
0xdc: {  	v16 =	vmul.f32 v17, v16;
	v17 =	vmul.f32 v37, v36;
	_ =	sdelay $0x1  }
0xdd: {  	v16 =	vadd.f32 v17, v16;
	_ =	sdelay $0x1  }
0xde: {  	[tilespmem:v1+s2+$0x0] =	vst.idx.msk $0xffff, v16  }
0xdf: {  	v16 =	vld [tilespmem:s15+$0x510]  }
0xe0: {  	v17 =	vld [tilespmem:s15+$0x8500]  }
0xe1: {  	v38 =	vld [tilespmem:s15+$0x500]  }
0xe2: {  	v39 =	vld [tilespmem:s15+$0x8510];
	_ =	sdelay $0x4  }
0xe3: {  	v17 =	vmul.f32 v17, v38;
	v16 =	vmul.f32 v39, v16;
	_ =	sdelay $0x1  }
0xe4: {  	v16 =	vadd.f32 v16, v17;
	_ =	sdelay $0x1  }
0xe5: {  	[tilespmem:v2+s2+$0x0] =	vst.idx.msk $0xffff, v16  }
0xe6: {  	v16 =	vld [tilespmem:s15+$0x8590]  }
0xe7: {  	v17 =	vld [tilespmem:s15+$0x8580]  }
0xe8: {  	v40 =	vld [tilespmem:s15+$0x580]  }
0xe9: {  	v41 =	vld [tilespmem:s15+$0x590];
	_ =	sdelay $0x4  }
0xea: {  	v17 =	vmul.f32 v17, v40;
	v16 =	vmul.f32 v16, v41;
	_ =	sdelay $0x1  }
0xeb: {  	v16 =	vadd.f32 v16, v17;
	_ =	sdelay $0x1  }
0xec: {  	[tilespmem:v3+s2+$0x0] =	vst.idx.msk $0xffff, v16  }
0xed: {  	v16 =	vld [tilespmem:s15+$0x8600]  }
0xee: {  	v17 =	vld [tilespmem:s15+$0x8610]  }
0xef: {  	v42 =	vld [tilespmem:s15+$0x600]  }
0xf0: {  	v43 =	vld [tilespmem:s15+$0x610];
	_ =	sdelay $0x4  }
0xf1: {  	v16 =	vmul.f32 v16, v42;
	v17 =	vmul.f32 v17, v43;
	_ =	sdelay $0x1  }
0xf2: {  	v16 =	vadd.f32 v17, v16;
	_ =	sdelay $0x1  }
0xf3: {  	[tilespmem:v4+s2+$0x0] =	vst.idx.msk $0xffff, v16  }
0xf4: {  	v16 =	vld [tilespmem:s15+$0x8680]  }
0xf5: {  	v17 =	vld [tilespmem:s15+$0x8690]  }
0xf6: {  	v44 =	vld [tilespmem:s15+$0x680]  }
0xf7: {  	v45 =	vld [tilespmem:s15+$0x690];
	_ =	sdelay $0x4  }
0xf8: {  	v16 =	vmul.f32 v16, v44;
	v17 =	vmul.f32 v17, v45;
	_ =	sdelay $0x1  }
0xf9: {  	v16 =	vadd.f32 v17, v16;
	_ =	sdelay $0x1  }
0xfa: {  	[tilespmem:v5+s2+$0x0] =	vst.idx.msk $0xffff, v16  }
0xfb: {  	v16 =	vld [tilespmem:s15+$0x8700]  }
0xfc: {  	v17 =	vld [tilespmem:s15+$0x700]  }
0xfd: {  	v46 =	vld [tilespmem:s15+$0x8710]  }
0xfe: {  	v47 =	vld [tilespmem:s15+$0x710];
	_ =	sdelay $0x4  }
0xff: {  	v16 =	vmul.f32 v16, v17;
	v17 =	vmul.f32 v46, v47;
	_ =	sdelay $0x1  }
0x100: {  	v16 =	vadd.f32 v17, v16;
	_ =	sdelay $0x1  }
0x101: {  	[tilespmem:v6+s2+$0x0] =	vst.idx.msk $0xffff, v16  }
0x102: {  	v16 =	vld [tilespmem:s15+$0x8780]  }
0x103: {  	v17 =	vld [tilespmem:s15+$0x8790]  }
0x104: {  	v48 =	vld [tilespmem:s15+$0x790]  }
0x105: {  	v49 =	vld [tilespmem:s15+$0x780];
	_ =	sdelay $0x4  }
0x106: {  	v17 =	vmul.f32 v17, v48;
	v16 =	vmul.f32 v16, v49;
	_ =	sdelay $0x1  }
0x107: {  	v16 =	vadd.f32 v17, v16;
	_ =	sdelay $0x1  }
0x108: {  	[tilespmem:v7+s2+$0x0] =	vst.idx.msk $0xffff, v16  }
0x109: {  	v16 =	vld [tilespmem:s15+$0x8800]  }
0x10a: {  	v17 =	vld [tilespmem:s15+$0x8810]  }
0x10b: {  	v50 =	vld [tilespmem:s15+$0x810]  }
0x10c: {  	v51 =	vld [tilespmem:s15+$0x800];
	_ =	sdelay $0x4  }
0x10d: {  	v17 =	vmul.f32 v17, v50;
	v16 =	vmul.f32 v16, v51;
	_ =	sdelay $0x1  }
0x10e: {  	v16 =	vadd.f32 v17, v16;
	_ =	sdelay $0x1  }
0x10f: {  	[tilespmem:v8+s2+$0x0] =	vst.idx.msk $0xffff, v16  }
0x110: {  	v16 =	vld [tilespmem:s15+$0x8880]  }
0x111: {  	v17 =	vld [tilespmem:s15+$0x8890]  }
0x112: {  	v52 =	vld [tilespmem:s15+$0x880]  }
0x113: {  	v53 =	vld [tilespmem:s15+$0x890];
	_ =	sdelay $0x4  }
0x114: {  	v16 =	vmul.f32 v16, v52;
	v17 =	vmul.f32 v17, v53;
	_ =	sdelay $0x1  }
0x115: {  	v16 =	vadd.f32 v17, v16;
	_ =	sdelay $0x1  }
0x116: {  	[tilespmem:v9+s2+$0x0] =	vst.idx.msk $0xffff, v16  }
0x117: {  	v16 =	vld [tilespmem:s15+$0x8910]  }
0x118: {  	v17 =	vld [tilespmem:s15+$0x8900]  }
0x119: {  	v54 =	vld [tilespmem:s15+$0x900]  }
0x11a: {  	v55 =	vld [tilespmem:s15+$0x910];
	_ =	sdelay $0x4  }
0x11b: {  	v17 =	vmul.f32 v17, v54;
	v16 =	vmul.f32 v16, v55;
	_ =	sdelay $0x1  }
0x11c: {  	v16 =	vadd.f32 v16, v17;
	_ =	sdelay $0x1  }
0x11d: {  	[tilespmem:v10+s2+$0x0] =	vst.idx.msk $0xffff, v16  }
0x11e: {  	v16 =	vld [tilespmem:s15+$0x8980]  }
0x11f: {  	v17 =	vld [tilespmem:s15+$0x8990]  }
0x120: {  	v56 =	vld [tilespmem:s15+$0x980]  }
0x121: {  	v57 =	vld [tilespmem:s15+$0x990];
	_ =	sdelay $0x4  }
0x122: {  	v16 =	vmul.f32 v16, v56;
	v17 =	vmul.f32 v17, v57;
	_ =	sdelay $0x1  }
0x123: {  	v16 =	vadd.f32 v17, v16;
	_ =	sdelay $0x1  }
0x124: {  	[tilespmem:v11+s2+$0x0] =	vst.idx.msk $0xffff, v16  }
0x125: {  	v16 =	vld [tilespmem:s15+$0xA00]  }
0x126: {  	v17 =	vld [tilespmem:s15+$0x8A00]  }
0x127: {  	v58 =	vld [tilespmem:s15+$0x8A10]  }
0x128: {  	v59 =	vld [tilespmem:s15+$0xA10];
	_ =	sdelay $0x4  }
0x129: {  	v16 =	vmul.f32 v17, v16;
	v17 =	vmul.f32 v58, v59;
	_ =	sdelay $0x1  }
0x12a: {  	v16 =	vadd.f32 v17, v16;
	_ =	sdelay $0x1  }
0x12b: {  	[tilespmem:v12+s2+$0x0] =	vst.idx.msk $0xffff, v16  }
0x12c: {  	v16 =	vld [tilespmem:s15+$0x8A80]  }
0x12d: {  	v17 =	vld [tilespmem:s15+$0x8A90]  }
0x12e: {  	v60 =	vld [tilespmem:s15+$0xA90]  }
0x12f: {  	v61 =	vld [tilespmem:s15+$0xA80];
	_ =	sdelay $0x4  }
0x130: {  	v17 =	vmul.f32 v17, v60;
	v16 =	vmul.f32 v16, v61;
	_ =	sdelay $0x1  }
0x131: {  	v16 =	vadd.f32 v17, v16;
	_ =	sdelay $0x1  }
0x132: {  	[tilespmem:v13+s2+$0x0] =	vst.idx.msk $0xffff, v16  }
0x133: {  	v16 =	vld [tilespmem:s15+$0x8B00]  }
0x134: {  	v17 =	vld [tilespmem:s15+$0x8B10]  }
0x135: {  	v62 =	vld [tilespmem:s15+$0xB10]  }
0x136: {  	v63 =	vld [tilespmem:s15+$0xB00];
	_ =	sdelay $0x4  }
0x137: {  	v17 =	vmul.f32 v17, v62;
	v16 =	vmul.f32 v16, v63;
	_ =	sdelay $0x1  }
0x138: {  	v16 =	vadd.f32 v17, v16;
	_ =	sdelay $0x1  }
0x139: {  	s17 =	simm.s32 $0x10500;
	s18 =	simm.s32 $0x2000;
	s16 =	simm.s32 $0x10500;
	[tilespmem:v14+s2+$0x0] =	vst.idx.msk $0xffff, v16  }
.LBB2_4:
0x13a: {  	p0 =	sne.s32 s18, $0x1E000  }
0x13b: {  	v16 =	vld [tilespmem:s15+$0x8B80];
	s17 =	sadd.s32 $0x10, s17;
	s0 =	smov.u32 s18;
	s18 =	sadd.s32 $0x2000, s18  }
0x13c: {  	v17 =	vld [tilespmem:s15+$0xB80]  }
0x13d: {  	v18 =	vld [tilespmem:s15+$0x8B90]  }
0x13e: {  	v19 =	vld [tilespmem:s15+$0xB90];
	_ =	sdelay $0x3  }
0x13f: {  	v16 =	vmul.f32 v16, v17  }
0x140: {  	v17 =	vmul.f32 v18, v19;
	_ =	sdelay $0x1  }
0x141: {  	v16 =	vadd.f32 v17, v16;
	_ =	sdelay $0x1  }
0x142: {  	[tilespmem:v15+s2+$0x0] =	vst.idx.msk $0xffff, v16  }
0x143: {  	v16 =	vld [tilespmem:$0x10400]  }
0x144: {  	v17 =	vld [tilespmem:$0x10410]  }
0x145: {  	v18 =	vld [tilespmem:$0x10420]  }
0x146: {  	v19 =	vld [tilespmem:$0x10430]  }
0x147: {  	v20 =	vld [tilespmem:$0x10440]  }
0x148: {  	v21 =	vld [tilespmem:$0x10450]  }
0x149: {  	v16 =	vadd.f32 v17, v16;
	v17 =	vld [tilespmem:$0x10460]  }
0x14a: {  	v22 =	vld [tilespmem:$0x10470]  }
0x14b: {  	v16 =	vadd.f32 v18, v16;
	v18 =	vld [tilespmem:$0x10480]  }
0x14c: {  	v23 =	vld [tilespmem:$0x10490]  }
0x14d: {  	v16 =	vadd.f32 v19, v16;
	v19 =	vld [tilespmem:$0x104A0]  }
0x14e: {  	v24 =	vld [tilespmem:$0x104B0]  }
0x14f: {  	v16 =	vadd.f32 v20, v16;
	v20 =	vld [tilespmem:$0x104C0]  }
0x150: {  	v25 =	vld [tilespmem:$0x104D0]  }
0x151: {  	v16 =	vadd.f32 v21, v16;
	v21 =	vld [tilespmem:$0x104E0]  }
0x152: {  	v26 =	vld [tilespmem:$0x104F0]  }
0x153: {  	v16 =	vadd.f32 v17, v16;
	_ =	sdelay $0x1  }
0x154: {  	v16 =	vadd.f32 v22, v16;
	_ =	sdelay $0x1  }
0x155: {  	v16 =	vadd.f32 v18, v16;
	_ =	sdelay $0x1  }
0x156: {  	v16 =	vadd.f32 v23, v16;
	_ =	sdelay $0x1  }
0x157: {  	v16 =	vadd.f32 v19, v16;
	_ =	sdelay $0x1  }
0x158: {  	v16 =	vadd.f32 v24, v16;
	_ =	sdelay $0x1  }
0x159: {  	v16 =	vadd.f32 v20, v16;
	_ =	sdelay $0x1  }
0x15a: {  	v16 =	vadd.f32 v25, v16;
	_ =	sdelay $0x1  }
0x15b: {  	v16 =	vadd.f32 v21, v16;
	_ =	sdelay $0x1  }
0x15c: {  	v16 =	vadd.f32 v26, v16;
	_ =	sdelay $0x1  }
0x15d: {  	s15 =	sshra.s32 s0, $0x2;
	[tilespmem:s16+$0x0] =	vst v16;
	s16 =	smov.u32 s17  }
0x15e: {  	v16 =	vld [tilespmem:s15+$0x8410]  }
0x15f: {  	v17 =	vld [tilespmem:s15+$0x400]  }
0x160: {  	v18 =	vld [tilespmem:s15+$0x410]  }
0x161: {  	v19 =	vld [tilespmem:s15+$0x8400];
	_ =	sdelay $0x3  }
0x162: {  	v16 =	vmul.f32 v16, v18  }
0x163: {  	v17 =	vmul.f32 v19, v17;
	_ =	sdelay $0x1  }
0x164: {  	v16 =	vadd.f32 v16, v17;
	_ =	sdelay $0x1  }
0x165: {  	[tilespmem:v0+s2+$0x0] =	vst.idx.msk $0xffff, v16  }
0x166: {  	v16 =	vld [tilespmem:s15+$0x480]  }
0x167: {  	v17 =	vld [tilespmem:s15+$0x8480]  }
0x168: {  	v18 =	vld [tilespmem:s15+$0x490]  }
0x169: {  	v19 =	vld [tilespmem:s15+$0x8490];
	_ =	sdelay $0x2  }
0x16a: {  	v16 =	vmul.f32 v17, v16;
	_ =	sdelay $0x1  }
0x16b: {  	v17 =	vmul.f32 v19, v18;
	_ =	sdelay $0x1  }
0x16c: {  	v16 =	vadd.f32 v17, v16;
	_ =	sdelay $0x1  }
0x16d: {  	[tilespmem:v1+s2+$0x0] =	vst.idx.msk $0xffff, v16  }
0x16e: {  	v16 =	vld [tilespmem:s15+$0x510]  }
0x16f: {  	v17 =	vld [tilespmem:s15+$0x8500]  }
0x170: {  	v18 =	vld [tilespmem:s15+$0x500]  }
0x171: {  	v19 =	vld [tilespmem:s15+$0x8510];
	_ =	sdelay $0x3  }
0x172: {  	v17 =	vmul.f32 v17, v18  }
0x173: {  	v16 =	vmul.f32 v19, v16;
	_ =	sdelay $0x1  }
0x174: {  	v16 =	vadd.f32 v16, v17;
	_ =	sdelay $0x1  }
0x175: {  	[tilespmem:v2+s2+$0x0] =	vst.idx.msk $0xffff, v16  }
0x176: {  	v16 =	vld [tilespmem:s15+$0x8590]  }
0x177: {  	v17 =	vld [tilespmem:s15+$0x8580]  }
0x178: {  	v18 =	vld [tilespmem:s15+$0x580]  }
0x179: {  	v19 =	vld [tilespmem:s15+$0x590];
	_ =	sdelay $0x3  }
0x17a: {  	v17 =	vmul.f32 v17, v18  }
0x17b: {  	v16 =	vmul.f32 v16, v19;
	_ =	sdelay $0x1  }
0x17c: {  	v16 =	vadd.f32 v16, v17;
	_ =	sdelay $0x1  }
0x17d: {  	[tilespmem:v3+s2+$0x0] =	vst.idx.msk $0xffff, v16  }
0x17e: {  	v16 =	vld [tilespmem:s15+$0x8600]  }
0x17f: {  	v17 =	vld [tilespmem:s15+$0x8610]  }
0x180: {  	v18 =	vld [tilespmem:s15+$0x600]  }
0x181: {  	v19 =	vld [tilespmem:s15+$0x610];
	_ =	sdelay $0x3  }
0x182: {  	v16 =	vmul.f32 v16, v18  }
0x183: {  	v17 =	vmul.f32 v17, v19;
	_ =	sdelay $0x1  }
0x184: {  	v16 =	vadd.f32 v17, v16;
	_ =	sdelay $0x1  }
0x185: {  	[tilespmem:v4+s2+$0x0] =	vst.idx.msk $0xffff, v16  }
0x186: {  	v16 =	vld [tilespmem:s15+$0x8680]  }
0x187: {  	v17 =	vld [tilespmem:s15+$0x8690]  }
0x188: {  	v18 =	vld [tilespmem:s15+$0x680]  }
0x189: {  	v19 =	vld [tilespmem:s15+$0x690];
	_ =	sdelay $0x3  }
0x18a: {  	v16 =	vmul.f32 v16, v18  }
0x18b: {  	v17 =	vmul.f32 v17, v19;
	_ =	sdelay $0x1  }
0x18c: {  	v16 =	vadd.f32 v17, v16;
	_ =	sdelay $0x1  }
0x18d: {  	[tilespmem:v5+s2+$0x0] =	vst.idx.msk $0xffff, v16  }
0x18e: {  	v16 =	vld [tilespmem:s15+$0x8700]  }
0x18f: {  	v17 =	vld [tilespmem:s15+$0x700]  }
0x190: {  	v18 =	vld [tilespmem:s15+$0x8710]  }
0x191: {  	v19 =	vld [tilespmem:s15+$0x710];
	_ =	sdelay $0x2  }
0x192: {  	v16 =	vmul.f32 v16, v17;
	_ =	sdelay $0x1  }
0x193: {  	v17 =	vmul.f32 v18, v19;
	_ =	sdelay $0x1  }
0x194: {  	v16 =	vadd.f32 v17, v16;
	_ =	sdelay $0x1  }
0x195: {  	[tilespmem:v6+s2+$0x0] =	vst.idx.msk $0xffff, v16  }
0x196: {  	v16 =	vld [tilespmem:s15+$0x8780]  }
0x197: {  	v17 =	vld [tilespmem:s15+$0x8790]  }
0x198: {  	v18 =	vld [tilespmem:s15+$0x790]  }
0x199: {  	v19 =	vld [tilespmem:s15+$0x780];
	_ =	sdelay $0x3  }
0x19a: {  	v17 =	vmul.f32 v17, v18  }
0x19b: {  	v16 =	vmul.f32 v16, v19;
	_ =	sdelay $0x1  }
0x19c: {  	v16 =	vadd.f32 v17, v16;
	_ =	sdelay $0x1  }
0x19d: {  	[tilespmem:v7+s2+$0x0] =	vst.idx.msk $0xffff, v16  }
0x19e: {  	v16 =	vld [tilespmem:s15+$0x8800]  }
0x19f: {  	v17 =	vld [tilespmem:s15+$0x8810]  }
0x1a0: {  	v18 =	vld [tilespmem:s15+$0x810]  }
0x1a1: {  	v19 =	vld [tilespmem:s15+$0x800];
	_ =	sdelay $0x3  }
0x1a2: {  	v17 =	vmul.f32 v17, v18  }
0x1a3: {  	v16 =	vmul.f32 v16, v19;
	_ =	sdelay $0x1  }
0x1a4: {  	v16 =	vadd.f32 v17, v16;
	_ =	sdelay $0x1  }
0x1a5: {  	[tilespmem:v8+s2+$0x0] =	vst.idx.msk $0xffff, v16  }
0x1a6: {  	v16 =	vld [tilespmem:s15+$0x8880]  }
0x1a7: {  	v17 =	vld [tilespmem:s15+$0x8890]  }
0x1a8: {  	v18 =	vld [tilespmem:s15+$0x880]  }
0x1a9: {  	v19 =	vld [tilespmem:s15+$0x890];
	_ =	sdelay $0x3  }
0x1aa: {  	v16 =	vmul.f32 v16, v18  }
0x1ab: {  	v17 =	vmul.f32 v17, v19;
	_ =	sdelay $0x1  }
0x1ac: {  	v16 =	vadd.f32 v17, v16;
	_ =	sdelay $0x1  }
0x1ad: {  	[tilespmem:v9+s2+$0x0] =	vst.idx.msk $0xffff, v16  }
0x1ae: {  	v16 =	vld [tilespmem:s15+$0x8910]  }
0x1af: {  	v17 =	vld [tilespmem:s15+$0x8900]  }
0x1b0: {  	v18 =	vld [tilespmem:s15+$0x900]  }
0x1b1: {  	v19 =	vld [tilespmem:s15+$0x910];
	_ =	sdelay $0x3  }
0x1b2: {  	v17 =	vmul.f32 v17, v18  }
0x1b3: {  	v16 =	vmul.f32 v16, v19;
	_ =	sdelay $0x1  }
0x1b4: {  	v16 =	vadd.f32 v16, v17;
	_ =	sdelay $0x1  }
0x1b5: {  	[tilespmem:v10+s2+$0x0] =	vst.idx.msk $0xffff, v16  }
0x1b6: {  	v16 =	vld [tilespmem:s15+$0x8980]  }
0x1b7: {  	v17 =	vld [tilespmem:s15+$0x8990]  }
0x1b8: {  	v18 =	vld [tilespmem:s15+$0x980]  }
0x1b9: {  	v19 =	vld [tilespmem:s15+$0x990];
	_ =	sdelay $0x3  }
0x1ba: {  	v16 =	vmul.f32 v16, v18  }
0x1bb: {  	v17 =	vmul.f32 v17, v19;
	_ =	sdelay $0x1  }
0x1bc: {  	v16 =	vadd.f32 v17, v16;
	_ =	sdelay $0x1  }
0x1bd: {  	[tilespmem:v11+s2+$0x0] =	vst.idx.msk $0xffff, v16  }
0x1be: {  	v16 =	vld [tilespmem:s15+$0xA00]  }
0x1bf: {  	v17 =	vld [tilespmem:s15+$0x8A00]  }
0x1c0: {  	v18 =	vld [tilespmem:s15+$0x8A10]  }
0x1c1: {  	v19 =	vld [tilespmem:s15+$0xA10];
	_ =	sdelay $0x2  }
0x1c2: {  	v16 =	vmul.f32 v17, v16;
	_ =	sdelay $0x1  }
0x1c3: {  	v17 =	vmul.f32 v18, v19;
	_ =	sdelay $0x1  }
0x1c4: {  	v16 =	vadd.f32 v17, v16;
	_ =	sdelay $0x1  }
0x1c5: {  	[tilespmem:v12+s2+$0x0] =	vst.idx.msk $0xffff, v16  }
0x1c6: {  	v16 =	vld [tilespmem:s15+$0x8A80]  }
0x1c7: {  	v17 =	vld [tilespmem:s15+$0x8A90]  }
0x1c8: {  	v18 =	vld [tilespmem:s15+$0xA90]  }
0x1c9: {  	v19 =	vld [tilespmem:s15+$0xA80];
	_ =	sdelay $0x3  }
0x1ca: {  	v17 =	vmul.f32 v17, v18  }
0x1cb: {  	v16 =	vmul.f32 v16, v19;
	_ =	sdelay $0x1  }
0x1cc: {  	v16 =	vadd.f32 v17, v16;
	_ =	sdelay $0x1  }
0x1cd: {  	[tilespmem:v13+s2+$0x0] =	vst.idx.msk $0xffff, v16  }
0x1ce: {  	v16 =	vld [tilespmem:s15+$0x8B00]  }
0x1cf: {  	v17 =	vld [tilespmem:s15+$0x8B10]  }
0x1d0: {  	v18 =	vld [tilespmem:s15+$0xB10]  }
0x1d1: {  	v19 =	vld [tilespmem:s15+$0xB00];
	_ =	sdelay $0x3  }
0x1d2: {  	v17 =	vmul.f32 v17, v18  }
.Ltmp1:
0x1d3: {  	v16 =	vmul.f32 v16, v19;
	(pc) =	sbr.rel @p0 .LBB2_4-.Ltmp1, $3  }
0x1d4: {  	_ = 	snop  }
0x1d5: {  	v16 =	vadd.f32 v17, v16;
	_ =	sdelay $0x1  }
0x1d6: {  	[tilespmem:v14+s2+$0x0] =	vst.idx.msk $0xffff, v16  }
0x1d7: {  	v16 =	vld [tilespmem:s15+$0x8B80]  }
0x1d8: {  	v17 =	vld [tilespmem:s15+$0xB80]  }
0x1d9: {  	v18 =	vld [tilespmem:s15+$0x8B90]  }
0x1da: {  	v19 =	vld [tilespmem:s15+$0xB90];
	_ =	sdelay $0x4  }
0x1db: {  	v16 =	vmul.f32 v16, v17;
	v17 =	vmul.f32 v18, v19;
	_ =	sdelay $0x1  }
0x1dc: {  	v16 =	vadd.f32 v17, v16;
	_ =	sdelay $0x1  }
0x1dd: {  	[tilespmem:v15+s2+$0x0] =	vst.idx.msk $0xffff, v16  }
0x1de: {  	v16 =	vld [tilespmem:$0x10400]  }
0x1df: {  	v17 =	vld [tilespmem:$0x10410];
	_ =	sdelay $0x1  }
0x1e0: {  	v53 =	vld [tilespmem:$0x10420];
	_ =	sdelay $0x1  }
0x1e1: {  	v54 =	vld [tilespmem:$0x10430]  }
0x1e2: {  	v16 =	vadd.f32 v17, v16  }
0x1e3: {  	v17 =	vld [tilespmem:$0x10440]  }
0x1e4: {  	v16 =	vadd.f32 v53, v16  }
0x1e5: {  	v55 =	vld [tilespmem:$0x10450]  }
0x1e6: {  	v16 =	vadd.f32 v54, v16  }
0x1e7: {  	v56 =	vld [tilespmem:$0x10460]  }
0x1e8: {  	v16 =	vadd.f32 v17, v16  }
0x1e9: {  	v17 =	vld [tilespmem:$0x10470]  }
0x1ea: {  	v16 =	vadd.f32 v55, v16  }
0x1eb: {  	v57 =	vld [tilespmem:$0x10480]  }
0x1ec: {  	v16 =	vadd.f32 v56, v16  }
0x1ed: {  	v58 =	vld [tilespmem:$0x10490]  }
0x1ee: {  	v16 =	vadd.f32 v17, v16  }
0x1ef: {  	v17 =	vld [tilespmem:$0x104A0]  }
0x1f0: {  	v16 =	vadd.f32 v57, v16  }
0x1f1: {  	v59 =	vld [tilespmem:$0x104B0]  }
0x1f2: {  	v16 =	vadd.f32 v58, v16  }
0x1f3: {  	v60 =	vld [tilespmem:$0x104C0]  }
0x1f4: {  	v16 =	vadd.f32 v17, v16  }
0x1f5: {  	v17 =	vld [tilespmem:$0x104D0]  }
0x1f6: {  	v16 =	vadd.f32 v59, v16  }
0x1f7: {  	v61 =	vld [tilespmem:$0x104E0]  }
0x1f8: {  	v16 =	vadd.f32 v60, v16  }
0x1f9: {  	v62 =	vld [tilespmem:$0x104F0]  }
0x1fa: {  	v16 =	vadd.f32 v17, v16;
	_ =	sdelay $0x1  }
0x1fb: {  	v16 =	vadd.f32 v61, v16;
	_ =	sdelay $0x1  }
0x1fc: {  	v16 =	vadd.f32 v62, v16;
	_ =	sdelay $0x1  }
0x1fd: {  	s0 =	simm.s32 $0x100;
	[tilespmem:s16+$0x0] =	vst v16  }
0x1fe: {  	s25 =	simm.s32 $0x300;
	v16 =	vld [tilespmem:s0+$0x0]  }
0x1ff: {  	v63 =	vld [tilespmem:s25+$0x0];
	_ =	sdelay $0x3  }
0x200: {  	v17 =	vshll.u32 v16, $0x4  }
0x201: {  	v16 =	vshll.u32 v63, $0x4;
	(v2sf) =	vpush v17, $0x0  }
0x202: {  	(v2sf) =	vpush v16, $0x0  }
0x203: {  	(v2sf) =	vpush v17, $0x1;
	_ =	sdelay $0x1  }
0x204: {  	(v2sf) =	vpush v16, $0x1;
	_ =	sdelay $0x3  }
0x205: {  	(v2sf) =	vpush v17, $0x2;
	_ =	sdelay $0x1  }
0x206: {  	(v2sf) =	vpush v16, $0x2  }
0x207: {  	s15 =	simm.s32 $0x0;
	(v2sf) =	vpush v17, $0x3  }
0x208: {  	s6 =	simm.s32 $0x8400;
	s5 =	simm.s32 $0x680;
	s7 =	simm.s32 $0x400  }
0x209: {  	s9 =	simm.s32 $0x600;
	s10 =	simm.s32 $0x580;
	s29 =	simm.s32 $0x480  }
0x20a: {  	s13 =	simm.s32 $0x500;
	s18 =	simm.s32 $0x8500;
	s23 =	simm.s32 $0x8600  }
0x20b: {  	s2 =	simm.s32 $0x880;
	s16 =	simm.s32 $0x2000;
	s8 =	spop (v2sf);
	(v2sf) =	vpush v16, $0x3  }
0x20c: {  	s0 =	simm.s32 $0x8900;
	s8 =	sand.u32 $0x1FFFFFF0, s8;
	s11 =	spop (v2sf)  }
0x20d: {  	(v2sf) =	vpush v17, $0x4;
	s8 =	sadd.s32 s3, s8;
	s26 =	sand.u32 $0x1FFFFFF0, s11;
	s28 =	spop (v2sf)  }
0x20e: {  	(v2sf) =	vpush v16, $0x4;
	[tilespmem:s7], [sflag:$0x1] =	stream.linear.gather [hbm4b:s8+s1], $0x80, $0x38;
	[tilespmem:$0x10700] =	vst v63  }
0x20f: {  	s8 =	sadd.s32 s4, s26;
	s11 =	sand.u32 $0x1FFFFFF0, s28;
	s12 =	spop (v2sf)  }
0x210: {  	(v2sf) =	vpush v17, $0x5;
	[tilespmem:s6], [sflag:$0x2] =	stream.linear.gather [hbm4b:s8+s1], $0x80, $0x38;
	[tilespmem:$0x10700] =	vst v63  }
0x211: {  	s7 =	simm.s32 $0x8580;
	s30 =	sadd.s32 s3, s11;
	s31 =	sand.u32 $0x1FFFFFF0, s12;
	(v2sf) =	vpush v16, $0x5  }
0x212: {  	[tilespmem:s29], [sflag:$0x1] =	stream.linear.gather [hbm4b:s30+s1], $0x80, $0x38;
	[tilespmem:$0x10700] =	vst v63  }
0x213: {  	s12 =	spop (v2sf);
	s8 =	simm.s32 $0x8480;
	s11 =	sadd.s32 s4, s31;
	(v2sf) =	vpush v17, $0x6  }
0x214: {  	[tilespmem:s8], [sflag:$0x2] =	stream.linear.gather [hbm4b:s11+s1], $0x80, $0x38;
	[tilespmem:$0x10700] =	vst v63  }
0x215: {  	s14 =	spop (v2sf);
	s31 =	simm.s32 $0x700;
	s8 =	sand.u32 $0x1FFFFFF0, s12  }
0x216: {  	s17 =	spop (v2sf);
	s11 =	sand.u32 $0x1FFFFFF0, s14;
	s8 =	sadd.s32 s3, s8  }
0x217: {  	(v2sf) =	vpush v16, $0x6;
	[tilespmem:s13], [sflag:$0x1] =	stream.linear.gather [hbm4b:s8+s1], $0x80, $0x38;
	[tilespmem:$0x10700] =	vst v63  }
0x218: {  	s20 =	sand.u32 $0x1FFFFFF0, s17;
	s29 =	simm.s32 $0x8680;
	s19 =	sadd.s32 s4, s11  }
0x219: {  	[tilespmem:s18], [sflag:$0x2] =	stream.linear.gather [hbm4b:s19+s1], $0x80, $0x38;
	[tilespmem:$0x10700] =	vst v63  }
0x21a: {  	s22 =	sadd.s32 s3, s20;
	s20 =	simm.s32 $0x8700;
	s21 =	spop (v2sf)  }
0x21b: {  	(v2sf) =	vpush v17, $0x7;
	[tilespmem:s10], [sflag:$0x1] =	stream.linear.gather [hbm4b:s22+s1], $0x80, $0x38;
	[tilespmem:$0x10700] =	vst v63  }
0x21c: {  	s13 =	simm.s32 $0xA80;
	s6 =	sand.u32 $0x1FFFFFF0, s21;
	s24 =	spop (v2sf)  }
0x21d: {  	s19 =	simm.s32 $0x8A00;
	(v2sf) =	vpush v16, $0x7;
	s6 =	sadd.s32 s4, s6;
	s25 =	spop (v2sf)  }
0x21e: {  	(v2sf) =	vpush v17, $0x8;
	[tilespmem:s7], [sflag:$0x2] =	stream.linear.gather [hbm4b:s6+s1], $0x80, $0x38;
	[tilespmem:$0x10700] =	vst v63  }
0x21f: {  	s10 =	sand.u32 $0x1FFFFFF0, s24;
	s28 =	sand.u32 $0x1FFFFFF0, s25;
	s30 =	spop (v2sf)  }
0x220: {  	s26 =	sadd.s32 s3, s10;
	(v2sf) =	vpush v16, $0x8;
	s7 =	sadd.s32 s4, s28;
	s10 =	spop (v2sf)  }
0x221: {  	(v2sf) =	vpush v17, $0x9;
	[tilespmem:s9], [sflag:$0x1] =	stream.linear.gather [hbm4b:s26+s1], $0x80, $0x38;
	[tilespmem:$0x10700] =	vst v63  }
0x222: {  	s9 =	sand.u32 $0x1FFFFFF0, s30;
	s11 =	spop (v2sf);
	s26 =	simm.s32 $0x8780  }
0x223: {  	(v2sf) =	vpush v16, $0x9;
	[tilespmem:s23], [sflag:$0x2] =	stream.linear.gather [hbm4b:s7+s1], $0x80, $0x38;
	[tilespmem:$0x10700] =	vst v63  }
0x224: {  	s8 =	sadd.s32 s3, s9;
	s9 =	sand.u32 $0x1FFFFFF0, s10;
	s14 =	sand.u32 $0x1FFFFFF0, s11;
	(v2sf) =	vpush v17, $0xA  }
0x225: {  	[tilespmem:s5], [sflag:$0x1] =	stream.linear.gather [hbm4b:s8+s1], $0x80, $0x38;
	[tilespmem:$0x10700] =	vst v63  }
0x226: {  	s10 =	simm.s32 $0x8A80;
	s17 =	spop (v2sf);
	s12 =	sadd.s32 s4, s9;
	(v2sf) =	vpush v16, $0xA  }
0x227: {  	[tilespmem:s29], [sflag:$0x2] =	stream.linear.gather [hbm4b:s12+s1], $0x80, $0x38;
	[tilespmem:$0x10700] =	vst v63  }
0x228: {  	s11 =	simm.s32 $0x8880;
	s18 =	sadd.s32 s3, s14;
	s6 =	sand.u32 $0x1FFFFFF0, s17  }
0x229: {  	[tilespmem:s31], [sflag:$0x1] =	stream.linear.gather [hbm4b:s18+s1], $0x80, $0x38;
	[tilespmem:$0x10700] =	vst v63  }
0x22a: {  	s23 =	simm.s32 $0x780;
	s6 =	sadd.s32 s4, s6;
	s21 =	spop (v2sf)  }
0x22b: {  	[tilespmem:s20], [sflag:$0x2] =	stream.linear.gather [hbm4b:s6+s1], $0x80, $0x38;
	[tilespmem:$0x10700] =	vst v63  }
0x22c: {  	s14 =	simm.s32 $0x900;
	(v2sf) =	vpush v17, $0xB;
	s8 =	sand.u32 $0x1FFFFFF0, s21;
	s22 =	spop (v2sf)  }
0x22d: {  	s5 =	simm.s32 $0x8980;
	s24 =	sadd.s32 s3, s8;
	s28 =	spop (v2sf)  }
0x22e: {  	(v2sf) =	vpush v16, $0xB;
	[tilespmem:s23], [sflag:$0x1] =	stream.linear.gather [hbm4b:s24+s1], $0x80, $0x38;
	[tilespmem:$0x10700] =	vst v63  }
0x22f: {  	s29 =	simm.s32 $0x800;
	s25 =	sand.u32 $0x1FFFFFF0, s22;
	s30 =	spop (v2sf)  }
0x230: {  	s8 =	sadd.s32 s4, s25;
	s7 =	sand.u32 $0x1FFFFFF0, s28;
	s31 =	spop (v2sf)  }
0x231: {  	(v2sf) =	vpush v17, $0xC;
	[tilespmem:s26], [sflag:$0x2] =	stream.linear.gather [hbm4b:s8+s1], $0x80, $0x38;
	[tilespmem:$0x10700] =	vst v63  }
0x232: {  	s7 =	sadd.s32 s3, s7;
	s8 =	sand.u32 $0x1FFFFFF0, s30;
	s12 =	spop (v2sf)  }
0x233: {  	(v2sf) =	vpush v16, $0xC;
	s9 =	sand.u32 $0x1FFFFFF0, s31;
	s26 =	simm.s32 $0x980;
	s17 =	spop (v2sf)  }
0x234: {  	[tilespmem:s29], [sflag:$0x1] =	stream.linear.gather [hbm4b:s7+s1], $0x80, $0x38;
	[tilespmem:$0x10700] =	vst v63  }
0x235: {  	s8 =	sadd.s32 s4, s8;
	s7 =	simm.s32 $0x8800;
	s18 =	spop (v2sf)  }
0x236: {  	[tilespmem:s7], [sflag:$0x2] =	stream.linear.gather [hbm4b:s8+s1], $0x80, $0x38;
	[tilespmem:$0x10700] =	vst v63  }
0x237: {  	s21 =	sand.u32 $0x1FFFFFF0, s18;
	s8 =	sadd.s32 s3, s9;
	s7 =	sand.u32 $0x1FFFFFF0, s12  }
0x238: {  	[tilespmem:s2], [sflag:$0x1] =	stream.linear.gather [hbm4b:s8+s1], $0x80, $0x38;
	[tilespmem:$0x10700] =	vst v63  }
0x239: {  	s23 =	sadd.s32 s4, s21;
	s7 =	sadd.s32 s4, s7;
	s8 =	sand.u32 $0x1FFFFFF0, s17  }
0x23a: {  	[tilespmem:s11], [sflag:$0x2] =	stream.linear.gather [hbm4b:s7+s1], $0x80, $0x38;
	[tilespmem:$0x10700] =	vst v63  }
0x23b: {  	s21 =	simm.s32 $0x310;
	s20 =	sadd.s32 s3, s8;
	s22 =	spop (v2sf)  }
0x23c: {  	[tilespmem:s14], [sflag:$0x1] =	stream.linear.gather [hbm4b:s20+s1], $0x80, $0x38;
	[tilespmem:$0x10700] =	vst v63  }
0x23d: {  	s20 =	simm.s32 $0x110;
	s24 =	sand.u32 $0x1FFFFFF0, s22;
	s25 =	spop (v2sf)  }
0x23e: {  	(v2sf) =	vpush v17, $0xD;
	[tilespmem:s0], [sflag:$0x2] =	stream.linear.gather [hbm4b:s23+s1], $0x80, $0x38;
	[tilespmem:$0x10700] =	vst v63  }
0x23f: {  	(v2sf) =	vpush v16, $0xD;
	s22 =	simm.s32 $0x8B00;
	s28 =	sadd.s32 s3, s24;
	s29 =	sand.u32 $0x1FFFFFF0, s25  }
0x240: {  	s24 =	simm.s32 $0xA00;
	(v2sf) =	vpush v17, $0xE;
	s23 =	simm.s32 $0xB00;
	s31 =	spop (v2sf)  }
0x241: {  	(v2sf) =	vpush v16, $0xE;
	[tilespmem:s26], [sflag:$0x1] =	stream.linear.gather [hbm4b:s28+s1], $0x80, $0x38;
	[tilespmem:$0x10700] =	vst v63  }
0x242: {  	s30 =	sadd.s32 s4, s29;
	(v2sf) =	vpush v17, $0xF;
	s0 =	sand.u32 $0x1FFFFFF0, s31;
	s2 =	spop (v2sf)  }
0x243: {  	(v2sf) =	vpush v16, $0xF;
	[tilespmem:s5], [sflag:$0x2] =	stream.linear.gather [hbm4b:s30+s1], $0x80, $0x38;
	[tilespmem:$0x10700] =	vst v63  }
.LBB2_6:
0x244: {  	_ =	sdelay $0x4  }
0x245: {  	s0 =	sadd.s32 s3, s0;
	s2 =	sand.u32 $0x1FFFFFF0, s2  }
0x246: {  	[tilespmem:s24], [sflag:$0x1] =	stream.linear.gather [hbm4b:s0+s1], $0x80, $0x38;
	[tilespmem:$0x10700] =	vst v63  }
0x247: {  	s25 =	sadd.s32 s4, s2  }
0x248: {  	[tilespmem:s19], [sflag:$0x2] =	stream.linear.gather [hbm4b:s25+s1], $0x80, $0x38;
	[tilespmem:$0x10700] =	vst v63  }
0x249: {  	s5 =	spop (v2sf)  }
0x24a: {  	s26 =	sand.u32 $0x1FFFFFF0, s5;
	s28 =	spop (v2sf)  }
0x24b: {  	s29 =	sadd.s32 s3, s26;
	s30 =	sand.u32 $0x1FFFFFF0, s28;
	s31 =	spop (v2sf)  }
0x24c: {  	[tilespmem:s13], [sflag:$0x1] =	stream.linear.gather [hbm4b:s29+s1], $0x80, $0x38;
	[tilespmem:$0x10700] =	vst v63  }
0x24d: {  	s2 =	sadd.s32 s4, s30;
	s5 =	sand.u32 $0x1FFFFFF0, s31;
	s6 =	spop (v2sf)  }
0x24e: {  	[tilespmem:s10], [sflag:$0x2] =	stream.linear.gather [hbm4b:s2+s1], $0x80, $0x38;
	[tilespmem:$0x10700] =	vst v63  }
0x24f: {  	s7 =	sadd.s32 s3, s5;
	s8 =	sand.u32 $0x1FFFFFF0, s6;
	s9 =	spop (v2sf)  }
0x250: {  	[tilespmem:s23], [sflag:$0x1] =	stream.linear.gather [hbm4b:s7+s1], $0x80, $0x38;
	[tilespmem:$0x10700] =	vst v63  }
0x251: {  	s10 =	sadd.s32 s4, s8;
	s11 =	sand.u32 $0x1FFFFFF0, s9;
	s12 =	spop (v2sf)  }
0x252: {  	[tilespmem:s22], [sflag:$0x2] =	stream.linear.gather [hbm4b:s10+s1], $0x80, $0x38;
	[tilespmem:$0x10700] =	vst v63  }
0x253: {  	s13 =	sadd.s32 $0xB80, s15;
	s2 =	sadd.s32 s3, s11;
	s5 =	sand.u32 $0x1FFFFFF0, s12  }
0x254: {  	[tilespmem:s13], [sflag:$0x1] =	stream.linear.gather [hbm4b:s2+s1], $0x80, $0x38;
	[tilespmem:$0x10700] =	vst v63  }
0x255: {  	s14 =	sadd.s32 $0x8B80, s15;
	s15 =	sadd.s32 s4, s5  }
0x256: {  	[tilespmem:s14], [sflag:$0x2] =	stream.linear.gather [hbm4b:s15+s1], $0x80, $0x38;
	[tilespmem:$0x10700] =	vst v63  }
0x257: {  	v16 =	vld [tilespmem:s20+$0x0]  }
0x258: {  	v18 =	vld [tilespmem:s21+$0x0];
	_ =	sdelay $0x3  }
0x259: {  	v17 =	vshll.u32 v16, $0x4  }
0x25a: {  	s17 =	smov.u32 s16;
	v16 =	vshll.u32 v18, $0x4;
	(v2sf) =	vpush v17, $0x0  }
0x25b: {  	s15 =	sshra.s32 s17, $0x2;
	(v2sf) =	vpush v16, $0x0  }
0x25c: {  	p0 =	sne.s32 s16, $0x1E000;
	s16 =	sadd.s32 $0x2000, s16;
	s26 =	sadd.s32 $0x8400, s15;
	(v2sf) =	vpush v17, $0x1  }
0x25d: {  	s0 =	sadd.s32 $0x680, s15;
	s18 =	sadd.s32 $0x880, s15;
	s29 =	sadd.s32 $0x400, s15  }
0x25e: {  	s11 =	sadd.s32 $0x600, s15;
	s19 =	sadd.s32 $0x8900, s15;
	s12 =	sadd.s32 $0x580, s15;
	(v2sf) =	vpush v16, $0x1  }
0x25f: {  	s14 =	sadd.s32 $0x8580, s15;
	s25 =	sadd.s32 $0x500, s15;
	s9 =	sadd.s32 $0x8600, s15  }
0x260: {  	s13 =	sadd.s32 $0xA80, s15;
	s28 =	sadd.s32 $0x8480, s15;
	s17 =	sadd.s32 $0x8500, s15;
	(v2sf) =	vpush v17, $0x2  }
0x261: {  	s10 =	sadd.s32 $0x8680, s15;
	s8 =	sadd.s32 $0x700, s15;
	[dreg:$0x16] =	wrdreg s0  }
0x262: {  	s22 =	sadd.s32 $0x8980, s15;
	s2 =	sadd.s32 $0x8A80, s15;
	[dreg:$0xa] =	wrdreg s18;
	(v2sf) =	vpush v16, $0x2  }
0x263: {  	s7 =	sadd.s32 $0x8700, s15;
	s23 =	sadd.s32 $0x8880, s15;
	[dreg:$0x6] =	wrdreg s19  }
0x264: {  	s24 =	sadd.s32 $0x900, s15;
	s6 =	sadd.s32 $0x780, s15;
	[dreg:$0x8] =	wrdreg s22;
	(v2sf) =	vpush v17, $0x3  }
0x265: {  	s30 =	sadd.s32 $0x8800, s15;
	s5 =	sadd.s32 $0x8780, s15;
	[dreg:$0xe] =	wrdreg s23  }
0x266: {  	s31 =	sadd.s32 $0x800, s15;
	s20 =	sadd.s32 $0x10, s20;
	[dreg:$0xc] =	wrdreg s24;
	(v2sf) =	vpush v16, $0x3  }
0x267: {  	s21 =	sadd.s32 $0x10, s21;
	s19 =	sadd.s32 $0x8A00, s15;
	[dreg:$0x12] =	wrdreg s30  }
0x268: {  	s24 =	sadd.s32 $0xA00, s15;
	s30 =	sadd.s32 $0x480, s15;
	[dreg:$0x14] =	wrdreg s31;
	(v2sf) =	vpush v17, $0x4  }
0x269: {  	s23 =	sadd.s32 $0xB00, s15;
	s18 =	sadd.s32 $0x980, s15;
	s31 =	spop (v2sf)  }
0x26a: {  	[dreg:$0x10] =	wrdreg s18;
	s31 =	sand.u32 $0x1FFFFFF0, s31;
	s18 =	spop (v2sf);
	(v2sf) =	vpush v16, $0x4  }
0x26b: {  	s31 =	sadd.s32 s3, s31;
	s18 =	sand.u32 $0x1FFFFFF0, s18;
	s0 =	spop (v2sf)  }
0x26c: {  	(v2sf) =	vpush v17, $0x5;
	[tilespmem:s29], [sflag:$0x1] =	stream.linear.gather [hbm4b:s31+s1], $0x80, $0x38;
	[tilespmem:$0x10700] =	vst v63  }
0x26d: {  	s18 =	sadd.s32 s4, s18;
	s0 =	sand.u32 $0x1FFFFFF0, s0;
	s31 =	spop (v2sf);
	(v2sf) =	vpush v16, $0x5  }
0x26e: {  	[tilespmem:s26], [sflag:$0x2] =	stream.linear.gather [hbm4b:s18+s1], $0x80, $0x38;
	[tilespmem:$0x10700] =	vst v63  }
0x26f: {  	s0 =	sadd.s32 s3, s0;
	s29 =	sand.u32 $0x1FFFFFF0, s31;
	s31 =	spop (v2sf);
	(v2sf) =	vpush v17, $0x6  }
0x270: {  	[tilespmem:s30], [sflag:$0x1] =	stream.linear.gather [hbm4b:s0+s1], $0x80, $0x38;
	[tilespmem:$0x10700] =	vst v63  }
0x271: {  	s29 =	sadd.s32 s4, s29;
	s30 =	sand.u32 $0x1FFFFFF0, s31;
	s31 =	spop (v2sf);
	(v2sf) =	vpush v16, $0x6  }
0x272: {  	[tilespmem:s28], [sflag:$0x2] =	stream.linear.gather [hbm4b:s29+s1], $0x80, $0x38;
	[tilespmem:$0x10700] =	vst v63  }
0x273: {  	s29 =	sadd.s32 s3, s30;
	s30 =	sand.u32 $0x1FFFFFF0, s31;
	s31 =	spop (v2sf)  }
0x274: {  	[tilespmem:s25], [sflag:$0x1] =	stream.linear.gather [hbm4b:s29+s1], $0x80, $0x38;
	[tilespmem:$0x10700] =	vst v63  }
0x275: {  	(v2sf) =	vpush v17, $0x7;
	s26 =	sand.u32 $0x1FFFFFF0, s31;
	s28 =	spop (v2sf);
	s25 =	sadd.s32 s4, s30  }
0x276: {  	(v2sf) =	vpush v16, $0x7;
	[tilespmem:s17], [sflag:$0x2] =	stream.linear.gather [hbm4b:s25+s1], $0x80, $0x38;
	[tilespmem:$0x10700] =	vst v63  }
0x277: {  	s29 =	sadd.s32 s3, s26;
	s30 =	sand.u32 $0x1FFFFFF0, s28;
	s31 =	spop (v2sf)  }
0x278: {  	(v2sf) =	vpush v17, $0x8;
	[tilespmem:s12], [sflag:$0x1] =	stream.linear.gather [hbm4b:s29+s1], $0x80, $0x38;
	[tilespmem:$0x10700] =	vst v63  }
0x279: {  	s26 =	sand.u32 $0x1FFFFFF0, s31;
	s25 =	sadd.s32 s4, s30;
	s28 =	spop (v2sf)  }
0x27a: {  	[tilespmem:s14], [sflag:$0x2] =	stream.linear.gather [hbm4b:s25+s1], $0x80, $0x38;
	[tilespmem:$0x10700] =	vst v63  }
0x27b: {  	s22 =	sadd.s32 $0x8B00, s15;
	s29 =	sadd.s32 s3, s26;
	s31 =	spop (v2sf)  }
0x27c: {  	(v2sf) =	vpush v16, $0x8;
	s30 =	sand.u32 $0x1FFFFFF0, s28;
	s28 =	rddreg [dreg:$0x16];
	s17 =	spop (v2sf)  }
0x27d: {  	[tilespmem:s11], [sflag:$0x1] =	stream.linear.gather [hbm4b:s29+s1], $0x80, $0x38;
	[tilespmem:$0x10700] =	vst v63  }
0x27e: {  	(v2sf) =	vpush v17, $0x9;
	s12 =	sadd.s32 s4, s30;
	s14 =	sand.u32 $0x1FFFFFF0, s31;
	s26 =	spop (v2sf)  }
0x27f: {  	(v2sf) =	vpush v16, $0x9;
	[tilespmem:s9], [sflag:$0x2] =	stream.linear.gather [hbm4b:s12+s1], $0x80, $0x38;
	[tilespmem:$0x10700] =	vst v63  }
0x280: {  	s18 =	sadd.s32 s3, s14;
	s25 =	sand.u32 $0x1FFFFFF0, s17;
	s31 =	spop (v2sf)  }
0x281: {  	[tilespmem:s28], [sflag:$0x1] =	stream.linear.gather [hbm4b:s18+s1], $0x80, $0x38;
	[tilespmem:$0x10700] =	vst v63  }
0x282: {  	s29 =	sadd.s32 s4, s25;
	s30 =	sand.u32 $0x1FFFFFF0, s26;
	s12 =	sand.u32 $0x1FFFFFF0, s31  }
0x283: {  	(v2sf) =	vpush v17, $0xA;
	[tilespmem:s10], [sflag:$0x2] =	stream.linear.gather [hbm4b:s29+s1], $0x80, $0x38;
	[tilespmem:$0x10700] =	vst v63  }
0x284: {  	s14 =	spop (v2sf);
	s17 =	sadd.s32 s4, s12;
	s10 =	sadd.s32 s3, s30  }
0x285: {  	(v2sf) =	vpush v16, $0xA;
	s18 =	sand.u32 $0x1FFFFFF0, s14;
	s25 =	spop (v2sf);
	s14 =	rddreg [dreg:$0x12]  }
0x286: {  	[tilespmem:s8], [sflag:$0x1] =	stream.linear.gather [hbm4b:s10+s1], $0x80, $0x38;
	[tilespmem:$0x10700] =	vst v63  }
0x287: {  	(v2sf) =	vpush v17, $0xB;
	s26 =	sadd.s32 s3, s18;
	s28 =	sand.u32 $0x1FFFFFF0, s25;
	s29 =	spop (v2sf)  }
0x288: {  	[tilespmem:s7], [sflag:$0x2] =	stream.linear.gather [hbm4b:s17+s1], $0x80, $0x38;
	[tilespmem:$0x10700] =	vst v63  }
0x289: {  	s10 =	smov.u32 s2;
	s30 =	sadd.s32 s4, s28;
	s8 =	rddreg [dreg:$0x14]  }
0x28a: {  	[tilespmem:s6], [sflag:$0x1] =	stream.linear.gather [hbm4b:s26+s1], $0x80, $0x38;
	[tilespmem:$0x10700] =	vst v63  }
0x28b: {  	(v2sf) =	vpush v16, $0xB;
	s31 =	sand.u32 $0x1FFFFFF0, s29;
	s2 =	spop (v2sf);
	s26 =	rddreg [dreg:$0xa]  }
0x28c: {  	(v2sf) =	vpush v17, $0xC;
	[tilespmem:s5], [sflag:$0x2] =	stream.linear.gather [hbm4b:s30+s1], $0x80, $0x38;
	[tilespmem:$0x10700] =	vst v63  }
0x28d: {  	s6 =	sand.u32 $0x1FFFFFF0, s2;
	s7 =	spop (v2sf);
	s5 =	sadd.s32 s3, s31  }
0x28e: {  	(v2sf) =	vpush v16, $0xC;
	s9 =	sadd.s32 s4, s6;
	s11 =	sand.u32 $0x1FFFFFF0, s7;
	s12 =	spop (v2sf)  }
0x28f: {  	[tilespmem:s8], [sflag:$0x1] =	stream.linear.gather [hbm4b:s5+s1], $0x80, $0x38;
	[tilespmem:$0x10700] =	vst v63  }
0x290: {  	s31 =	rddreg [dreg:$0xe];
	s17 =	sadd.s32 s3, s11;
	s18 =	sand.u32 $0x1FFFFFF0, s12  }
0x291: {  	[tilespmem:s14], [sflag:$0x2] =	stream.linear.gather [hbm4b:s9+s1], $0x80, $0x38;
	[tilespmem:$0x10700] =	vst v63  }
0x292: {  	s25 =	spop (v2sf);
	s11 =	rddreg [dreg:$0xc];
	s28 =	sadd.s32 s4, s18  }
0x293: {  	[tilespmem:s26], [sflag:$0x1] =	stream.linear.gather [hbm4b:s17+s1], $0x80, $0x38;
	[tilespmem:$0x10700] =	vst v63  }
0x294: {  	s29 =	sand.u32 $0x1FFFFFF0, s25;
	s18 =	rddreg [dreg:$0x6];
	s30 =	spop (v2sf)  }
0x295: {  	[tilespmem:s31], [sflag:$0x2] =	stream.linear.gather [hbm4b:s28+s1], $0x80, $0x38;
	[tilespmem:$0x10700] =	vst v63  }
0x296: {  	s7 =	sadd.s32 s3, s29;
	s8 =	sand.u32 $0x1FFFFFF0, s30;
	s9 =	spop (v2sf)  }
0x297: {  	[tilespmem:s11], [sflag:$0x1] =	stream.linear.gather [hbm4b:s7+s1], $0x80, $0x38;
	[tilespmem:$0x10700] =	vst v63  }
0x298: {  	s29 =	rddreg [dreg:$0x10];
	s12 =	sadd.s32 s4, s8;
	s14 =	sand.u32 $0x1FFFFFF0, s9  }
0x299: {  	(v2sf) =	vpush v17, $0xD;
	[tilespmem:s18], [sflag:$0x2] =	stream.linear.gather [hbm4b:s12+s1], $0x80, $0x38;
	[tilespmem:$0x10700] =	vst v63  }
.Ltmp2:
0x29a: {  	(v2sf) =	vpush v16, $0xD;
	s17 =	spop (v2sf);
	s25 =	sadd.s32 s3, s14;
	(pc) =	sbr.rel @p0 .LBB2_6-.Ltmp2, $4  }
0x29b: {  	(v2sf) =	vpush v17, $0xE;
	s26 =	sand.u32 $0x1FFFFFF0, s17;
	s28 =	spop (v2sf);
	s31 =	rddreg [dreg:$0x8]  }
0x29c: {  	(v2sf) =	vpush v16, $0xE;
	[tilespmem:s29], [sflag:$0x1] =	stream.linear.gather [hbm4b:s25+s1], $0x80, $0x38;
	[tilespmem:$0x10700] =	vst v63  }
0x29d: {  	(v2sf) =	vpush v17, $0xF;
	s30 =	sadd.s32 s4, s26;
	s0 =	sand.u32 $0x1FFFFFF0, s28;
	s2 =	spop (v2sf)  }
0x29e: {  	(v2sf) =	vpush v16, $0xF;
	[tilespmem:s31], [sflag:$0x2] =	stream.linear.gather [hbm4b:s30+s1], $0x80, $0x38;
	[tilespmem:$0x10700] =	vst v63  }
0x29f: {  	_ =	sdelay $0x4  }
0x2a0: {  	s0 =	sadd.s32 s3, s0;
	s2 =	sand.u32 $0x1FFFFFF0, s2  }
0x2a1: {  	[tilespmem:s24], [sflag:$0x1] =	stream.linear.gather [hbm4b:s0+s1], $0x80, $0x38;
	[tilespmem:$0x10700] =	vst v63  }
0x2a2: {  	s7 =	sadd.s32 s4, s2  }
0x2a3: {  	[tilespmem:s19], [sflag:$0x2] =	stream.linear.gather [hbm4b:s7+s1], $0x80, $0x38;
	[tilespmem:$0x10700] =	vst v63  }
0x2a4: {  	s5 =	spop (v2sf)  }
0x2a5: {  	s8 =	sand.u32 $0x1FFFFFF0, s5;
	s9 =	spop (v2sf)  }
0x2a6: {  	s11 =	sadd.s32 s3, s8;
	s12 =	sand.u32 $0x1FFFFFF0, s9;
	s14 =	spop (v2sf)  }
0x2a7: {  	[tilespmem:s13], [sflag:$0x1] =	stream.linear.gather [hbm4b:s11+s1], $0x80, $0x38;
	[tilespmem:$0x10700] =	vst v63  }
0x2a8: {  	s16 =	sadd.s32 s4, s12;
	s17 =	sand.u32 $0x1FFFFFF0, s14;
	s18 =	spop (v2sf)  }
0x2a9: {  	[tilespmem:s10], [sflag:$0x2] =	stream.linear.gather [hbm4b:s16+s1], $0x80, $0x38;
	[tilespmem:$0x10700] =	vst v63  }
0x2aa: {  	s19 =	sadd.s32 s3, s17;
	s20 =	sand.u32 $0x1FFFFFF0, s18;
	s21 =	spop (v2sf)  }
0x2ab: {  	[tilespmem:s23], [sflag:$0x1] =	stream.linear.gather [hbm4b:s19+s1], $0x80, $0x38;
	[tilespmem:$0x10700] =	vst v63  }
0x2ac: {  	s24 =	sand.u32 $0x1FFFFFF0, s21;
	s25 =	spop (v2sf);
	s23 =	sadd.s32 s4, s20  }
0x2ad: {  	[tilespmem:s22], [sflag:$0x2] =	stream.linear.gather [hbm4b:s23+s1], $0x80, $0x38;
	[tilespmem:$0x10700] =	vst v63  }
0x2ae: {  	s26 =	sadd.s32 $0xB80, s15;
	s2 =	sadd.s32 s3, s24;
	s5 =	sand.u32 $0x1FFFFFF0, s25  }
0x2af: {  	[tilespmem:s26], [sflag:$0x1] =	stream.linear.gather [hbm4b:s2+s1], $0x80, $0x38;
	[tilespmem:$0x10700] =	vst v63  }
0x2b0: {  	s28 =	sadd.s32 $0x8B80, s15;
	s30 =	simm.s32 $0x1;
	s29 =	sadd.s32 s4, s5  }
0x2b1: {  	[tilespmem:s28], [sflag:$0x2] =	stream.linear.gather [hbm4b:s29+s1], $0x80, $0x38;
	[tilespmem:$0x10700] =	vst v63  }
0x2b2: {  	_ =	swait.ge [sflag:s30], $0x8000  }
0x2b3: {  	[sflag:s30] =	ssyncset.done $0x0  }
0x2b4: {  	s31 =	simm.s32 $0x2;
	[sflag:s30] =	ssyncadd.s32 $0xFFFF8000  }
0x2b5: {  	_ =	swait.ge [sflag:s31], $0x8000  }
0x2b6: {  	[sflag:s31] =	ssyncset.done $0x0  }
0x2b7: {  	s16 =	simm.s32 $0x800;
	[sflag:s31] =	ssyncadd.s32 $0xFFFF8000  }
0x2b8: {  	s15 =	simm.s32 $0x8800;
	v16 =	vld [tilespmem:s16+$0xFFFFFC00]  }
0x2b9: {  	v17 =	vld [tilespmem:s15+$0xFFFFFC10]  }
0x2ba: {  	v18 =	vld [tilespmem:s16+$0xFFFFFC10]  }
0x2bb: {  	v19 =	vld [tilespmem:s15+$0xFFFFFC00];
	_ =	sdelay $0x4  }
0x2bc: {  	v17 =	vmul.f32 v17, v18;
	v16 =	vmul.f32 v19, v16;
	_ =	sdelay $0x1  }
0x2bd: {  	v16 =	vadd.f32 v17, v16  }
0x2be: {  	s5 =	simm.s32 $0x10400  }
0x2bf: {  	[tilespmem:v0+s5+$0x0] =	vst.idx.msk $0xffff, v16  }
0x2c0: {  	v16 =	vld [tilespmem:s15+$0xFFFFFC90]  }
0x2c1: {  	v17 =	vld [tilespmem:s16+$0xFFFFFC80]  }
0x2c2: {  	v18 =	vld [tilespmem:s16+$0xFFFFFC90]  }
0x2c3: {  	v19 =	vld [tilespmem:s15+$0xFFFFFC80];
	_ =	sdelay $0x4  }
0x2c4: {  	v16 =	vmul.f32 v16, v18;
	v17 =	vmul.f32 v19, v17;
	_ =	sdelay $0x1  }
0x2c5: {  	v16 =	vadd.f32 v16, v17;
	_ =	sdelay $0x1  }
0x2c6: {  	[tilespmem:v1+s5+$0x0] =	vst.idx.msk $0xffff, v16  }
0x2c7: {  	v16 =	vld [tilespmem:s16+$0xFFFFFD00]  }
0x2c8: {  	v17 =	vld [tilespmem:s15+$0xFFFFFD00]  }
0x2c9: {  	v18 =	vld [tilespmem:s16+$0xFFFFFD10]  }
0x2ca: {  	v19 =	vld [tilespmem:s15+$0xFFFFFD10];
	_ =	sdelay $0x4  }
0x2cb: {  	v16 =	vmul.f32 v17, v16;
	v17 =	vmul.f32 v19, v18;
	_ =	sdelay $0x1  }
0x2cc: {  	v16 =	vadd.f32 v17, v16;
	_ =	sdelay $0x1  }
0x2cd: {  	[tilespmem:v2+s5+$0x0] =	vst.idx.msk $0xffff, v16  }
0x2ce: {  	v16 =	vld [tilespmem:s16+$0xFFFFFD90]  }
0x2cf: {  	v17 =	vld [tilespmem:s15+$0xFFFFFD80]  }
0x2d0: {  	v18 =	vld [tilespmem:s16+$0xFFFFFD80]  }
0x2d1: {  	v19 =	vld [tilespmem:s15+$0xFFFFFD90];
	_ =	sdelay $0x4  }
0x2d2: {  	v17 =	vmul.f32 v17, v18;
	v16 =	vmul.f32 v19, v16;
	_ =	sdelay $0x1  }
0x2d3: {  	v16 =	vadd.f32 v16, v17;
	_ =	sdelay $0x1  }
0x2d4: {  	[tilespmem:v3+s5+$0x0] =	vst.idx.msk $0xffff, v16  }
0x2d5: {  	v16 =	vld [tilespmem:s15+$0xFFFFFE10]  }
0x2d6: {  	v17 =	vld [tilespmem:s15+$0xFFFFFE00]  }
0x2d7: {  	v18 =	vld [tilespmem:s16+$0xFFFFFE00]  }
0x2d8: {  	v19 =	vld [tilespmem:s16+$0xFFFFFE10];
	_ =	sdelay $0x4  }
0x2d9: {  	v17 =	vmul.f32 v17, v18;
	v16 =	vmul.f32 v16, v19;
	_ =	sdelay $0x1  }
0x2da: {  	v16 =	vadd.f32 v16, v17;
	_ =	sdelay $0x1  }
0x2db: {  	[tilespmem:v4+s5+$0x0] =	vst.idx.msk $0xffff, v16  }
0x2dc: {  	v16 =	vld [tilespmem:s15+$0xFFFFFE80]  }
0x2dd: {  	v17 =	vld [tilespmem:s15+$0xFFFFFE90]  }
0x2de: {  	v18 =	vld [tilespmem:s16+$0xFFFFFE80]  }
0x2df: {  	v19 =	vld [tilespmem:s16+$0xFFFFFE90];
	_ =	sdelay $0x4  }
0x2e0: {  	v16 =	vmul.f32 v16, v18;
	v17 =	vmul.f32 v17, v19;
	_ =	sdelay $0x1  }
0x2e1: {  	v16 =	vadd.f32 v17, v16;
	_ =	sdelay $0x1  }
0x2e2: {  	[tilespmem:v5+s5+$0x0] =	vst.idx.msk $0xffff, v16  }
0x2e3: {  	v16 =	vld [tilespmem:s15+$0xFFFFFF00]  }
0x2e4: {  	v17 =	vld [tilespmem:s15+$0xFFFFFF10]  }
0x2e5: {  	v18 =	vld [tilespmem:s16+$0xFFFFFF00]  }
0x2e6: {  	v19 =	vld [tilespmem:s16+$0xFFFFFF10];
	_ =	sdelay $0x4  }
0x2e7: {  	v16 =	vmul.f32 v16, v18;
	v17 =	vmul.f32 v17, v19;
	_ =	sdelay $0x1  }
0x2e8: {  	v16 =	vadd.f32 v17, v16;
	_ =	sdelay $0x1  }
0x2e9: {  	[tilespmem:v6+s5+$0x0] =	vst.idx.msk $0xffff, v16  }
0x2ea: {  	v16 =	vld [tilespmem:s16+$0xFFFFFF80]  }
0x2eb: {  	v17 =	vld [tilespmem:s15+$0xFFFFFF80]  }
0x2ec: {  	v18 =	vld [tilespmem:s15+$0xFFFFFF90]  }
0x2ed: {  	v19 =	vld [tilespmem:s16+$0xFFFFFF90];
	_ =	sdelay $0x4  }
0x2ee: {  	v16 =	vmul.f32 v17, v16;
	v17 =	vmul.f32 v18, v19;
	_ =	sdelay $0x1  }
0x2ef: {  	v16 =	vadd.f32 v17, v16;
	_ =	sdelay $0x1  }
0x2f0: {  	[tilespmem:v7+s5+$0x0] =	vst.idx.msk $0xffff, v16  }
0x2f1: {  	v16 =	vld [tilespmem:s15+$0x0]  }
0x2f2: {  	v17 =	vld [tilespmem:s15+$0x10]  }
0x2f3: {  	v18 =	vld [tilespmem:s16+$0x10]  }
0x2f4: {  	v19 =	vld [tilespmem:s16+$0x0];
	_ =	sdelay $0x4  }
0x2f5: {  	v17 =	vmul.f32 v17, v18;
	v16 =	vmul.f32 v16, v19;
	_ =	sdelay $0x1  }
0x2f6: {  	v16 =	vadd.f32 v17, v16;
	_ =	sdelay $0x1  }
0x2f7: {  	[tilespmem:v8+s5+$0x0] =	vst.idx.msk $0xffff, v16  }
0x2f8: {  	v16 =	vld [tilespmem:s15+$0x80]  }
0x2f9: {  	v17 =	vld [tilespmem:s15+$0x90]  }
0x2fa: {  	v18 =	vld [tilespmem:s16+$0x90]  }
0x2fb: {  	v19 =	vld [tilespmem:s16+$0x80];
	_ =	sdelay $0x4  }
0x2fc: {  	v17 =	vmul.f32 v17, v18;
	v16 =	vmul.f32 v16, v19;
	_ =	sdelay $0x1  }
0x2fd: {  	v16 =	vadd.f32 v17, v16;
	_ =	sdelay $0x1  }
0x2fe: {  	[tilespmem:v9+s5+$0x0] =	vst.idx.msk $0xffff, v16  }
0x2ff: {  	v16 =	vld [tilespmem:s15+$0x100]  }
0x300: {  	v17 =	vld [tilespmem:s16+$0x100]  }
0x301: {  	v18 =	vld [tilespmem:s16+$0x110]  }
0x302: {  	v19 =	vld [tilespmem:s15+$0x110];
	_ =	sdelay $0x4  }
0x303: {  	v16 =	vmul.f32 v16, v17;
	v17 =	vmul.f32 v19, v18;
	_ =	sdelay $0x1  }
0x304: {  	v16 =	vadd.f32 v17, v16;
	_ =	sdelay $0x1  }
0x305: {  	[tilespmem:v10+s5+$0x0] =	vst.idx.msk $0xffff, v16  }
0x306: {  	v16 =	vld [tilespmem:s16+$0x190]  }
0x307: {  	v17 =	vld [tilespmem:s15+$0x180]  }
0x308: {  	v18 =	vld [tilespmem:s16+$0x180]  }
0x309: {  	v19 =	vld [tilespmem:s15+$0x190];
	_ =	sdelay $0x4  }
0x30a: {  	v17 =	vmul.f32 v17, v18;
	v16 =	vmul.f32 v19, v16;
	_ =	sdelay $0x1  }
0x30b: {  	v16 =	vadd.f32 v16, v17;
	_ =	sdelay $0x1  }
0x30c: {  	[tilespmem:v11+s5+$0x0] =	vst.idx.msk $0xffff, v16  }
0x30d: {  	v16 =	vld [tilespmem:s15+$0x210]  }
0x30e: {  	v17 =	vld [tilespmem:s16+$0x200]  }
0x30f: {  	v18 =	vld [tilespmem:s15+$0x200]  }
0x310: {  	v19 =	vld [tilespmem:s16+$0x210];
	_ =	sdelay $0x4  }
0x311: {  	v17 =	vmul.f32 v18, v17;
	v16 =	vmul.f32 v16, v19;
	_ =	sdelay $0x1  }
0x312: {  	v16 =	vadd.f32 v16, v17;
	_ =	sdelay $0x1  }
0x313: {  	[tilespmem:v12+s5+$0x0] =	vst.idx.msk $0xffff, v16  }
0x314: {  	v16 =	vld [tilespmem:s15+$0x280]  }
0x315: {  	v17 =	vld [tilespmem:s15+$0x290]  }
0x316: {  	v18 =	vld [tilespmem:s16+$0x280]  }
0x317: {  	v19 =	vld [tilespmem:s16+$0x290];
	_ =	sdelay $0x4  }
0x318: {  	v16 =	vmul.f32 v16, v18;
	v17 =	vmul.f32 v17, v19;
	_ =	sdelay $0x1  }
0x319: {  	v16 =	vadd.f32 v17, v16;
	_ =	sdelay $0x1  }
0x31a: {  	[tilespmem:v13+s5+$0x0] =	vst.idx.msk $0xffff, v16  }
0x31b: {  	v16 =	vld [tilespmem:s16+$0x300]  }
0x31c: {  	v17 =	vld [tilespmem:s15+$0x300]  }
0x31d: {  	v18 =	vld [tilespmem:s15+$0x310]  }
0x31e: {  	v19 =	vld [tilespmem:s16+$0x310];
	_ =	sdelay $0x4  }
0x31f: {  	v16 =	vmul.f32 v17, v16;
	v17 =	vmul.f32 v18, v19;
	_ =	sdelay $0x1  }
0x320: {  	v16 =	vadd.f32 v17, v16;
	_ =	sdelay $0x1  }
0x321: {  	[tilespmem:v14+s5+$0x0] =	vst.idx.msk $0xffff, v16  }
0x322: {  	v16 =	vld [tilespmem:s16+$0x380]  }
0x323: {  	v17 =	vld [tilespmem:s15+$0x380]  }
0x324: {  	s17 =	simm.s32 $0x0;
	s18 =	simm.s32 $0x10;
	v18 =	vld [tilespmem:s16+$0x390]  }
.LBB2_8:
0x325: {  	p0 =	sne.s32 s18, $0xF0;
	v19 =	vld [tilespmem:s15+$0x390];
	s16 =	sadd.s32 $0x800, s16;
	s15 =	sadd.s32 $0x800, s15  }
0x326: {  	s0 =	smov.u32 s18;
	s18 =	sadd.s32 $0x10, s18;
	_ =	sdelay $0x1  }
0x327: {  	v16 =	vmul.f32 v17, v16;
	_ =	sdelay $0x1  }
0x328: {  	v17 =	vmul.f32 v19, v18;
	_ =	sdelay $0x1  }
0x329: {  	v16 =	vadd.f32 v17, v16;
	_ =	sdelay $0x1  }
0x32a: {  	[tilespmem:v15+s5+$0x0] =	vst.idx.msk $0xffff, v16  }
0x32b: {  	v16 =	vld [tilespmem:$0x10400]  }
0x32c: {  	v17 =	vld [tilespmem:$0x10410]  }
0x32d: {  	v18 =	vld [tilespmem:$0x10420]  }
0x32e: {  	v19 =	vld [tilespmem:$0x10430]  }
0x32f: {  	v20 =	vld [tilespmem:$0x10440]  }
0x330: {  	v21 =	vld [tilespmem:$0x10450]  }
0x331: {  	v16 =	vadd.f32 v17, v16;
	v17 =	vld [tilespmem:$0x10460]  }
0x332: {  	v22 =	vld [tilespmem:$0x10470]  }
0x333: {  	v16 =	vadd.f32 v18, v16;
	v18 =	vld [tilespmem:$0x10480]  }
0x334: {  	v23 =	vld [tilespmem:$0x10490]  }
0x335: {  	v16 =	vadd.f32 v19, v16;
	v19 =	vld [tilespmem:$0x104A0]  }
0x336: {  	v24 =	vld [tilespmem:$0x104B0]  }
0x337: {  	v16 =	vadd.f32 v20, v16;
	v20 =	vld [tilespmem:$0x104C0]  }
0x338: {  	v25 =	vld [tilespmem:$0x104D0]  }
0x339: {  	v16 =	vadd.f32 v21, v16;
	v21 =	vld [tilespmem:$0x104E0]  }
0x33a: {  	v26 =	vld [tilespmem:$0x104F0]  }
0x33b: {  	v16 =	vadd.f32 v17, v16;
	_ =	sdelay $0x1  }
0x33c: {  	v16 =	vadd.f32 v22, v16;
	_ =	sdelay $0x1  }
0x33d: {  	v16 =	vadd.f32 v18, v16;
	_ =	sdelay $0x1  }
0x33e: {  	v16 =	vadd.f32 v23, v16;
	_ =	sdelay $0x1  }
0x33f: {  	v16 =	vadd.f32 v19, v16;
	_ =	sdelay $0x1  }
0x340: {  	v16 =	vadd.f32 v24, v16;
	_ =	sdelay $0x1  }
0x341: {  	v16 =	vadd.f32 v20, v16;
	_ =	sdelay $0x1  }
0x342: {  	v16 =	vadd.f32 v25, v16;
	_ =	sdelay $0x1  }
0x343: {  	v16 =	vadd.f32 v21, v16;
	_ =	sdelay $0x1  }
0x344: {  	s2 =	sand.u32 $0xF0, s17;
	s17 =	smov.u32 s0;
	v16 =	vadd.f32 v26, v16;
	_ =	sdelay $0x1  }
0x345: {  	[tilespmem:s2+$0x10600] =	vst v16  }
0x346: {  	v16 =	vld [tilespmem:s16+$0xFFFFFC00]  }
0x347: {  	v17 =	vld [tilespmem:s15+$0xFFFFFC10]  }
0x348: {  	v18 =	vld [tilespmem:s16+$0xFFFFFC10]  }
0x349: {  	v19 =	vld [tilespmem:s15+$0xFFFFFC00];
	_ =	sdelay $0x3  }
0x34a: {  	v17 =	vmul.f32 v17, v18  }
0x34b: {  	v16 =	vmul.f32 v19, v16;
	_ =	sdelay $0x1  }
0x34c: {  	v16 =	vadd.f32 v17, v16;
	_ =	sdelay $0x1  }
0x34d: {  	[tilespmem:v0+s5+$0x0] =	vst.idx.msk $0xffff, v16  }
0x34e: {  	v16 =	vld [tilespmem:s15+$0xFFFFFC90]  }
0x34f: {  	v17 =	vld [tilespmem:s16+$0xFFFFFC80]  }
0x350: {  	v18 =	vld [tilespmem:s16+$0xFFFFFC90]  }
0x351: {  	v19 =	vld [tilespmem:s15+$0xFFFFFC80];
	_ =	sdelay $0x3  }
0x352: {  	v16 =	vmul.f32 v16, v18  }
0x353: {  	v17 =	vmul.f32 v19, v17;
	_ =	sdelay $0x1  }
0x354: {  	v16 =	vadd.f32 v16, v17;
	_ =	sdelay $0x1  }
0x355: {  	[tilespmem:v1+s5+$0x0] =	vst.idx.msk $0xffff, v16  }
0x356: {  	v16 =	vld [tilespmem:s16+$0xFFFFFD00]  }
0x357: {  	v17 =	vld [tilespmem:s15+$0xFFFFFD00]  }
0x358: {  	v18 =	vld [tilespmem:s16+$0xFFFFFD10]  }
0x359: {  	v19 =	vld [tilespmem:s15+$0xFFFFFD10];
	_ =	sdelay $0x2  }
0x35a: {  	v16 =	vmul.f32 v17, v16;
	_ =	sdelay $0x1  }
0x35b: {  	v17 =	vmul.f32 v19, v18;
	_ =	sdelay $0x1  }
0x35c: {  	v16 =	vadd.f32 v17, v16;
	_ =	sdelay $0x1  }
0x35d: {  	[tilespmem:v2+s5+$0x0] =	vst.idx.msk $0xffff, v16  }
0x35e: {  	v16 =	vld [tilespmem:s16+$0xFFFFFD90]  }
0x35f: {  	v17 =	vld [tilespmem:s15+$0xFFFFFD80]  }
0x360: {  	v18 =	vld [tilespmem:s16+$0xFFFFFD80]  }
0x361: {  	v19 =	vld [tilespmem:s15+$0xFFFFFD90];
	_ =	sdelay $0x3  }
0x362: {  	v17 =	vmul.f32 v17, v18  }
0x363: {  	v16 =	vmul.f32 v19, v16;
	_ =	sdelay $0x1  }
0x364: {  	v16 =	vadd.f32 v16, v17;
	_ =	sdelay $0x1  }
0x365: {  	[tilespmem:v3+s5+$0x0] =	vst.idx.msk $0xffff, v16  }
0x366: {  	v16 =	vld [tilespmem:s15+$0xFFFFFE10]  }
0x367: {  	v17 =	vld [tilespmem:s15+$0xFFFFFE00]  }
0x368: {  	v18 =	vld [tilespmem:s16+$0xFFFFFE00]  }
0x369: {  	v19 =	vld [tilespmem:s16+$0xFFFFFE10];
	_ =	sdelay $0x3  }
0x36a: {  	v17 =	vmul.f32 v17, v18  }
0x36b: {  	v16 =	vmul.f32 v16, v19;
	_ =	sdelay $0x1  }
0x36c: {  	v16 =	vadd.f32 v16, v17;
	_ =	sdelay $0x1  }
0x36d: {  	[tilespmem:v4+s5+$0x0] =	vst.idx.msk $0xffff, v16  }
0x36e: {  	v16 =	vld [tilespmem:s15+$0xFFFFFE80]  }
0x36f: {  	v17 =	vld [tilespmem:s15+$0xFFFFFE90]  }
0x370: {  	v18 =	vld [tilespmem:s16+$0xFFFFFE80]  }
0x371: {  	v19 =	vld [tilespmem:s16+$0xFFFFFE90];
	_ =	sdelay $0x3  }
0x372: {  	v16 =	vmul.f32 v16, v18  }
0x373: {  	v17 =	vmul.f32 v17, v19;
	_ =	sdelay $0x1  }
0x374: {  	v16 =	vadd.f32 v17, v16;
	_ =	sdelay $0x1  }
0x375: {  	[tilespmem:v5+s5+$0x0] =	vst.idx.msk $0xffff, v16  }
0x376: {  	v16 =	vld [tilespmem:s15+$0xFFFFFF00]  }
0x377: {  	v17 =	vld [tilespmem:s15+$0xFFFFFF10]  }
0x378: {  	v18 =	vld [tilespmem:s16+$0xFFFFFF00]  }
0x379: {  	v19 =	vld [tilespmem:s16+$0xFFFFFF10];
	_ =	sdelay $0x3  }
0x37a: {  	v16 =	vmul.f32 v16, v18  }
0x37b: {  	v17 =	vmul.f32 v17, v19;
	_ =	sdelay $0x1  }
0x37c: {  	v16 =	vadd.f32 v17, v16;
	_ =	sdelay $0x1  }
0x37d: {  	[tilespmem:v6+s5+$0x0] =	vst.idx.msk $0xffff, v16  }
0x37e: {  	v16 =	vld [tilespmem:s16+$0xFFFFFF80]  }
0x37f: {  	v17 =	vld [tilespmem:s15+$0xFFFFFF80]  }
0x380: {  	v18 =	vld [tilespmem:s15+$0xFFFFFF90]  }
0x381: {  	v19 =	vld [tilespmem:s16+$0xFFFFFF90];
	_ =	sdelay $0x2  }
0x382: {  	v16 =	vmul.f32 v17, v16;
	_ =	sdelay $0x1  }
0x383: {  	v17 =	vmul.f32 v18, v19;
	_ =	sdelay $0x1  }
0x384: {  	v16 =	vadd.f32 v17, v16;
	_ =	sdelay $0x1  }
0x385: {  	[tilespmem:v7+s5+$0x0] =	vst.idx.msk $0xffff, v16  }
0x386: {  	v16 =	vld [tilespmem:s15+$0x0]  }
0x387: {  	v17 =	vld [tilespmem:s15+$0x10]  }
0x388: {  	v18 =	vld [tilespmem:s16+$0x10]  }
0x389: {  	v19 =	vld [tilespmem:s16+$0x0];
	_ =	sdelay $0x3  }
0x38a: {  	v17 =	vmul.f32 v17, v18  }
0x38b: {  	v16 =	vmul.f32 v16, v19;
	_ =	sdelay $0x1  }
0x38c: {  	v16 =	vadd.f32 v17, v16;
	_ =	sdelay $0x1  }
0x38d: {  	[tilespmem:v8+s5+$0x0] =	vst.idx.msk $0xffff, v16  }
0x38e: {  	v16 =	vld [tilespmem:s15+$0x80]  }
0x38f: {  	v17 =	vld [tilespmem:s15+$0x90]  }
0x390: {  	v18 =	vld [tilespmem:s16+$0x90]  }
0x391: {  	v19 =	vld [tilespmem:s16+$0x80];
	_ =	sdelay $0x3  }
0x392: {  	v17 =	vmul.f32 v17, v18  }
0x393: {  	v16 =	vmul.f32 v16, v19;
	_ =	sdelay $0x1  }
0x394: {  	v16 =	vadd.f32 v17, v16;
	_ =	sdelay $0x1  }
0x395: {  	[tilespmem:v9+s5+$0x0] =	vst.idx.msk $0xffff, v16  }
0x396: {  	v16 =	vld [tilespmem:s15+$0x100]  }
0x397: {  	v17 =	vld [tilespmem:s16+$0x100]  }
0x398: {  	v18 =	vld [tilespmem:s16+$0x110]  }
0x399: {  	v19 =	vld [tilespmem:s15+$0x110];
	_ =	sdelay $0x2  }
0x39a: {  	v16 =	vmul.f32 v16, v17;
	_ =	sdelay $0x1  }
0x39b: {  	v17 =	vmul.f32 v19, v18;
	_ =	sdelay $0x1  }
0x39c: {  	v16 =	vadd.f32 v17, v16;
	_ =	sdelay $0x1  }
0x39d: {  	[tilespmem:v10+s5+$0x0] =	vst.idx.msk $0xffff, v16  }
0x39e: {  	v16 =	vld [tilespmem:s16+$0x190]  }
0x39f: {  	v17 =	vld [tilespmem:s15+$0x180]  }
0x3a0: {  	v18 =	vld [tilespmem:s16+$0x180]  }
0x3a1: {  	v19 =	vld [tilespmem:s15+$0x190];
	_ =	sdelay $0x3  }
0x3a2: {  	v17 =	vmul.f32 v17, v18  }
0x3a3: {  	v16 =	vmul.f32 v19, v16;
	_ =	sdelay $0x1  }
0x3a4: {  	v16 =	vadd.f32 v16, v17;
	_ =	sdelay $0x1  }
0x3a5: {  	[tilespmem:v11+s5+$0x0] =	vst.idx.msk $0xffff, v16  }
0x3a6: {  	v16 =	vld [tilespmem:s15+$0x210]  }
0x3a7: {  	v17 =	vld [tilespmem:s16+$0x200]  }
0x3a8: {  	v18 =	vld [tilespmem:s15+$0x200]  }
0x3a9: {  	v19 =	vld [tilespmem:s16+$0x210];
	_ =	sdelay $0x3  }
0x3aa: {  	v17 =	vmul.f32 v18, v17  }
0x3ab: {  	v16 =	vmul.f32 v16, v19;
	_ =	sdelay $0x1  }
0x3ac: {  	v16 =	vadd.f32 v16, v17;
	_ =	sdelay $0x1  }
0x3ad: {  	[tilespmem:v12+s5+$0x0] =	vst.idx.msk $0xffff, v16  }
0x3ae: {  	v16 =	vld [tilespmem:s15+$0x280]  }
0x3af: {  	v17 =	vld [tilespmem:s15+$0x290]  }
0x3b0: {  	v18 =	vld [tilespmem:s16+$0x280]  }
0x3b1: {  	v19 =	vld [tilespmem:s16+$0x290];
	_ =	sdelay $0x3  }
0x3b2: {  	v16 =	vmul.f32 v16, v18  }
0x3b3: {  	v17 =	vmul.f32 v17, v19;
	_ =	sdelay $0x1  }
0x3b4: {  	v16 =	vadd.f32 v17, v16;
	_ =	sdelay $0x1  }
0x3b5: {  	[tilespmem:v13+s5+$0x0] =	vst.idx.msk $0xffff, v16  }
0x3b6: {  	v16 =	vld [tilespmem:s16+$0x300]  }
0x3b7: {  	v17 =	vld [tilespmem:s15+$0x300]  }
0x3b8: {  	v18 =	vld [tilespmem:s15+$0x310]  }
0x3b9: {  	v19 =	vld [tilespmem:s16+$0x310];
	_ =	sdelay $0x2  }
0x3ba: {  	v16 =	vmul.f32 v17, v16;
	_ =	sdelay $0x1  }
0x3bb: {  	v17 =	vmul.f32 v18, v19;
	_ =	sdelay $0x1  }
0x3bc: {  	v16 =	vadd.f32 v17, v16  }
.Ltmp3:
0x3bd: {  	(pc) =	sbr.rel @p0 .LBB2_8-.Ltmp3, $4  }
0x3be: {  	[tilespmem:v14+s5+$0x0] =	vst.idx.msk $0xffff, v16  }
0x3bf: {  	v16 =	vld [tilespmem:s16+$0x380]  }
0x3c0: {  	v17 =	vld [tilespmem:s15+$0x380]  }
0x3c1: {  	v18 =	vld [tilespmem:s16+$0x390]  }
0x3c2: {  	v19 =	vld [tilespmem:s15+$0x390];
	_ =	sdelay $0x4  }
0x3c3: {  	v16 =	vmul.f32 v17, v16;
	v17 =	vmul.f32 v19, v18;
	_ =	sdelay $0x1  }
0x3c4: {  	v16 =	vadd.f32 v17, v16;
	_ =	sdelay $0x1  }
0x3c5: {  	[tilespmem:v15+s5+$0x0] =	vst.idx.msk $0xffff, v16  }
0x3c6: {  	v16 =	vld [tilespmem:$0x10400]  }
0x3c7: {  	v17 =	vld [tilespmem:$0x10410];
	_ =	sdelay $0x1  }
0x3c8: {  	v54 =	vld [tilespmem:$0x10420];
	_ =	sdelay $0x1  }
0x3c9: {  	v55 =	vld [tilespmem:$0x10430]  }
0x3ca: {  	v16 =	vadd.f32 v17, v16  }
0x3cb: {  	v17 =	vld [tilespmem:$0x10440]  }
0x3cc: {  	v16 =	vadd.f32 v54, v16  }
0x3cd: {  	v56 =	vld [tilespmem:$0x10450]  }
0x3ce: {  	v16 =	vadd.f32 v55, v16  }
0x3cf: {  	v57 =	vld [tilespmem:$0x10460]  }
0x3d0: {  	v16 =	vadd.f32 v17, v16  }
0x3d1: {  	v17 =	vld [tilespmem:$0x10470]  }
0x3d2: {  	v16 =	vadd.f32 v56, v16  }
0x3d3: {  	v58 =	vld [tilespmem:$0x10480]  }
0x3d4: {  	v16 =	vadd.f32 v57, v16  }
0x3d5: {  	v59 =	vld [tilespmem:$0x10490]  }
0x3d6: {  	v16 =	vadd.f32 v17, v16  }
0x3d7: {  	v17 =	vld [tilespmem:$0x104A0]  }
0x3d8: {  	v16 =	vadd.f32 v58, v16  }
0x3d9: {  	v60 =	vld [tilespmem:$0x104B0]  }
0x3da: {  	v16 =	vadd.f32 v59, v16  }
0x3db: {  	v61 =	vld [tilespmem:$0x104C0]  }
0x3dc: {  	v16 =	vadd.f32 v17, v16  }
0x3dd: {  	v17 =	vld [tilespmem:$0x104D0]  }
0x3de: {  	v16 =	vadd.f32 v60, v16  }
0x3df: {  	v62 =	vld [tilespmem:$0x104E0]  }
0x3e0: {  	v16 =	vadd.f32 v61, v16  }
0x3e1: {  	v63 =	vld [tilespmem:$0x104F0]  }
0x3e2: {  	v16 =	vadd.f32 v17, v16;
	_ =	sdelay $0x1  }
0x3e3: {  	v16 =	vadd.f32 v62, v16;
	_ =	sdelay $0x1  }
0x3e4: {  	v16 =	vadd.f32 v63, v16  }
0x3e5: {  	s0 =	sand.u32 $0xF0, s17  }
0x3e6: {  	s29 =	rddreg [dreg:$0x19];
	s2 =	simm.s32 $0x10500;
	s5 =	simm.s32 $0x3;
	[tilespmem:s0+$0x10600] =	vst v16  }
0x3e7: {  	[hbm4b:s29+s1] =	stream.linear.scatter [tilespmem:s2], [sflag:$0x3], $0x200, $0x38;
	[tilespmem:$0x10700] =	vst v63  }
0x3e8: {  	_ =	swait.ge [sflag:s5], $0x200  }
0x3e9: {  	s30 =	rddreg [dreg:$0x1b]  }
0x3ea: {  	s31 =	rddreg [dreg:$0x1a];
	s2 =	sadd.s32 $0x1, s30  }
0x3eb: {  	p0 =	sne.s32 s2, s31  }
.Ltmp4:
0x3ec: {  	_ = 	snop;
	(pc) =	sbr.rel @p0 .LBB2_1-.Ltmp4, $3  }
0x3ed: {  	_ =	sdelay $0x1  }
0x3ee: {  	[sflag:s5] =	ssyncset.done $0x0  }
0x3ef: {  	[sflag:s5] =	ssyncadd.s32 $0xFFFFFE00  }
0x3f0: {  	_ =	sfence.sel $0x180000  }
0x3f1: {  	[bflag:$0x0] =	sbarrier.arrive $0xFFFF  }
0x3f2: {  	_ =	strace $0x90000047  }
0x3f3: {  	s0 =	stileid.u32;
	[bflag:$0x2] =	sbarrier.arrive $0xFFFF  }
0x3f4: {  	p0 =	sne.s32 s0, $0x0;
	s0 =	rddreg [dreg:$0x4]  }
0x3f5: {  	s0 =	sadd.s32 @!p0 $0x100000, s0  }
0x3f6: {  	[sflag:s0] =	ssyncadd.tile.s32 @!p0 $0x1;
	_ =	shalt  }
.Lfunc_end2:
_tile_overlayer_lowered:
.L_overlay_start_2:
0x3f7: {  	(tag) =	ssettag $0x2  }
0x3f8: {  	s0 =	rddreg [dreg:$0x0];
	s2 =	stileid.u32  }
0x3f9: {  	s1 =	rddreg [dreg:$0x1];
	p0 =	sne.s32 s2, $0x0  }
0x3fa: {  	s3 =	rddreg [dreg:$0x2];
	[bflag:$0x3] =	sbarrier.arrive $0xFFFF;
	s2 =	simm.s32 @!p0 $0x1C03  }
0x3fb: {  	[timem:s3], [sflag:s2] =	dma.local @!p0 [hbm:s0], s1  }
0x3fc: {  	s0 =	simm.s32 @!p0 $0x3  }
0x3fd: {  	_ =	swait.ge @!p0 [sflag:s0], s1  }
0x3fe: {  	s1 =	ssub.s32 @!p0 $0x0, s1;
	[sflag:s0] =	ssyncset.done @!p0 $0x0  }
0x3ff: {  	[sflag:s0] =	ssyncadd.s32 @!p0 s1  }
0x400: {  	[bflag:$0x3] =	sbarrier.arrive $0xFFFF  }
0x401: {  	_ =	shalt  }

</sc_bundles>
